<compile_context>
chip_gen: v7x
topology: tpu7x:2x2x1
jax: 0.10.2.dev20260603
libtpu: 0.0.44.dev20260713+nightly
codegen_flags: <defaults>
</compile_context>

<pallas_src>
import functools

import jax
import jax.numpy as jnp
import numpy as np
from jax import lax
from jax.experimental import pallas as pl
from jax.experimental.pallas import tpu as pltpu
from jax.experimental.pallas import tpu_sc as plsc

jax.config.update("jax_enable_x64", True)

G = 32
P = 32
N = 512 * 512
NC = 2
NS = 16
L = 16
NW = NC * NS
CHUNK = N // NW
VECS = CHUNK // L
BINS = G * P


@functools.partial(
    pl.kernel,
    mesh=plsc.VectorSubcoreMesh(core_axis_name="c", subcore_axis_name="s"),
    out_type=jax.ShapeDtypeStruct((NC, 1, BINS), jnp.int32),
    compiler_params=pltpu.CompilerParams(needs_layout_passes=False),
    scratch_types=[
        pltpu.VMEM((CHUNK,), jnp.int32),
        pltpu.VMEM((CHUNK,), jnp.int32),
        pltpu.VMEM((L * BINS,), jnp.int32),
        pltpu.VMEM((1, BINS), jnp.int32),
        pltpu.VMEM((NS, 1, 128), jnp.int32),
        pltpu.VMEM((128,), jnp.int32),
        pltpu.VMEM_SHARED((NS, 1, BINS), jnp.int32),
    ],
)
def _confusion(gt_hbm, pred_hbm, out_hbm, gt_v, pred_v, hist_v, merged_v,
               all_v, final_v, shared):
    c = lax.axis_index("c")
    s = lax.axis_index("s")
    wid = s * np.int32(NC) + c
    base = pl.multiple_of(wid * np.int32(CHUNK), CHUNK)

    pltpu.sync_copy(gt_hbm.at[pl.ds(base, CHUNK)], gt_v)
    pltpu.sync_copy(pred_hbm.at[pl.ds(base, CHUNK)], pred_v)

    zeros = jnp.zeros((L,), jnp.int32)

    def zero_body(i, off):
        o = pl.multiple_of(off, 8 * L)
        for u in range(8):
            hist_v[pl.ds(o + u * L, L)] = zeros
        return off + np.int32(8 * L)

    lax.fori_loop(0, (L * BINS) // (8 * L), zero_body, jnp.int32(0))

    lane_off = lax.iota(jnp.int32, L) * np.int32(BINS)
    ones = jnp.ones((L,), jnp.int32)

    def count_body(i, off):
        o = pl.multiple_of(off, 8 * L)
        for u in range(8):
            g = gt_v[pl.ds(o + u * L, L)]
            p = pred_v[pl.ds(o + u * L, L)]
            key = g * np.int32(P) + p + lane_off
            plsc.addupdate_scatter(hist_v, [key], ones)
        return off + np.int32(8 * L)

    lax.fori_loop(0, VECS // 8, count_body, jnp.int32(0))

    def merge_body(i, off):
        o = pl.multiple_of(off, L)
        acc = hist_v[pl.ds(o, L)]
        for l in range(1, L):
            acc = acc + hist_v[pl.ds(o + l * BINS, L)]
        merged_v[0, pl.ds(o, L)] = acc
        return off + np.int32(L)

    lax.fori_loop(0, BINS // L, merge_body, jnp.int32(0))

    pltpu.sync_copy(merged_v, shared.at[s])
    plsc.subcore_barrier()

    @pl.when(s < np.int32(BINS // 128))
    def _finalize():
        col = pl.multiple_of(s * np.int32(128), 128)
        pltpu.sync_copy(shared.at[:, :, pl.ds(col, 128)], all_v)
        for q in range(128 // L):
            acc = all_v[0, 0, pl.ds(q * L, L)]
            for t in range(1, NS):
                acc = acc + all_v[t, 0, pl.ds(q * L, L)]
            final_v[pl.ds(q * L, L)] = acc
        pltpu.sync_copy(final_v, out_hbm.at[c, np.int32(0), pl.ds(col, 128)])


def _exact_div_limb(x, b, bsafe_f):
    q = (x.astype(jnp.float32) / bsafe_f).astype(jnp.int32)
    t = q * b
    q = jnp.where(t > x, q - np.int32(1), q)
    q = jnp.where(q * b + b <= x, q + np.int32(1), q)
    return q, x - q * b


def _greedy_body(parts_ref, out_ref, avg_ref):
    inter = parts_ref[0] + parts_ref[1]
    pred_sizes = jnp.sum(inter, axis=0, keepdims=True, dtype=jnp.int32)
    gt_sizes = jnp.sum(inter, axis=1, keepdims=True, dtype=jnp.int32)
    denom = gt_sizes + pred_sizes - inter
    vstat = inter + inter > gt_sizes
    bsafe_f = jnp.where(denom > np.int32(0), denom, np.int32(1)).astype(jnp.float32)
    l1, r1 = _exact_div_limb(inter << np.int32(12), denom, bsafe_f)
    l2, r2 = _exact_div_limb(r1 << np.int32(12), denom, bsafe_f)
    l3, _ = _exact_div_limb(r2 << np.int32(12), denom, bsafe_f)
    lane = lax.broadcasted_iota(jnp.int32, (1, P), 1)
    hi_m = jnp.where(vstat, (l1 << np.int32(12)) + l2, np.int32(-1))
    lo_m = jnp.where(vstat, (l3 << np.int32(5)) + (np.int32(P - 1) - lane),
                     np.int32(-1))

    cand = (lane >= np.int32(1)) & (pred_sizes > np.int32(0))
    seg_hi = jnp.full((1, P), np.int32(-1))
    seg_lo = jnp.full((1, P), np.int32(-1))
    for g in range(1, G):
        onehot = lane == np.int32(g - 1)
        hi = jnp.where(cand, hi_m[g:g + 1, :], np.int32(-1))
        best_hi = jnp.max(hi, axis=1, keepdims=True)
        m2 = cand & (hi == best_hi)
        lo = lo_m[g:g + 1, :]
        best_lo = jnp.max(jnp.where(m2, lo, np.int32(-1)),
                          axis=1, keepdims=True)
        m3 = m2 & (lo == best_lo)
        has_match = best_hi >= np.int32(0)
        seg_hi = jnp.where(onehot, best_hi, seg_hi)
        seg_lo = jnp.where(onehot, best_lo, seg_lo)
        cand = cand & ~(has_match & m3)
    kval = (seg_hi.astype(jnp.float32) * np.float32(4096.0)
            + (seg_lo >> np.int32(5)).astype(jnp.float32)) * np.float32(2.0 ** -36)
    seg = jnp.maximum(kval, np.float32(0.0))
    avg = jnp.sum(jnp.where(lane < np.int32(G - 1), seg, np.float32(0.0)),
                  axis=1, keepdims=True) / np.float32(G - 1)
    out_ref[...] = lax.squeeze(lax.slice(seg, (0, 0), (1, G - 1)), (0,))
    avg_ref[0] = avg[0, 0]


def kernel(pred_labels_mask, gt_labels_mask):
    pred = pred_labels_mask.reshape(-1).astype(jnp.int32)
    gt = gt_labels_mask.reshape(-1).astype(jnp.int32)
    parts = _confusion(gt, pred).reshape(NC, G, P)
    seg_arr, seg_avg1 = pl.pallas_call(
        _greedy_body,
        out_shape=[
            jax.ShapeDtypeStruct((G - 1,), jnp.float32),
            jax.ShapeDtypeStruct((1,), jnp.float32),
        ],
        out_specs=[
            pl.BlockSpec(memory_space=pltpu.MemorySpace.VMEM),
            pl.BlockSpec(memory_space=pltpu.MemorySpace.SMEM),
        ],
    )(parts)
    return (seg_avg1.reshape(()), seg_arr)

# --- scband reference (transcript-rebuilt; emitter-appended) ---
"""Pipeline reference for scband-segmeasure-27685359190287 (READ-ONLY COPY).

The authoritative reference and input builder live on the scoring server;
editing this copy changes nothing except your own understanding.
"""

import jax, jax.numpy as jnp
import numpy as np
jax.config.update("jax_enable_x64", True)


def setup_inputs(seed: int = 0) -> dict:
    key = jax.random.key(seed)
    k1, k2 = jax.random.split(key)
    pred_labels_mask = jax.random.randint(k1, (512, 512), 0, 32, dtype=jnp.int64)
    gt_labels_mask = jax.random.randint(k2, (512, 512), 0, 32, dtype=jnp.int64)
    return {"pred_labels_mask": pred_labels_mask, "gt_labels_mask": gt_labels_mask}


def reference(pred_labels_mask, gt_labels_mask):
    pred = pred_labels_mask.flatten()
    gt = gt_labels_mask.flatten()
    # Labels are drawn from [0, 32) in setup_inputs, giving a static bound.
    P = 32
    G = 32
    # Pairwise intersection counts between every gt label and every pred label.
    # Equivalent to the O(G*P*N) mask-AND loops in the torch module, but done
    # in one scatter-add (bincount) pass: SparseCore-friendly.
    inter = jnp.bincount(gt * P + pred, length=G * P).reshape(G, P)
    pred_sizes = inter.sum(axis=0)
    gt_sizes = inter.sum(axis=1)
    labels = jnp.arange(P)
    # candidate pred labels (exclude background 0 and absent labels),
    # matching torch.unique(...)[... != 0]
    cand = (labels >= 1) & (pred_sizes > 0)
    inter_f = inter.astype(jnp.float64)
    pred_f = pred_sizes.astype(jnp.float64)
    gt_f = gt_sizes.astype(jnp.float64)
    seg_vals = []
    for g in range(1, G):
        gt_size = gt_f[g]
        r_and_s = inter_f[g]
        denom = gt_size + pred_f - r_and_s
        safe_denom = jnp.where(denom > 0, denom, 1.0)
        j = jnp.where(denom > 0, r_and_s / safe_denom, 0.0)
        valid = cand & (r_and_s > 0.5 * gt_size)
        j_masked = jnp.where(valid, j, 0.0)
        max_j = jnp.max(j_masked)
        match = jnp.argmax(j_masked)
        has_match = max_j > 0.0
        # matched pred label is removed from the candidate pool,
        # mirroring pred_unique_labels = pred_unique_labels[... != match]
        cand = cand & ~(has_match & (labels == match))
        seg_vals.append(max_j.astype(jnp.float32))
    seg_arr = jnp.stack(seg_vals)
    seg_avg = seg_arr.mean()
    return (seg_avg, seg_arr)

if __name__ == "__main__":
    import jax
    _d = setup_inputs()
    print(jax.jit(kernel)(*tuple(_d.values())))

</pallas_src>

<mosaic_0001>
#map = affine_map<(d0, d1) -> (0)>
#map1 = affine_map<(d0, d1) -> (0, 0, 0)>
module attributes {stable_mosaic.version = 14 : i64} {
  func.func @_confusion(%arg0: i32, %arg1: i32, %arg2: memref<262144xi32, #tpu.memory_space<hbm>>, %arg3: memref<262144xi32, #tpu.memory_space<hbm>>, %arg4: memref<2x1x1024xi32, #tpu.memory_space<hbm>>, %arg5: memref<8192xi32, #tpu.memory_space<vmem>>, %arg6: memref<8192xi32, #tpu.memory_space<vmem>>, %arg7: memref<16384xi32, #tpu.memory_space<vmem>>, %arg8: memref<1x1024xi32, #tpu.memory_space<vmem>>, %arg9: memref<16x1x128xi32, #tpu.memory_space<vmem>>, %arg10: memref<128xi32, #tpu.memory_space<vmem>>, %arg11: memref<16x1x1024xi32, #tpu.memory_space<vmem_shared>>) attributes {dimension_semantics = [#tpu.dimension_semantics<core_parallel>, #tpu.dimension_semantics<subcore_parallel>], iteration_bounds = array<i64: 2, 16>, scalar_prefetch = 0 : i64, scratch_operands = 7 : i64, tpu.core_type = #tpu.core_type<sc_vector_subcore>, window_params = [{transform_indices = #map}, {transform_indices = #map}, {transform_indices = #map1}]} {
    %mul3A = arith.constant 2 : i32
    %mul3A_0 = arith.muli %arg1, %mul3A : i32
    %add3A = arith.addi %mul3A_0, %arg0 : i32
    %mul3A_1 = arith.constant 8192 : i32
    %mul3A_2 = arith.muli %add3A, %mul3A_1 : i32
    %multiple_of3A = tpu.assume_multiple %mul3A_2, 8192 : i32
    "tpu.region"() ({
      %run_scoped3A = tpu.sem_alloc : memref<!tpu.dma_semaphore, #tpu.memory_space<semaphore_mem>>
      %dma_start3A = tpu.memref_slice %arg2[%multiple_of3A] : memref<262144xi32, #tpu.memory_space<hbm>> -> memref<8192xi32, #tpu.memory_space<hbm>>
      %dma_start3A_31 = tpu.memref_slice %arg2[%multiple_of3A] : memref<262144xi32, #tpu.memory_space<hbm>> -> memref<8192xi32, #tpu.memory_space<hbm>>
      tpu.enqueue_dma source(%dma_start3A_31 : memref<8192xi32, #tpu.memory_space<hbm>>) target(%arg5 : memref<8192xi32, #tpu.memory_space<vmem>>) target_semaphore(%run_scoped3A : memref<!tpu.dma_semaphore, #tpu.memory_space<semaphore_mem>>)
      %dma_wait3A = tpu.memref_slice %arg2[%multiple_of3A] : memref<262144xi32, #tpu.memory_space<hbm>> -> memref<8192xi32, #tpu.memory_space<hbm>>
      %dma_wait3A_32 = tpu.memref_slice %arg2[%multiple_of3A] : memref<262144xi32, #tpu.memory_space<hbm>> -> memref<8192xi32, #tpu.memory_space<hbm>>
      tpu.wait_dma2 semaphore(%run_scoped3A : memref<!tpu.dma_semaphore, #tpu.memory_space<semaphore_mem>>) src(%dma_wait3A_32 : memref<8192xi32, #tpu.memory_space<hbm>>) dst(%arg5 : memref<8192xi32, #tpu.memory_space<vmem>>)
      tpu.yield
    }) : () -> ()
    "tpu.region"() ({
      %run_scoped3A = tpu.sem_alloc : memref<!tpu.dma_semaphore, #tpu.memory_space<semaphore_mem>>
      %dma_start3A = tpu.memref_slice %arg3[%multiple_of3A] : memref<262144xi32, #tpu.memory_space<hbm>> -> memref<8192xi32, #tpu.memory_space<hbm>>
      %dma_start3A_31 = tpu.memref_slice %arg3[%multiple_of3A] : memref<262144xi32, #tpu.memory_space<hbm>> -> memref<8192xi32, #tpu.memory_space<hbm>>
      tpu.enqueue_dma source(%dma_start3A_31 : memref<8192xi32, #tpu.memory_space<hbm>>) target(%arg6 : memref<8192xi32, #tpu.memory_space<vmem>>) target_semaphore(%run_scoped3A : memref<!tpu.dma_semaphore, #tpu.memory_space<semaphore_mem>>)
      %dma_wait3A = tpu.memref_slice %arg3[%multiple_of3A] : memref<262144xi32, #tpu.memory_space<hbm>> -> memref<8192xi32, #tpu.memory_space<hbm>>
      %dma_wait3A_32 = tpu.memref_slice %arg3[%multiple_of3A] : memref<262144xi32, #tpu.memory_space<hbm>> -> memref<8192xi32, #tpu.memory_space<hbm>>
      tpu.wait_dma2 semaphore(%run_scoped3A : memref<!tpu.dma_semaphore, #tpu.memory_space<semaphore_mem>>) src(%dma_wait3A_32 : memref<8192xi32, #tpu.memory_space<hbm>>) dst(%arg6 : memref<8192xi32, #tpu.memory_space<vmem>>)
      tpu.yield
    }) : () -> ()
    %broadcast_in_dim3A = arith.constant 0 : i32
    %broadcast_in_dim3A_3 = vector.broadcast %broadcast_in_dim3A : i32 to vector<16xi32>
    %scan3A = arith.constant 0 : i32
    %scan3A_4 = arith.constant 0 : i32
    %scan3A_5 = arith.constant 128 : i32
    %scan3A_6 = arith.addi %scan3A_4, %scan3A_5 : i32
    %scan3A_7 = arith.constant 1 : i32
    %scan3A_8 = scf.for %scan3A_31 = %scan3A_4 to %scan3A_6 step %scan3A_7 iter_args(%scan3A_32 = %scan3A) -> (i32)  : i32 {
      %multiple_of3A_33 = tpu.assume_multiple %scan3A_32, 128 : i32
      %add3A_34 = arith.constant 0 : i32
      %add3A_35 = arith.addi %multiple_of3A_33, %add3A_34 : i32
      %swap3A = arith.index_cast %add3A_35 : i32 to index
      %swap3A_36 = tpu.vector_load %arg7[%swap3A] {strides = array<i32>} : memref<16384xi32, #tpu.memory_space<vmem>>, vector<16xi32>,
      tpu.vector_store %arg7[%swap3A], %broadcast_in_dim3A_3 {strides = array<i32>} : memref<16384xi32, #tpu.memory_space<vmem>>, vector<16xi32>,
      %add3A_37 = arith.constant 16 : i32
      %add3A_38 = arith.addi %multiple_of3A_33, %add3A_37 : i32
      %swap3A_39 = arith.index_cast %add3A_38 : i32 to index
      %swap3A_40 = tpu.vector_load %arg7[%swap3A_39] {strides = array<i32>} : memref<16384xi32, #tpu.memory_space<vmem>>, vector<16xi32>,
      tpu.vector_store %arg7[%swap3A_39], %broadcast_in_dim3A_3 {strides = array<i32>} : memref<16384xi32, #tpu.memory_space<vmem>>, vector<16xi32>,
      %add3A_41 = arith.constant 32 : i32
      %add3A_42 = arith.addi %multiple_of3A_33, %add3A_41 : i32
      %swap3A_43 = arith.index_cast %add3A_42 : i32 to index
      %swap3A_44 = tpu.vector_load %arg7[%swap3A_43] {strides = array<i32>} : memref<16384xi32, #tpu.memory_space<vmem>>, vector<16xi32>,
      tpu.vector_store %arg7[%swap3A_43], %broadcast_in_dim3A_3 {strides = array<i32>} : memref<16384xi32, #tpu.memory_space<vmem>>, vector<16xi32>,
      %add3A_45 = arith.constant 48 : i32
      %add3A_46 = arith.addi %multiple_of3A_33, %add3A_45 : i32
      %swap3A_47 = arith.index_cast %add3A_46 : i32 to index
      %swap3A_48 = tpu.vector_load %arg7[%swap3A_47] {strides = array<i32>} : memref<16384xi32, #tpu.memory_space<vmem>>, vector<16xi32>,
      tpu.vector_store %arg7[%swap3A_47], %broadcast_in_dim3A_3 {strides = array<i32>} : memref<16384xi32, #tpu.memory_space<vmem>>, vector<16xi32>,
      %add3A_49 = arith.constant 64 : i32
      %add3A_50 = arith.addi %multiple_of3A_33, %add3A_49 : i32
      %swap3A_51 = arith.index_cast %add3A_50 : i32 to index
      %swap3A_52 = tpu.vector_load %arg7[%swap3A_51] {strides = array<i32>} : memref<16384xi32, #tpu.memory_space<vmem>>, vector<16xi32>,
      tpu.vector_store %arg7[%swap3A_51], %broadcast_in_dim3A_3 {strides = array<i32>} : memref<16384xi32, #tpu.memory_space<vmem>>, vector<16xi32>,
      %add3A_53 = arith.constant 80 : i32
      %add3A_54 = arith.addi %multiple_of3A_33, %add3A_53 : i32
      %swap3A_55 = arith.index_cast %add3A_54 : i32 to index
      %swap3A_56 = tpu.vector_load %arg7[%swap3A_55] {strides = array<i32>} : memref<16384xi32, #tpu.memory_space<vmem>>, vector<16xi32>,
      tpu.vector_store %arg7[%swap3A_55], %broadcast_in_dim3A_3 {strides = array<i32>} : memref<16384xi32, #tpu.memory_space<vmem>>, vector<16xi32>,
      %add3A_57 = arith.constant 96 : i32
      %add3A_58 = arith.addi %multiple_of3A_33, %add3A_57 : i32
      %swap3A_59 = arith.index_cast %add3A_58 : i32 to index
      %swap3A_60 = tpu.vector_load %arg7[%swap3A_59] {strides = array<i32>} : memref<16384xi32, #tpu.memory_space<vmem>>, vector<16xi32>,
      tpu.vector_store %arg7[%swap3A_59], %broadcast_in_dim3A_3 {strides = array<i32>} : memref<16384xi32, #tpu.memory_space<vmem>>, vector<16xi32>,
      %add3A_61 = arith.constant 112 : i32
      %add3A_62 = arith.addi %multiple_of3A_33, %add3A_61 : i32
      %swap3A_63 = arith.index_cast %add3A_62 : i32 to index
      %swap3A_64 = tpu.vector_load %arg7[%swap3A_63] {strides = array<i32>} : memref<16384xi32, #tpu.memory_space<vmem>>, vector<16xi32>,
      tpu.vector_store %arg7[%swap3A_63], %broadcast_in_dim3A_3 {strides = array<i32>} : memref<16384xi32, #tpu.memory_space<vmem>>, vector<16xi32>,
      %add3A_65 = arith.constant 128 : i32
      %add3A_66 = arith.addi %scan3A_32, %add3A_65 : i32
      scf.yield %add3A_66 : i32
    }
    %scan3A_9 = arith.constant 128 : i32
    %iota3A = tpu.iota {dimensions = array<i32: 0>} : vector<16xi32>
    %mul3A_10 = arith.constant 1024 : i32
    %mul3A_11 = vector.broadcast %mul3A_10 : i32 to vector<16xi32>
    %mul3A_12 = arith.muli %iota3A, %mul3A_11 : vector<16xi32>
    %broadcast_in_dim3A_13 = arith.constant 1 : i32
    %broadcast_in_dim3A_14 = vector.broadcast %broadcast_in_dim3A_13 : i32 to vector<16xi32>
    %scan3A_15 = arith.constant 0 : i32
    %scan3A_16 = arith.constant 0 : i32
    %scan3A_17 = arith.constant 64 : i32
    %scan3A_18 = arith.addi %scan3A_16, %scan3A_17 : i32
    %scan3A_19 = arith.constant 1 : i32
    %scan3A_20 = scf.for %scan3A_31 = %scan3A_16 to %scan3A_18 step %scan3A_19 iter_args(%scan3A_32 = %scan3A_15) -> (i32)  : i32 {
      %multiple_of3A_33 = tpu.assume_multiple %scan3A_32, 128 : i32
      %add3A_34 = arith.constant 0 : i32
      %add3A_35 = arith.addi %multiple_of3A_33, %add3A_34 : i32
      %get3A = arith.index_cast %add3A_35 : i32 to index
      %get3A_36 = tpu.vector_load %arg5[%get3A] {strides = array<i32>} : memref<8192xi32, #tpu.memory_space<vmem>>, vector<16xi32>,
      %add3A_37 = arith.constant 0 : i32
      %add3A_38 = arith.addi %multiple_of3A_33, %add3A_37 : i32
      %get3A_39 = arith.index_cast %add3A_38 : i32 to index
      %get3A_40 = tpu.vector_load %arg6[%get3A_39] {strides = array<i32>} : memref<8192xi32, #tpu.memory_space<vmem>>, vector<16xi32>,
      %mul3A_41 = arith.constant 32 : i32
      %mul3A_42 = vector.broadcast %mul3A_41 : i32 to vector<16xi32>
      %mul3A_43 = arith.muli %get3A_36, %mul3A_42 : vector<16xi32>
      %add3A_44 = arith.addi %mul3A_43, %get3A_40 : vector<16xi32>
      %add3A_45 = arith.addi %add3A_44, %mul3A_12 : vector<16xi32>
      tpu.vector_store_idx %arg7[%add3A_45], %broadcast_in_dim3A_14 {add = true} : memref<16384xi32, #tpu.memory_space<vmem>>[vector<16xi32>], vector<16xi32>,
      %add3A_46 = arith.constant 16 : i32
      %add3A_47 = arith.addi %multiple_of3A_33, %add3A_46 : i32
      %get3A_48 = arith.index_cast %add3A_47 : i32 to index
      %get3A_49 = tpu.vector_load %arg5[%get3A_48] {strides = array<i32>} : memref<8192xi32, #tpu.memory_space<vmem>>, vector<16xi32>,
      %add3A_50 = arith.constant 16 : i32
      %add3A_51 = arith.addi %multiple_of3A_33, %add3A_50 : i32
      %get3A_52 = arith.index_cast %add3A_51 : i32 to index
      %get3A_53 = tpu.vector_load %arg6[%get3A_52] {strides = array<i32>} : memref<8192xi32, #tpu.memory_space<vmem>>, vector<16xi32>,
      %mul3A_54 = arith.constant 32 : i32
      %mul3A_55 = vector.broadcast %mul3A_54 : i32 to vector<16xi32>
      %mul3A_56 = arith.muli %get3A_49, %mul3A_55 : vector<16xi32>
      %add3A_57 = arith.addi %mul3A_56, %get3A_53 : vector<16xi32>
      %add3A_58 = arith.addi %add3A_57, %mul3A_12 : vector<16xi32>
      tpu.vector_store_idx %arg7[%add3A_58], %broadcast_in_dim3A_14 {add = true} : memref<16384xi32, #tpu.memory_space<vmem>>[vector<16xi32>], vector<16xi32>,
      %add3A_59 = arith.constant 32 : i32
      %add3A_60 = arith.addi %multiple_of3A_33, %add3A_59 : i32
      %get3A_61 = arith.index_cast %add3A_60 : i32 to index
      %get3A_62 = tpu.vector_load %arg5[%get3A_61] {strides = array<i32>} : memref<8192xi32, #tpu.memory_space<vmem>>, vector<16xi32>,
      %add3A_63 = arith.constant 32 : i32
      %add3A_64 = arith.addi %multiple_of3A_33, %add3A_63 : i32
      %get3A_65 = arith.index_cast %add3A_64 : i32 to index
      %get3A_66 = tpu.vector_load %arg6[%get3A_65] {strides = array<i32>} : memref<8192xi32, #tpu.memory_space<vmem>>, vector<16xi32>,
      %mul3A_67 = arith.constant 32 : i32
      %mul3A_68 = vector.broadcast %mul3A_67 : i32 to vector<16xi32>
      %mul3A_69 = arith.muli %get3A_62, %mul3A_68 : vector<16xi32>
      %add3A_70 = arith.addi %mul3A_69, %get3A_66 : vector<16xi32>
      %add3A_71 = arith.addi %add3A_70, %mul3A_12 : vector<16xi32>
      tpu.vector_store_idx %arg7[%add3A_71], %broadcast_in_dim3A_14 {add = true} : memref<16384xi32, #tpu.memory_space<vmem>>[vector<16xi32>], vector<16xi32>,
      %add3A_72 = arith.constant 48 : i32
      %add3A_73 = arith.addi %multiple_of3A_33, %add3A_72 : i32
      %get3A_74 = arith.index_cast %add3A_73 : i32 to index
      %get3A_75 = tpu.vector_load %arg5[%get3A_74] {strides = array<i32>} : memref<8192xi32, #tpu.memory_space<vmem>>, vector<16xi32>,
      %add3A_76 = arith.constant 48 : i32
      %add3A_77 = arith.addi %multiple_of3A_33, %add3A_76 : i32
      %get3A_78 = arith.index_cast %add3A_77 : i32 to index
      %get3A_79 = tpu.vector_load %arg6[%get3A_78] {strides = array<i32>} : memref<8192xi32, #tpu.memory_space<vmem>>, vector<16xi32>,
      %mul3A_80 = arith.constant 32 : i32
      %mul3A_81 = vector.broadcast %mul3A_80 : i32 to vector<16xi32>
      %mul3A_82 = arith.muli %get3A_75, %mul3A_81 : vector<16xi32>
      %add3A_83 = arith.addi %mul3A_82, %get3A_79 : vector<16xi32>
      %add3A_84 = arith.addi %add3A_83, %mul3A_12 : vector<16xi32>
      tpu.vector_store_idx %arg7[%add3A_84], %broadcast_in_dim3A_14 {add = true} : memref<16384xi32, #tpu.memory_space<vmem>>[vector<16xi32>], vector<16xi32>,
      %add3A_85 = arith.constant 64 : i32
      %add3A_86 = arith.addi %multiple_of3A_33, %add3A_85 : i32
      %get3A_87 = arith.index_cast %add3A_86 : i32 to index
      %get3A_88 = tpu.vector_load %arg5[%get3A_87] {strides = array<i32>} : memref<8192xi32, #tpu.memory_space<vmem>>, vector<16xi32>,
      %add3A_89 = arith.constant 64 : i32
      %add3A_90 = arith.addi %multiple_of3A_33, %add3A_89 : i32
      %get3A_91 = arith.index_cast %add3A_90 : i32 to index
      %get3A_92 = tpu.vector_load %arg6[%get3A_91] {strides = array<i32>} : memref<8192xi32, #tpu.memory_space<vmem>>, vector<16xi32>,
      %mul3A_93 = arith.constant 32 : i32
      %mul3A_94 = vector.broadcast %mul3A_93 : i32 to vector<16xi32>
      %mul3A_95 = arith.muli %get3A_88, %mul3A_94 : vector<16xi32>
      %add3A_96 = arith.addi %mul3A_95, %get3A_92 : vector<16xi32>
      %add3A_97 = arith.addi %add3A_96, %mul3A_12 : vector<16xi32>
      tpu.vector_store_idx %arg7[%add3A_97], %broadcast_in_dim3A_14 {add = true} : memref<16384xi32, #tpu.memory_space<vmem>>[vector<16xi32>], vector<16xi32>,
      %add3A_98 = arith.constant 80 : i32
      %add3A_99 = arith.addi %multiple_of3A_33, %add3A_98 : i32
      %get3A_100 = arith.index_cast %add3A_99 : i32 to index
      %get3A_101 = tpu.vector_load %arg5[%get3A_100] {strides = array<i32>} : memref<8192xi32, #tpu.memory_space<vmem>>, vector<16xi32>,
      %add3A_102 = arith.constant 80 : i32
      %add3A_103 = arith.addi %multiple_of3A_33, %add3A_102 : i32
      %get3A_104 = arith.index_cast %add3A_103 : i32 to index
      %get3A_105 = tpu.vector_load %arg6[%get3A_104] {strides = array<i32>} : memref<8192xi32, #tpu.memory_space<vmem>>, vector<16xi32>,
      %mul3A_106 = arith.constant 32 : i32
      %mul3A_107 = vector.broadcast %mul3A_106 : i32 to vector<16xi32>
      %mul3A_108 = arith.muli %get3A_101, %mul3A_107 : vector<16xi32>
      %add3A_109 = arith.addi %mul3A_108, %get3A_105 : vector<16xi32>
      %add3A_110 = arith.addi %add3A_109, %mul3A_12 : vector<16xi32>
      tpu.vector_store_idx %arg7[%add3A_110], %broadcast_in_dim3A_14 {add = true} : memref<16384xi32, #tpu.memory_space<vmem>>[vector<16xi32>], vector<16xi32>,
      %add3A_111 = arith.constant 96 : i32
      %add3A_112 = arith.addi %multiple_of3A_33, %add3A_111 : i32
      %get3A_113 = arith.index_cast %add3A_112 : i32 to index
      %get3A_114 = tpu.vector_load %arg5[%get3A_113] {strides = array<i32>} : memref<8192xi32, #tpu.memory_space<vmem>>, vector<16xi32>,
      %add3A_115 = arith.constant 96 : i32
      %add3A_116 = arith.addi %multiple_of3A_33, %add3A_115 : i32
      %get3A_117 = arith.index_cast %add3A_116 : i32 to index
      %get3A_118 = tpu.vector_load %arg6[%get3A_117] {strides = array<i32>} : memref<8192xi32, #tpu.memory_space<vmem>>, vector<16xi32>,
      %mul3A_119 = arith.constant 32 : i32
      %mul3A_120 = vector.broadcast %mul3A_119 : i32 to vector<16xi32>
      %mul3A_121 = arith.muli %get3A_114, %mul3A_120 : vector<16xi32>
      %add3A_122 = arith.addi %mul3A_121, %get3A_118 : vector<16xi32>
      %add3A_123 = arith.addi %add3A_122, %mul3A_12 : vector<16xi32>
      tpu.vector_store_idx %arg7[%add3A_123], %broadcast_in_dim3A_14 {add = true} : memref<16384xi32, #tpu.memory_space<vmem>>[vector<16xi32>], vector<16xi32>,
      %add3A_124 = arith.constant 112 : i32
      %add3A_125 = arith.addi %multiple_of3A_33, %add3A_124 : i32
      %get3A_126 = arith.index_cast %add3A_125 : i32 to index
      %get3A_127 = tpu.vector_load %arg5[%get3A_126] {strides = array<i32>} : memref<8192xi32, #tpu.memory_space<vmem>>, vector<16xi32>,
      %add3A_128 = arith.constant 112 : i32
      %add3A_129 = arith.addi %multiple_of3A_33, %add3A_128 : i32
      %get3A_130 = arith.index_cast %add3A_129 : i32 to index
      %get3A_131 = tpu.vector_load %arg6[%get3A_130] {strides = array<i32>} : memref<8192xi32, #tpu.memory_space<vmem>>, vector<16xi32>,
      %mul3A_132 = arith.constant 32 : i32
      %mul3A_133 = vector.broadcast %mul3A_132 : i32 to vector<16xi32>
      %mul3A_134 = arith.muli %get3A_127, %mul3A_133 : vector<16xi32>
      %add3A_135 = arith.addi %mul3A_134, %get3A_131 : vector<16xi32>
      %add3A_136 = arith.addi %add3A_135, %mul3A_12 : vector<16xi32>
      tpu.vector_store_idx %arg7[%add3A_136], %broadcast_in_dim3A_14 {add = true} : memref<16384xi32, #tpu.memory_space<vmem>>[vector<16xi32>], vector<16xi32>,
      %add3A_137 = arith.constant 128 : i32
      %add3A_138 = arith.addi %scan3A_32, %add3A_137 : i32
      scf.yield %add3A_138 : i32
    }
    %scan3A_21 = arith.constant 64 : i32
    %scan3A_22 = arith.constant 0 : i32
    %scan3A_23 = arith.constant 0 : i32
    %scan3A_24 = arith.constant 64 : i32
    %scan3A_25 = arith.addi %scan3A_23, %scan3A_24 : i32
    %scan3A_26 = arith.constant 1 : i32
    %scan3A_27 = scf.for %scan3A_31 = %scan3A_23 to %scan3A_25 step %scan3A_26 iter_args(%scan3A_32 = %scan3A_22) -> (i32)  : i32 {
      %multiple_of3A_33 = tpu.assume_multiple %scan3A_32, 16 : i32
      %get3A = arith.index_cast %multiple_of3A_33 : i32 to index
      %get3A_34 = tpu.vector_load %arg7[%get3A] {strides = array<i32>} : memref<16384xi32, #tpu.memory_space<vmem>>, vector<16xi32>,
      %add3A_35 = arith.constant 1024 : i32
      %add3A_36 = arith.addi %multiple_of3A_33, %add3A_35 : i32
      %get3A_37 = arith.index_cast %add3A_36 : i32 to index
      %get3A_38 = tpu.vector_load %arg7[%get3A_37] {strides = array<i32>} : memref<16384xi32, #tpu.memory_space<vmem>>, vector<16xi32>,
      %add3A_39 = arith.addi %get3A_34, %get3A_38 : vector<16xi32>
      %add3A_40 = arith.constant 2048 : i32
      %add3A_41 = arith.addi %multiple_of3A_33, %add3A_40 : i32
      %get3A_42 = arith.index_cast %add3A_41 : i32 to index
      %get3A_43 = tpu.vector_load %arg7[%get3A_42] {strides = array<i32>} : memref<16384xi32, #tpu.memory_space<vmem>>, vector<16xi32>,
      %add3A_44 = arith.addi %add3A_39, %get3A_43 : vector<16xi32>
      %add3A_45 = arith.constant 3072 : i32
      %add3A_46 = arith.addi %multiple_of3A_33, %add3A_45 : i32
      %get3A_47 = arith.index_cast %add3A_46 : i32 to index
      %get3A_48 = tpu.vector_load %arg7[%get3A_47] {strides = array<i32>} : memref<16384xi32, #tpu.memory_space<vmem>>, vector<16xi32>,
      %add3A_49 = arith.addi %add3A_44, %get3A_48 : vector<16xi32>
      %add3A_50 = arith.constant 4096 : i32
      %add3A_51 = arith.addi %multiple_of3A_33, %add3A_50 : i32
      %get3A_52 = arith.index_cast %add3A_51 : i32 to index
      %get3A_53 = tpu.vector_load %arg7[%get3A_52] {strides = array<i32>} : memref<16384xi32, #tpu.memory_space<vmem>>, vector<16xi32>,
      %add3A_54 = arith.addi %add3A_49, %get3A_53 : vector<16xi32>
      %add3A_55 = arith.constant 5120 : i32
      %add3A_56 = arith.addi %multiple_of3A_33, %add3A_55 : i32
      %get3A_57 = arith.index_cast %add3A_56 : i32 to index
      %get3A_58 = tpu.vector_load %arg7[%get3A_57] {strides = array<i32>} : memref<16384xi32, #tpu.memory_space<vmem>>, vector<16xi32>,
      %add3A_59 = arith.addi %add3A_54, %get3A_58 : vector<16xi32>
      %add3A_60 = arith.constant 6144 : i32
      %add3A_61 = arith.addi %multiple_of3A_33, %add3A_60 : i32
      %get3A_62 = arith.index_cast %add3A_61 : i32 to index
      %get3A_63 = tpu.vector_load %arg7[%get3A_62] {strides = array<i32>} : memref<16384xi32, #tpu.memory_space<vmem>>, vector<16xi32>,
      %add3A_64 = arith.addi %add3A_59, %get3A_63 : vector<16xi32>
      %add3A_65 = arith.constant 7168 : i32
      %add3A_66 = arith.addi %multiple_of3A_33, %add3A_65 : i32
      %get3A_67 = arith.index_cast %add3A_66 : i32 to index
      %get3A_68 = tpu.vector_load %arg7[%get3A_67] {strides = array<i32>} : memref<16384xi32, #tpu.memory_space<vmem>>, vector<16xi32>,
      %add3A_69 = arith.addi %add3A_64, %get3A_68 : vector<16xi32>
      %add3A_70 = arith.constant 8192 : i32
      %add3A_71 = arith.addi %multiple_of3A_33, %add3A_70 : i32
      %get3A_72 = arith.index_cast %add3A_71 : i32 to index
      %get3A_73 = tpu.vector_load %arg7[%get3A_72] {strides = array<i32>} : memref<16384xi32, #tpu.memory_space<vmem>>, vector<16xi32>,
      %add3A_74 = arith.addi %add3A_69, %get3A_73 : vector<16xi32>
      %add3A_75 = arith.constant 9216 : i32
      %add3A_76 = arith.addi %multiple_of3A_33, %add3A_75 : i32
      %get3A_77 = arith.index_cast %add3A_76 : i32 to index
      %get3A_78 = tpu.vector_load %arg7[%get3A_77] {strides = array<i32>} : memref<16384xi32, #tpu.memory_space<vmem>>, vector<16xi32>,
      %add3A_79 = arith.addi %add3A_74, %get3A_78 : vector<16xi32>
      %add3A_80 = arith.constant 10240 : i32
      %add3A_81 = arith.addi %multiple_of3A_33, %add3A_80 : i32
      %get3A_82 = arith.index_cast %add3A_81 : i32 to index
      %get3A_83 = tpu.vector_load %arg7[%get3A_82] {strides = array<i32>} : memref<16384xi32, #tpu.memory_space<vmem>>, vector<16xi32>,
      %add3A_84 = arith.addi %add3A_79, %get3A_83 : vector<16xi32>
      %add3A_85 = arith.constant 11264 : i32
      %add3A_86 = arith.addi %multiple_of3A_33, %add3A_85 : i32
      %get3A_87 = arith.index_cast %add3A_86 : i32 to index
      %get3A_88 = tpu.vector_load %arg7[%get3A_87] {strides = array<i32>} : memref<16384xi32, #tpu.memory_space<vmem>>, vector<16xi32>,
      %add3A_89 = arith.addi %add3A_84, %get3A_88 : vector<16xi32>
      %add3A_90 = arith.constant 12288 : i32
      %add3A_91 = arith.addi %multiple_of3A_33, %add3A_90 : i32
      %get3A_92 = arith.index_cast %add3A_91 : i32 to index
      %get3A_93 = tpu.vector_load %arg7[%get3A_92] {strides = array<i32>} : memref<16384xi32, #tpu.memory_space<vmem>>, vector<16xi32>,
      %add3A_94 = arith.addi %add3A_89, %get3A_93 : vector<16xi32>
      %add3A_95 = arith.constant 13312 : i32
      %add3A_96 = arith.addi %multiple_of3A_33, %add3A_95 : i32
      %get3A_97 = arith.index_cast %add3A_96 : i32 to index
      %get3A_98 = tpu.vector_load %arg7[%get3A_97] {strides = array<i32>} : memref<16384xi32, #tpu.memory_space<vmem>>, vector<16xi32>,
      %add3A_99 = arith.addi %add3A_94, %get3A_98 : vector<16xi32>
      %add3A_100 = arith.constant 14336 : i32
      %add3A_101 = arith.addi %multiple_of3A_33, %add3A_100 : i32
      %get3A_102 = arith.index_cast %add3A_101 : i32 to index
      %get3A_103 = tpu.vector_load %arg7[%get3A_102] {strides = array<i32>} : memref<16384xi32, #tpu.memory_space<vmem>>, vector<16xi32>,
      %add3A_104 = arith.addi %add3A_99, %get3A_103 : vector<16xi32>
      %add3A_105 = arith.constant 15360 : i32
      %add3A_106 = arith.addi %multiple_of3A_33, %add3A_105 : i32
      %get3A_107 = arith.index_cast %add3A_106 : i32 to index
      %get3A_108 = tpu.vector_load %arg7[%get3A_107] {strides = array<i32>} : memref<16384xi32, #tpu.memory_space<vmem>>, vector<16xi32>,
      %add3A_109 = arith.addi %add3A_104, %get3A_108 : vector<16xi32>
      %swap3A = arith.constant 0 : i64
      %swap3A_110 = arith.index_cast %swap3A : i64 to index
      %swap3A_111 = arith.index_cast %multiple_of3A_33 : i32 to index
      %swap3A_112 = tpu.vector_load %arg8[%swap3A_110, %swap3A_111] {strides = array<i32>} : memref<1x1024xi32, #tpu.memory_space<vmem>>, vector<16xi32>,
      tpu.vector_store %arg8[%swap3A_110, %swap3A_111], %add3A_109 {strides = array<i32>} : memref<1x1024xi32, #tpu.memory_space<vmem>>, vector<16xi32>,
      %add3A_113 = arith.constant 16 : i32
      %add3A_114 = arith.addi %scan3A_32, %add3A_113 : i32
      scf.yield %add3A_114 : i32
    }
    %scan3A_28 = arith.constant 64 : i32
    "tpu.region"() ({
      %run_scoped3A = tpu.sem_alloc : memref<!tpu.dma_semaphore, #tpu.memory_space<semaphore_mem>>
      %dma_start3A = arith.constant 0 : i32
      %dma_start3A_31 = arith.constant 0 : i32
      %dma_start3A_32 = tpu.memref_slice %arg11[%arg1, %dma_start3A, %dma_start3A_31] : memref<16x1x1024xi32, #tpu.memory_space<vmem_shared>> -> memref<1x1x1024xi32, #tpu.memory_space<vmem_shared>>
      %dma_start3A_33 = tpu.memref_squeeze %dma_start3A_32 : memref<1x1x1024xi32, #tpu.memory_space<vmem_shared>> -> memref<1x1024xi32, #tpu.memory_space<vmem_shared>>
      %dma_start3A_34 = arith.constant 0 : i32
      %dma_start3A_35 = arith.constant 0 : i32
      %dma_start3A_36 = tpu.memref_slice %arg11[%arg1, %dma_start3A_34, %dma_start3A_35] : memref<16x1x1024xi32, #tpu.memory_space<vmem_shared>> -> memref<1x1x1024xi32, #tpu.memory_space<vmem_shared>>
      %dma_start3A_37 = tpu.memref_squeeze %dma_start3A_36 : memref<1x1x1024xi32, #tpu.memory_space<vmem_shared>> -> memref<1x1024xi32, #tpu.memory_space<vmem_shared>>
      tpu.enqueue_dma source(%arg8 : memref<1x1024xi32, #tpu.memory_space<vmem>>) target(%dma_start3A_37 : memref<1x1024xi32, #tpu.memory_space<vmem_shared>>) target_semaphore(%run_scoped3A : memref<!tpu.dma_semaphore, #tpu.memory_space<semaphore_mem>>)
      %dma_wait3A = arith.constant 0 : i32
      %dma_wait3A_38 = arith.constant 0 : i32
      %dma_wait3A_39 = tpu.memref_slice %arg11[%arg1, %dma_wait3A, %dma_wait3A_38] : memref<16x1x1024xi32, #tpu.memory_space<vmem_shared>> -> memref<1x1x1024xi32, #tpu.memory_space<vmem_shared>>
      %dma_wait3A_40 = tpu.memref_squeeze %dma_wait3A_39 : memref<1x1x1024xi32, #tpu.memory_space<vmem_shared>> -> memref<1x1024xi32, #tpu.memory_space<vmem_shared>>
      %dma_wait3A_41 = arith.constant 0 : i32
      %dma_wait3A_42 = arith.constant 0 : i32
      %dma_wait3A_43 = tpu.memref_slice %arg11[%arg1, %dma_wait3A_41, %dma_wait3A_42] : memref<16x1x1024xi32, #tpu.memory_space<vmem_shared>> -> memref<1x1x1024xi32, #tpu.memory_space<vmem_shared>>
      %dma_wait3A_44 = tpu.memref_squeeze %dma_wait3A_43 : memref<1x1x1024xi32, #tpu.memory_space<vmem_shared>> -> memref<1x1024xi32, #tpu.memory_space<vmem_shared>>
      tpu.wait_dma2 semaphore(%run_scoped3A : memref<!tpu.dma_semaphore, #tpu.memory_space<semaphore_mem>>) src(%arg8 : memref<1x1024xi32, #tpu.memory_space<vmem>>) dst(%dma_wait3A_44 : memref<1x1024xi32, #tpu.memory_space<vmem_shared>>)
      tpu.yield
    }) : () -> ()
    %barrier3A = arith.constant 0 : index
    tpu.barrier barrier_id(%barrier3A)
    %lt3A = arith.constant 8 : i32
    %lt3A_29 = arith.cmpi slt, %arg1, %lt3A : i32
    %convert_element_type3A = arith.extui %lt3A_29 : i1 to i32
    %cond3A = arith.constant 0 : i32
    %cond3A_30 = arith.cmpi ne, %convert_element_type3A, %cond3A : i32
    scf.if %cond3A_30 {
      %mul3A_31 = arith.constant 128 : i32
      %mul3A_32 = arith.muli %arg1, %mul3A_31 : i32
      %multiple_of3A_33 = tpu.assume_multiple %mul3A_32, 128 : i32
      "tpu.region"() ({
        %run_scoped3A_936 = tpu.sem_alloc : memref<!tpu.dma_semaphore, #tpu.memory_space<semaphore_mem>>
        %dma_start3A = arith.constant 0 : i32
        %dma_start3A_937 = arith.constant 0 : i32
        %dma_start3A_938 = tpu.memref_slice %arg11[%dma_start3A, %dma_start3A_937, %multiple_of3A_33] : memref<16x1x1024xi32, #tpu.memory_space<vmem_shared>> -> memref<16x1x128xi32, #tpu.memory_space<vmem_shared>>
        %dma_start3A_939 = arith.constant 0 : i32
        %dma_start3A_940 = arith.constant 0 : i32
        %dma_start3A_941 = tpu.memref_slice %arg11[%dma_start3A_939, %dma_start3A_940, %multiple_of3A_33] : memref<16x1x1024xi32, #tpu.memory_space<vmem_shared>> -> memref<16x1x128xi32, #tpu.memory_space<vmem_shared>>
        tpu.enqueue_dma source(%dma_start3A_941 : memref<16x1x128xi32, #tpu.memory_space<vmem_shared>>) target(%arg9 : memref<16x1x128xi32, #tpu.memory_space<vmem>>) target_semaphore(%run_scoped3A_936 : memref<!tpu.dma_semaphore, #tpu.memory_space<semaphore_mem>>)
        %dma_wait3A = arith.constant 0 : i32
        %dma_wait3A_942 = arith.constant 0 : i32
        %dma_wait3A_943 = tpu.memref_slice %arg11[%dma_wait3A, %dma_wait3A_942, %multiple_of3A_33] : memref<16x1x1024xi32, #tpu.memory_space<vmem_shared>> -> memref<16x1x128xi32, #tpu.memory_space<vmem_shared>>
        %dma_wait3A_944 = arith.constant 0 : i32
        %dma_wait3A_945 = arith.constant 0 : i32
        %dma_wait3A_946 = tpu.memref_slice %arg11[%dma_wait3A_944, %dma_wait3A_945, %multiple_of3A_33] : memref<16x1x1024xi32, #tpu.memory_space<vmem_shared>> -> memref<16x1x128xi32, #tpu.memory_space<vmem_shared>>
        tpu.wait_dma2 semaphore(%run_scoped3A_936 : memref<!tpu.dma_semaphore, #tpu.memory_space<semaphore_mem>>) src(%dma_wait3A_946 : memref<16x1x128xi32, #tpu.memory_space<vmem_shared>>) dst(%arg9 : memref<16x1x128xi32, #tpu.memory_space<vmem>>)
        tpu.yield
      }) : () -> ()
      %get3A = arith.constant 0 : i64
      %get3A_34 = arith.constant 0 : i64
      %get3A_35 = arith.index_cast %get3A : i64 to index
      %get3A_36 = arith.index_cast %get3A_34 : i64 to index
      %get3A_37 = arith.constant 0 : index
      %get3A_38 = tpu.vector_load %arg9[%get3A_35, %get3A_36, %get3A_37] {strides = array<i32>} : memref<16x1x128xi32, #tpu.memory_space<vmem>>, vector<16xi32>,
      %get3A_39 = arith.constant 1 : i64
      %get3A_40 = arith.constant 0 : i64
      %get3A_41 = arith.index_cast %get3A_39 : i64 to index
      %get3A_42 = arith.index_cast %get3A_40 : i64 to index
      %get3A_43 = arith.constant 0 : index
      %get3A_44 = tpu.vector_load %arg9[%get3A_41, %get3A_42, %get3A_43] {strides = array<i32>} : memref<16x1x128xi32, #tpu.memory_space<vmem>>, vector<16xi32>,
      %add3A_45 = arith.addi %get3A_38, %get3A_44 : vector<16xi32>
      %get3A_46 = arith.constant 2 : i64
      %get3A_47 = arith.constant 0 : i64
      %get3A_48 = arith.index_cast %get3A_46 : i64 to index
      %get3A_49 = arith.index_cast %get3A_47 : i64 to index
      %get3A_50 = arith.constant 0 : index
      %get3A_51 = tpu.vector_load %arg9[%get3A_48, %get3A_49, %get3A_50] {strides = array<i32>} : memref<16x1x128xi32, #tpu.memory_space<vmem>>, vector<16xi32>,
      %add3A_52 = arith.addi %add3A_45, %get3A_51 : vector<16xi32>
      %get3A_53 = arith.constant 3 : i64
      %get3A_54 = arith.constant 0 : i64
      %get3A_55 = arith.index_cast %get3A_53 : i64 to index
      %get3A_56 = arith.index_cast %get3A_54 : i64 to index
      %get3A_57 = arith.constant 0 : index
      %get3A_58 = tpu.vector_load %arg9[%get3A_55, %get3A_56, %get3A_57] {strides = array<i32>} : memref<16x1x128xi32, #tpu.memory_space<vmem>>, vector<16xi32>,
      %add3A_59 = arith.addi %add3A_52, %get3A_58 : vector<16xi32>
      %get3A_60 = arith.constant 4 : i64
      %get3A_61 = arith.constant 0 : i64
      %get3A_62 = arith.index_cast %get3A_60 : i64 to index
      %get3A_63 = arith.index_cast %get3A_61 : i64 to index
      %get3A_64 = arith.constant 0 : index
      %get3A_65 = tpu.vector_load %arg9[%get3A_62, %get3A_63, %get3A_64] {strides = array<i32>} : memref<16x1x128xi32, #tpu.memory_space<vmem>>, vector<16xi32>,
      %add3A_66 = arith.addi %add3A_59, %get3A_65 : vector<16xi32>
      %get3A_67 = arith.constant 5 : i64
      %get3A_68 = arith.constant 0 : i64
      %get3A_69 = arith.index_cast %get3A_67 : i64 to index
      %get3A_70 = arith.index_cast %get3A_68 : i64 to index
      %get3A_71 = arith.constant 0 : index
      %get3A_72 = tpu.vector_load %arg9[%get3A_69, %get3A_70, %get3A_71] {strides = array<i32>} : memref<16x1x128xi32, #tpu.memory_space<vmem>>, vector<16xi32>,
      %add3A_73 = arith.addi %add3A_66, %get3A_72 : vector<16xi32>
      %get3A_74 = arith.constant 6 : i64
      %get3A_75 = arith.constant 0 : i64
      %get3A_76 = arith.index_cast %get3A_74 : i64 to index
      %get3A_77 = arith.index_cast %get3A_75 : i64 to index
      %get3A_78 = arith.constant 0 : index
      %get3A_79 = tpu.vector_load %arg9[%get3A_76, %get3A_77, %get3A_78] {strides = array<i32>} : memref<16x1x128xi32, #tpu.memory_space<vmem>>, vector<16xi32>,
      %add3A_80 = arith.addi %add3A_73, %get3A_79 : vector<16xi32>
      %get3A_81 = arith.constant 7 : i64
      %get3A_82 = arith.constant 0 : i64
      %get3A_83 = arith.index_cast %get3A_81 : i64 to index
      %get3A_84 = arith.index_cast %get3A_82 : i64 to index
      %get3A_85 = arith.constant 0 : index
      %get3A_86 = tpu.vector_load %arg9[%get3A_83, %get3A_84, %get3A_85] {strides = array<i32>} : memref<16x1x128xi32, #tpu.memory_space<vmem>>, vector<16xi32>,
      %add3A_87 = arith.addi %add3A_80, %get3A_86 : vector<16xi32>
      %get3A_88 = arith.constant 8 : i64
      %get3A_89 = arith.constant 0 : i64
      %get3A_90 = arith.index_cast %get3A_88 : i64 to index
      %get3A_91 = arith.index_cast %get3A_89 : i64 to index
      %get3A_92 = arith.constant 0 : index
      %get3A_93 = tpu.vector_load %arg9[%get3A_90, %get3A_91, %get3A_92] {strides = array<i32>} : memref<16x1x128xi32, #tpu.memory_space<vmem>>, vector<16xi32>,
      %add3A_94 = arith.addi %add3A_87, %get3A_93 : vector<16xi32>
      %get3A_95 = arith.constant 9 : i64
      %get3A_96 = arith.constant 0 : i64
      %get3A_97 = arith.index_cast %get3A_95 : i64 to index
      %get3A_98 = arith.index_cast %get3A_96 : i64 to index
      %get3A_99 = arith.constant 0 : index
      %get3A_100 = tpu.vector_load %arg9[%get3A_97, %get3A_98, %get3A_99] {strides = array<i32>} : memref<16x1x128xi32, #tpu.memory_space<vmem>>, vector<16xi32>,
      %add3A_101 = arith.addi %add3A_94, %get3A_100 : vector<16xi32>
      %get3A_102 = arith.constant 10 : i64
      %get3A_103 = arith.constant 0 : i64
      %get3A_104 = arith.index_cast %get3A_102 : i64 to index
      %get3A_105 = arith.index_cast %get3A_103 : i64 to index
      %get3A_106 = arith.constant 0 : index
      %get3A_107 = tpu.vector_load %arg9[%get3A_104, %get3A_105, %get3A_106] {strides = array<i32>} : memref<16x1x128xi32, #tpu.memory_space<vmem>>, vector<16xi32>,
      %add3A_108 = arith.addi %add3A_101, %get3A_107 : vector<16xi32>
      %get3A_109 = arith.constant 11 : i64
      %get3A_110 = arith.constant 0 : i64
      %get3A_111 = arith.index_cast %get3A_109 : i64 to index
      %get3A_112 = arith.index_cast %get3A_110 : i64 to index
      %get3A_113 = arith.constant 0 : index
      %get3A_114 = tpu.vector_load %arg9[%get3A_111, %get3A_112, %get3A_113] {strides = array<i32>} : memref<16x1x128xi32, #tpu.memory_space<vmem>>, vector<16xi32>,
      %add3A_115 = arith.addi %add3A_108, %get3A_114 : vector<16xi32>
      %get3A_116 = arith.constant 12 : i64
      %get3A_117 = arith.constant 0 : i64
      %get3A_118 = arith.index_cast %get3A_116 : i64 to index
      %get3A_119 = arith.index_cast %get3A_117 : i64 to index
      %get3A_120 = arith.constant 0 : index
      %get3A_121 = tpu.vector_load %arg9[%get3A_118, %get3A_119, %get3A_120] {strides = array<i32>} : memref<16x1x128xi32, #tpu.memory_space<vmem>>, vector<16xi32>,
      %add3A_122 = arith.addi %add3A_115, %get3A_121 : vector<16xi32>
      %get3A_123 = arith.constant 13 : i64
      %get3A_124 = arith.constant 0 : i64
      %get3A_125 = arith.index_cast %get3A_123 : i64 to index
      %get3A_126 = arith.index_cast %get3A_124 : i64 to index
      %get3A_127 = arith.constant 0 : index
      %get3A_128 = tpu.vector_load %arg9[%get3A_125, %get3A_126, %get3A_127] {strides = array<i32>} : memref<16x1x128xi32, #tpu.memory_space<vmem>>, vector<16xi32>,
      %add3A_129 = arith.addi %add3A_122, %get3A_128 : vector<16xi32>
      %get3A_130 = arith.constant 14 : i64
      %get3A_131 = arith.constant 0 : i64
      %get3A_132 = arith.index_cast %get3A_130 : i64 to index
      %get3A_133 = arith.index_cast %get3A_131 : i64 to index
      %get3A_134 = arith.constant 0 : index
      %get3A_135 = tpu.vector_load %arg9[%get3A_132, %get3A_133, %get3A_134] {strides = array<i32>} : memref<16x1x128xi32, #tpu.memory_space<vmem>>, vector<16xi32>,
      %add3A_136 = arith.addi %add3A_129, %get3A_135 : vector<16xi32>
      %get3A_137 = arith.constant 15 : i64
      %get3A_138 = arith.constant 0 : i64
      %get3A_139 = arith.index_cast %get3A_137 : i64 to index
      %get3A_140 = arith.index_cast %get3A_138 : i64 to index
      %get3A_141 = arith.constant 0 : index
      %get3A_142 = tpu.vector_load %arg9[%get3A_139, %get3A_140, %get3A_141] {strides = array<i32>} : memref<16x1x128xi32, #tpu.memory_space<vmem>>, vector<16xi32>,
      %add3A_143 = arith.addi %add3A_136, %get3A_142 : vector<16xi32>
      %swap3A = arith.constant 0 : index
      %swap3A_144 = tpu.vector_load %arg10[%swap3A] {strides = array<i32>} : memref<128xi32, #tpu.memory_space<vmem>>, vector<16xi32>,
      tpu.vector_store %arg10[%swap3A], %add3A_143 {strides = array<i32>} : memref<128xi32, #tpu.memory_space<vmem>>, vector<16xi32>,
      %get3A_145 = arith.constant 0 : i64
      %get3A_146 = arith.constant 0 : i64
      %get3A_147 = arith.index_cast %get3A_145 : i64 to index
      %get3A_148 = arith.index_cast %get3A_146 : i64 to index
      %get3A_149 = arith.constant 16 : index
      %get3A_150 = tpu.vector_load %arg9[%get3A_147, %get3A_148, %get3A_149] {strides = array<i32>} : memref<16x1x128xi32, #tpu.memory_space<vmem>>, vector<16xi32>,
      %get3A_151 = arith.constant 1 : i64
      %get3A_152 = arith.constant 0 : i64
      %get3A_153 = arith.index_cast %get3A_151 : i64 to index
      %get3A_154 = arith.index_cast %get3A_152 : i64 to index
      %get3A_155 = arith.constant 16 : index
      %get3A_156 = tpu.vector_load %arg9[%get3A_153, %get3A_154, %get3A_155] {strides = array<i32>} : memref<16x1x128xi32, #tpu.memory_space<vmem>>, vector<16xi32>,
      %add3A_157 = arith.addi %get3A_150, %get3A_156 : vector<16xi32>
      %get3A_158 = arith.constant 2 : i64
      %get3A_159 = arith.constant 0 : i64
      %get3A_160 = arith.index_cast %get3A_158 : i64 to index
      %get3A_161 = arith.index_cast %get3A_159 : i64 to index
      %get3A_162 = arith.constant 16 : index
      %get3A_163 = tpu.vector_load %arg9[%get3A_160, %get3A_161, %get3A_162] {strides = array<i32>} : memref<16x1x128xi32, #tpu.memory_space<vmem>>, vector<16xi32>,
      %add3A_164 = arith.addi %add3A_157, %get3A_163 : vector<16xi32>
      %get3A_165 = arith.constant 3 : i64
      %get3A_166 = arith.constant 0 : i64
      %get3A_167 = arith.index_cast %get3A_165 : i64 to index
      %get3A_168 = arith.index_cast %get3A_166 : i64 to index
      %get3A_169 = arith.constant 16 : index
      %get3A_170 = tpu.vector_load %arg9[%get3A_167, %get3A_168, %get3A_169] {strides = array<i32>} : memref<16x1x128xi32, #tpu.memory_space<vmem>>, vector<16xi32>,
      %add3A_171 = arith.addi %add3A_164, %get3A_170 : vector<16xi32>
      %get3A_172 = arith.constant 4 : i64
      %get3A_173 = arith.constant 0 : i64
      %get3A_174 = arith.index_cast %get3A_172 : i64 to index
      %get3A_175 = arith.index_cast %get3A_173 : i64 to index
      %get3A_176 = arith.constant 16 : index
      %get3A_177 = tpu.vector_load %arg9[%get3A_174, %get3A_175, %get3A_176] {strides = array<i32>} : memref<16x1x128xi32, #tpu.memory_space<vmem>>, vector<16xi32>,
      %add3A_178 = arith.addi %add3A_171, %get3A_177 : vector<16xi32>
      %get3A_179 = arith.constant 5 : i64
      %get3A_180 = arith.constant 0 : i64
      %get3A_181 = arith.index_cast %get3A_179 : i64 to index
      %get3A_182 = arith.index_cast %get3A_180 : i64 to index
      %get3A_183 = arith.constant 16 : index
      %get3A_184 = tpu.vector_load %arg9[%get3A_181, %get3A_182, %get3A_183] {strides = array<i32>} : memref<16x1x128xi32, #tpu.memory_space<vmem>>, vector<16xi32>,
      %add3A_185 = arith.addi %add3A_178, %get3A_184 : vector<16xi32>
      %get3A_186 = arith.constant 6 : i64
      %get3A_187 = arith.constant 0 : i64
      %get3A_188 = arith.index_cast %get3A_186 : i64 to index
      %get3A_189 = arith.index_cast %get3A_187 : i64 to index
      %get3A_190 = arith.constant 16 : index
      %get3A_191 = tpu.vector_load %arg9[%get3A_188, %get3A_189, %get3A_190] {strides = array<i32>} : memref<16x1x128xi32, #tpu.memory_space<vmem>>, vector<16xi32>,
      %add3A_192 = arith.addi %add3A_185, %get3A_191 : vector<16xi32>
      %get3A_193 = arith.constant 7 : i64
      %get3A_194 = arith.constant 0 : i64
      %get3A_195 = arith.index_cast %get3A_193 : i64 to index
      %get3A_196 = arith.index_cast %get3A_194 : i64 to index
      %get3A_197 = arith.constant 16 : index
      %get3A_198 = tpu.vector_load %arg9[%get3A_195, %get3A_196, %get3A_197] {strides = array<i32>} : memref<16x1x128xi32, #tpu.memory_space<vmem>>, vector<16xi32>,
      %add3A_199 = arith.addi %add3A_192, %get3A_198 : vector<16xi32>
      %get3A_200 = arith.constant 8 : i64
      %get3A_201 = arith.constant 0 : i64
      %get3A_202 = arith.index_cast %get3A_200 : i64 to index
      %get3A_203 = arith.index_cast %get3A_201 : i64 to index
      %get3A_204 = arith.constant 16 : index
      %get3A_205 = tpu.vector_load %arg9[%get3A_202, %get3A_203, %get3A_204] {strides = array<i32>} : memref<16x1x128xi32, #tpu.memory_space<vmem>>, vector<16xi32>,
      %add3A_206 = arith.addi %add3A_199, %get3A_205 : vector<16xi32>
      %get3A_207 = arith.constant 9 : i64
      %get3A_208 = arith.constant 0 : i64
      %get3A_209 = arith.index_cast %get3A_207 : i64 to index
      %get3A_210 = arith.index_cast %get3A_208 : i64 to index
      %get3A_211 = arith.constant 16 : index
      %get3A_212 = tpu.vector_load %arg9[%get3A_209, %get3A_210, %get3A_211] {strides = array<i32>} : memref<16x1x128xi32, #tpu.memory_space<vmem>>, vector<16xi32>,
      %add3A_213 = arith.addi %add3A_206, %get3A_212 : vector<16xi32>
      %get3A_214 = arith.constant 10 : i64
      %get3A_215 = arith.constant 0 : i64
      %get3A_216 = arith.index_cast %get3A_214 : i64 to index
      %get3A_217 = arith.index_cast %get3A_215 : i64 to index
      %get3A_218 = arith.constant 16 : index
      %get3A_219 = tpu.vector_load %arg9[%get3A_216, %get3A_217, %get3A_218] {strides = array<i32>} : memref<16x1x128xi32, #tpu.memory_space<vmem>>, vector<16xi32>,
      %add3A_220 = arith.addi %add3A_213, %get3A_219 : vector<16xi32>
      %get3A_221 = arith.constant 11 : i64
      %get3A_222 = arith.constant 0 : i64
      %get3A_223 = arith.index_cast %get3A_221 : i64 to index
      %get3A_224 = arith.index_cast %get3A_222 : i64 to index
      %get3A_225 = arith.constant 16 : index
      %get3A_226 = tpu.vector_load %arg9[%get3A_223, %get3A_224, %get3A_225] {strides = array<i32>} : memref<16x1x128xi32, #tpu.memory_space<vmem>>, vector<16xi32>,
      %add3A_227 = arith.addi %add3A_220, %get3A_226 : vector<16xi32>
      %get3A_228 = arith.constant 12 : i64
      %get3A_229 = arith.constant 0 : i64
      %get3A_230 = arith.index_cast %get3A_228 : i64 to index
      %get3A_231 = arith.index_cast %get3A_229 : i64 to index
      %get3A_232 = arith.constant 16 : index
      %get3A_233 = tpu.vector_load %arg9[%get3A_230, %get3A_231, %get3A_232] {strides = array<i32>} : memref<16x1x128xi32, #tpu.memory_space<vmem>>, vector<16xi32>,
      %add3A_234 = arith.addi %add3A_227, %get3A_233 : vector<16xi32>
      %get3A_235 = arith.constant 13 : i64
      %get3A_236 = arith.constant 0 : i64
      %get3A_237 = arith.index_cast %get3A_235 : i64 to index
      %get3A_238 = arith.index_cast %get3A_236 : i64 to index
      %get3A_239 = arith.constant 16 : index
      %get3A_240 = tpu.vector_load %arg9[%get3A_237, %get3A_238, %get3A_239] {strides = array<i32>} : memref<16x1x128xi32, #tpu.memory_space<vmem>>, vector<16xi32>,
      %add3A_241 = arith.addi %add3A_234, %get3A_240 : vector<16xi32>
      %get3A_242 = arith.constant 14 : i64
      %get3A_243 = arith.constant 0 : i64
      %get3A_244 = arith.index_cast %get3A_242 : i64 to index
      %get3A_245 = arith.index_cast %get3A_243 : i64 to index
      %get3A_246 = arith.constant 16 : index
      %get3A_247 = tpu.vector_load %arg9[%get3A_244, %get3A_245, %get3A_246] {strides = array<i32>} : memref<16x1x128xi32, #tpu.memory_space<vmem>>, vector<16xi32>,
      %add3A_248 = arith.addi %add3A_241, %get3A_247 : vector<16xi32>
      %get3A_249 = arith.constant 15 : i64
      %get3A_250 = arith.constant 0 : i64
      %get3A_251 = arith.index_cast %get3A_249 : i64 to index
      %get3A_252 = arith.index_cast %get3A_250 : i64 to index
      %get3A_253 = arith.constant 16 : index
      %get3A_254 = tpu.vector_load %arg9[%get3A_251, %get3A_252, %get3A_253] {strides = array<i32>} : memref<16x1x128xi32, #tpu.memory_space<vmem>>, vector<16xi32>,
      %add3A_255 = arith.addi %add3A_248, %get3A_254 : vector<16xi32>
      %swap3A_256 = arith.constant 16 : index
      %swap3A_257 = tpu.vector_load %arg10[%swap3A_256] {strides = array<i32>} : memref<128xi32, #tpu.memory_space<vmem>>, vector<16xi32>,
      tpu.vector_store %arg10[%swap3A_256], %add3A_255 {strides = array<i32>} : memref<128xi32, #tpu.memory_space<vmem>>, vector<16xi32>,
      %get3A_258 = arith.constant 0 : i64
      %get3A_259 = arith.constant 0 : i64
      %get3A_260 = arith.index_cast %get3A_258 : i64 to index
      %get3A_261 = arith.index_cast %get3A_259 : i64 to index
      %get3A_262 = arith.constant 32 : index
      %get3A_263 = tpu.vector_load %arg9[%get3A_260, %get3A_261, %get3A_262] {strides = array<i32>} : memref<16x1x128xi32, #tpu.memory_space<vmem>>, vector<16xi32>,
      %get3A_264 = arith.constant 1 : i64
      %get3A_265 = arith.constant 0 : i64
      %get3A_266 = arith.index_cast %get3A_264 : i64 to index
      %get3A_267 = arith.index_cast %get3A_265 : i64 to index
      %get3A_268 = arith.constant 32 : index
      %get3A_269 = tpu.vector_load %arg9[%get3A_266, %get3A_267, %get3A_268] {strides = array<i32>} : memref<16x1x128xi32, #tpu.memory_space<vmem>>, vector<16xi32>,
      %add3A_270 = arith.addi %get3A_263, %get3A_269 : vector<16xi32>
      %get3A_271 = arith.constant 2 : i64
      %get3A_272 = arith.constant 0 : i64
      %get3A_273 = arith.index_cast %get3A_271 : i64 to index
      %get3A_274 = arith.index_cast %get3A_272 : i64 to index
      %get3A_275 = arith.constant 32 : index
      %get3A_276 = tpu.vector_load %arg9[%get3A_273, %get3A_274, %get3A_275] {strides = array<i32>} : memref<16x1x128xi32, #tpu.memory_space<vmem>>, vector<16xi32>,
      %add3A_277 = arith.addi %add3A_270, %get3A_276 : vector<16xi32>
      %get3A_278 = arith.constant 3 : i64
      %get3A_279 = arith.constant 0 : i64
      %get3A_280 = arith.index_cast %get3A_278 : i64 to index
      %get3A_281 = arith.index_cast %get3A_279 : i64 to index
      %get3A_282 = arith.constant 32 : index
      %get3A_283 = tpu.vector_load %arg9[%get3A_280, %get3A_281, %get3A_282] {strides = array<i32>} : memref<16x1x128xi32, #tpu.memory_space<vmem>>, vector<16xi32>,
      %add3A_284 = arith.addi %add3A_277, %get3A_283 : vector<16xi32>
      %get3A_285 = arith.constant 4 : i64
      %get3A_286 = arith.constant 0 : i64
      %get3A_287 = arith.index_cast %get3A_285 : i64 to index
      %get3A_288 = arith.index_cast %get3A_286 : i64 to index
      %get3A_289 = arith.constant 32 : index
      %get3A_290 = tpu.vector_load %arg9[%get3A_287, %get3A_288, %get3A_289] {strides = array<i32>} : memref<16x1x128xi32, #tpu.memory_space<vmem>>, vector<16xi32>,
      %add3A_291 = arith.addi %add3A_284, %get3A_290 : vector<16xi32>
      %get3A_292 = arith.constant 5 : i64
      %get3A_293 = arith.constant 0 : i64
      %get3A_294 = arith.index_cast %get3A_292 : i64 to index
      %get3A_295 = arith.index_cast %get3A_293 : i64 to index
      %get3A_296 = arith.constant 32 : index
      %get3A_297 = tpu.vector_load %arg9[%get3A_294, %get3A_295, %get3A_296] {strides = array<i32>} : memref<16x1x128xi32, #tpu.memory_space<vmem>>, vector<16xi32>,
      %add3A_298 = arith.addi %add3A_291, %get3A_297 : vector<16xi32>
      %get3A_299 = arith.constant 6 : i64
      %get3A_300 = arith.constant 0 : i64
      %get3A_301 = arith.index_cast %get3A_299 : i64 to index
      %get3A_302 = arith.index_cast %get3A_300 : i64 to index
      %get3A_303 = arith.constant 32 : index
      %get3A_304 = tpu.vector_load %arg9[%get3A_301, %get3A_302, %get3A_303] {strides = array<i32>} : memref<16x1x128xi32, #tpu.memory_space<vmem>>, vector<16xi32>,
      %add3A_305 = arith.addi %add3A_298, %get3A_304 : vector<16xi32>
      %get3A_306 = arith.constant 7 : i64
      %get3A_307 = arith.constant 0 : i64
      %get3A_308 = arith.index_cast %get3A_306 : i64 to index
      %get3A_309 = arith.index_cast %get3A_307 : i64 to index
      %get3A_310 = arith.constant 32 : index
      %get3A_311 = tpu.vector_load %arg9[%get3A_308, %get3A_309, %get3A_310] {strides = array<i32>} : memref<16x1x128xi32, #tpu.memory_space<vmem>>, vector<16xi32>,
      %add3A_312 = arith.addi %add3A_305, %get3A_311 : vector<16xi32>
      %get3A_313 = arith.constant 8 : i64
      %get3A_314 = arith.constant 0 : i64
      %get3A_315 = arith.index_cast %get3A_313 : i64 to index
      %get3A_316 = arith.index_cast %get3A_314 : i64 to index
      %get3A_317 = arith.constant 32 : index
      %get3A_318 = tpu.vector_load %arg9[%get3A_315, %get3A_316, %get3A_317] {strides = array<i32>} : memref<16x1x128xi32, #tpu.memory_space<vmem>>, vector<16xi32>,
      %add3A_319 = arith.addi %add3A_312, %get3A_318 : vector<16xi32>
      %get3A_320 = arith.constant 9 : i64
      %get3A_321 = arith.constant 0 : i64
      %get3A_322 = arith.index_cast %get3A_320 : i64 to index
      %get3A_323 = arith.index_cast %get3A_321 : i64 to index
      %get3A_324 = arith.constant 32 : index
      %get3A_325 = tpu.vector_load %arg9[%get3A_322, %get3A_323, %get3A_324] {strides = array<i32>} : memref<16x1x128xi32, #tpu.memory_space<vmem>>, vector<16xi32>,
      %add3A_326 = arith.addi %add3A_319, %get3A_325 : vector<16xi32>
      %get3A_327 = arith.constant 10 : i64
      %get3A_328 = arith.constant 0 : i64
      %get3A_329 = arith.index_cast %get3A_327 : i64 to index
      %get3A_330 = arith.index_cast %get3A_328 : i64 to index
      %get3A_331 = arith.constant 32 : index
      %get3A_332 = tpu.vector_load %arg9[%get3A_329, %get3A_330, %get3A_331] {strides = array<i32>} : memref<16x1x128xi32, #tpu.memory_space<vmem>>, vector<16xi32>,
      %add3A_333 = arith.addi %add3A_326, %get3A_332 : vector<16xi32>
      %get3A_334 = arith.constant 11 : i64
      %get3A_335 = arith.constant 0 : i64
      %get3A_336 = arith.index_cast %get3A_334 : i64 to index
      %get3A_337 = arith.index_cast %get3A_335 : i64 to index
      %get3A_338 = arith.constant 32 : index
      %get3A_339 = tpu.vector_load %arg9[%get3A_336, %get3A_337, %get3A_338] {strides = array<i32>} : memref<16x1x128xi32, #tpu.memory_space<vmem>>, vector<16xi32>,
      %add3A_340 = arith.addi %add3A_333, %get3A_339 : vector<16xi32>
      %get3A_341 = arith.constant 12 : i64
      %get3A_342 = arith.constant 0 : i64
      %get3A_343 = arith.index_cast %get3A_341 : i64 to index
      %get3A_344 = arith.index_cast %get3A_342 : i64 to index
      %get3A_345 = arith.constant 32 : index
      %get3A_346 = tpu.vector_load %arg9[%get3A_343, %get3A_344, %get3A_345] {strides = array<i32>} : memref<16x1x128xi32, #tpu.memory_space<vmem>>, vector<16xi32>,
      %add3A_347 = arith.addi %add3A_340, %get3A_346 : vector<16xi32>
      %get3A_348 = arith.constant 13 : i64
      %get3A_349 = arith.constant 0 : i64
      %get3A_350 = arith.index_cast %get3A_348 : i64 to index
      %get3A_351 = arith.index_cast %get3A_349 : i64 to index
      %get3A_352 = arith.constant 32 : index
      %get3A_353 = tpu.vector_load %arg9[%get3A_350, %get3A_351, %get3A_352] {strides = array<i32>} : memref<16x1x128xi32, #tpu.memory_space<vmem>>, vector<16xi32>,
      %add3A_354 = arith.addi %add3A_347, %get3A_353 : vector<16xi32>
      %get3A_355 = arith.constant 14 : i64
      %get3A_356 = arith.constant 0 : i64
      %get3A_357 = arith.index_cast %get3A_355 : i64 to index
      %get3A_358 = arith.index_cast %get3A_356 : i64 to index
      %get3A_359 = arith.constant 32 : index
      %get3A_360 = tpu.vector_load %arg9[%get3A_357, %get3A_358, %get3A_359] {strides = array<i32>} : memref<16x1x128xi32, #tpu.memory_space<vmem>>, vector<16xi32>,
      %add3A_361 = arith.addi %add3A_354, %get3A_360 : vector<16xi32>
      %get3A_362 = arith.constant 15 : i64
      %get3A_363 = arith.constant 0 : i64
      %get3A_364 = arith.index_cast %get3A_362 : i64 to index
      %get3A_365 = arith.index_cast %get3A_363 : i64 to index
      %get3A_366 = arith.constant 32 : index
      %get3A_367 = tpu.vector_load %arg9[%get3A_364, %get3A_365, %get3A_366] {strides = array<i32>} : memref<16x1x128xi32, #tpu.memory_space<vmem>>, vector<16xi32>,
      %add3A_368 = arith.addi %add3A_361, %get3A_367 : vector<16xi32>
      %swap3A_369 = arith.constant 32 : index
      %swap3A_370 = tpu.vector_load %arg10[%swap3A_369] {strides = array<i32>} : memref<128xi32, #tpu.memory_space<vmem>>, vector<16xi32>,
      tpu.vector_store %arg10[%swap3A_369], %add3A_368 {strides = array<i32>} : memref<128xi32, #tpu.memory_space<vmem>>, vector<16xi32>,
      %get3A_371 = arith.constant 0 : i64
      %get3A_372 = arith.constant 0 : i64
      %get3A_373 = arith.index_cast %get3A_371 : i64 to index
      %get3A_374 = arith.index_cast %get3A_372 : i64 to index
      %get3A_375 = arith.constant 48 : index
      %get3A_376 = tpu.vector_load %arg9[%get3A_373, %get3A_374, %get3A_375] {strides = array<i32>} : memref<16x1x128xi32, #tpu.memory_space<vmem>>, vector<16xi32>,
      %get3A_377 = arith.constant 1 : i64
      %get3A_378 = arith.constant 0 : i64
      %get3A_379 = arith.index_cast %get3A_377 : i64 to index
      %get3A_380 = arith.index_cast %get3A_378 : i64 to index
      %get3A_381 = arith.constant 48 : index
      %get3A_382 = tpu.vector_load %arg9[%get3A_379, %get3A_380, %get3A_381] {strides = array<i32>} : memref<16x1x128xi32, #tpu.memory_space<vmem>>, vector<16xi32>,
      %add3A_383 = arith.addi %get3A_376, %get3A_382 : vector<16xi32>
      %get3A_384 = arith.constant 2 : i64
      %get3A_385 = arith.constant 0 : i64
      %get3A_386 = arith.index_cast %get3A_384 : i64 to index
      %get3A_387 = arith.index_cast %get3A_385 : i64 to index
      %get3A_388 = arith.constant 48 : index
      %get3A_389 = tpu.vector_load %arg9[%get3A_386, %get3A_387, %get3A_388] {strides = array<i32>} : memref<16x1x128xi32, #tpu.memory_space<vmem>>, vector<16xi32>,
      %add3A_390 = arith.addi %add3A_383, %get3A_389 : vector<16xi32>
      %get3A_391 = arith.constant 3 : i64
      %get3A_392 = arith.constant 0 : i64
      %get3A_393 = arith.index_cast %get3A_391 : i64 to index
      %get3A_394 = arith.index_cast %get3A_392 : i64 to index
      %get3A_395 = arith.constant 48 : index
      %get3A_396 = tpu.vector_load %arg9[%get3A_393, %get3A_394, %get3A_395] {strides = array<i32>} : memref<16x1x128xi32, #tpu.memory_space<vmem>>, vector<16xi32>,
      %add3A_397 = arith.addi %add3A_390, %get3A_396 : vector<16xi32>
      %get3A_398 = arith.constant 4 : i64
      %get3A_399 = arith.constant 0 : i64
      %get3A_400 = arith.index_cast %get3A_398 : i64 to index
      %get3A_401 = arith.index_cast %get3A_399 : i64 to index
      %get3A_402 = arith.constant 48 : index
      %get3A_403 = tpu.vector_load %arg9[%get3A_400, %get3A_401, %get3A_402] {strides = array<i32>} : memref<16x1x128xi32, #tpu.memory_space<vmem>>, vector<16xi32>,
      %add3A_404 = arith.addi %add3A_397, %get3A_403 : vector<16xi32>
      %get3A_405 = arith.constant 5 : i64
      %get3A_406 = arith.constant 0 : i64
      %get3A_407 = arith.index_cast %get3A_405 : i64 to index
      %get3A_408 = arith.index_cast %get3A_406 : i64 to index
      %get3A_409 = arith.constant 48 : index
      %get3A_410 = tpu.vector_load %arg9[%get3A_407, %get3A_408, %get3A_409] {strides = array<i32>} : memref<16x1x128xi32, #tpu.memory_space<vmem>>, vector<16xi32>,
      %add3A_411 = arith.addi %add3A_404, %get3A_410 : vector<16xi32>
      %get3A_412 = arith.constant 6 : i64
      %get3A_413 = arith.constant 0 : i64
      %get3A_414 = arith.index_cast %get3A_412 : i64 to index
      %get3A_415 = arith.index_cast %get3A_413 : i64 to index
      %get3A_416 = arith.constant 48 : index
      %get3A_417 = tpu.vector_load %arg9[%get3A_414, %get3A_415, %get3A_416] {strides = array<i32>} : memref<16x1x128xi32, #tpu.memory_space<vmem>>, vector<16xi32>,
      %add3A_418 = arith.addi %add3A_411, %get3A_417 : vector<16xi32>
      %get3A_419 = arith.constant 7 : i64
      %get3A_420 = arith.constant 0 : i64
      %get3A_421 = arith.index_cast %get3A_419 : i64 to index
      %get3A_422 = arith.index_cast %get3A_420 : i64 to index
      %get3A_423 = arith.constant 48 : index
      %get3A_424 = tpu.vector_load %arg9[%get3A_421, %get3A_422, %get3A_423] {strides = array<i32>} : memref<16x1x128xi32, #tpu.memory_space<vmem>>, vector<16xi32>,
      %add3A_425 = arith.addi %add3A_418, %get3A_424 : vector<16xi32>
      %get3A_426 = arith.constant 8 : i64
      %get3A_427 = arith.constant 0 : i64
      %get3A_428 = arith.index_cast %get3A_426 : i64 to index
      %get3A_429 = arith.index_cast %get3A_427 : i64 to index
      %get3A_430 = arith.constant 48 : index
      %get3A_431 = tpu.vector_load %arg9[%get3A_428, %get3A_429, %get3A_430] {strides = array<i32>} : memref<16x1x128xi32, #tpu.memory_space<vmem>>, vector<16xi32>,
      %add3A_432 = arith.addi %add3A_425, %get3A_431 : vector<16xi32>
      %get3A_433 = arith.constant 9 : i64
      %get3A_434 = arith.constant 0 : i64
      %get3A_435 = arith.index_cast %get3A_433 : i64 to index
      %get3A_436 = arith.index_cast %get3A_434 : i64 to index
      %get3A_437 = arith.constant 48 : index
      %get3A_438 = tpu.vector_load %arg9[%get3A_435, %get3A_436, %get3A_437] {strides = array<i32>} : memref<16x1x128xi32, #tpu.memory_space<vmem>>, vector<16xi32>,
      %add3A_439 = arith.addi %add3A_432, %get3A_438 : vector<16xi32>
      %get3A_440 = arith.constant 10 : i64
      %get3A_441 = arith.constant 0 : i64
      %get3A_442 = arith.index_cast %get3A_440 : i64 to index
      %get3A_443 = arith.index_cast %get3A_441 : i64 to index
      %get3A_444 = arith.constant 48 : index
      %get3A_445 = tpu.vector_load %arg9[%get3A_442, %get3A_443, %get3A_444] {strides = array<i32>} : memref<16x1x128xi32, #tpu.memory_space<vmem>>, vector<16xi32>,
      %add3A_446 = arith.addi %add3A_439, %get3A_445 : vector<16xi32>
      %get3A_447 = arith.constant 11 : i64
      %get3A_448 = arith.constant 0 : i64
      %get3A_449 = arith.index_cast %get3A_447 : i64 to index
      %get3A_450 = arith.index_cast %get3A_448 : i64 to index
      %get3A_451 = arith.constant 48 : index
      %get3A_452 = tpu.vector_load %arg9[%get3A_449, %get3A_450, %get3A_451] {strides = array<i32>} : memref<16x1x128xi32, #tpu.memory_space<vmem>>, vector<16xi32>,
      %add3A_453 = arith.addi %add3A_446, %get3A_452 : vector<16xi32>
      %get3A_454 = arith.constant 12 : i64
      %get3A_455 = arith.constant 0 : i64
      %get3A_456 = arith.index_cast %get3A_454 : i64 to index
      %get3A_457 = arith.index_cast %get3A_455 : i64 to index
      %get3A_458 = arith.constant 48 : index
      %get3A_459 = tpu.vector_load %arg9[%get3A_456, %get3A_457, %get3A_458] {strides = array<i32>} : memref<16x1x128xi32, #tpu.memory_space<vmem>>, vector<16xi32>,
      %add3A_460 = arith.addi %add3A_453, %get3A_459 : vector<16xi32>
      %get3A_461 = arith.constant 13 : i64
      %get3A_462 = arith.constant 0 : i64
      %get3A_463 = arith.index_cast %get3A_461 : i64 to index
      %get3A_464 = arith.index_cast %get3A_462 : i64 to index
      %get3A_465 = arith.constant 48 : index
      %get3A_466 = tpu.vector_load %arg9[%get3A_463, %get3A_464, %get3A_465] {strides = array<i32>} : memref<16x1x128xi32, #tpu.memory_space<vmem>>, vector<16xi32>,
      %add3A_467 = arith.addi %add3A_460, %get3A_466 : vector<16xi32>
      %get3A_468 = arith.constant 14 : i64
      %get3A_469 = arith.constant 0 : i64
      %get3A_470 = arith.index_cast %get3A_468 : i64 to index
      %get3A_471 = arith.index_cast %get3A_469 : i64 to index
      %get3A_472 = arith.constant 48 : index
      %get3A_473 = tpu.vector_load %arg9[%get3A_470, %get3A_471, %get3A_472] {strides = array<i32>} : memref<16x1x128xi32, #tpu.memory_space<vmem>>, vector<16xi32>,
      %add3A_474 = arith.addi %add3A_467, %get3A_473 : vector<16xi32>
      %get3A_475 = arith.constant 15 : i64
      %get3A_476 = arith.constant 0 : i64
      %get3A_477 = arith.index_cast %get3A_475 : i64 to index
      %get3A_478 = arith.index_cast %get3A_476 : i64 to index
      %get3A_479 = arith.constant 48 : index
      %get3A_480 = tpu.vector_load %arg9[%get3A_477, %get3A_478, %get3A_479] {strides = array<i32>} : memref<16x1x128xi32, #tpu.memory_space<vmem>>, vector<16xi32>,
      %add3A_481 = arith.addi %add3A_474, %get3A_480 : vector<16xi32>
      %swap3A_482 = arith.constant 48 : index
      %swap3A_483 = tpu.vector_load %arg10[%swap3A_482] {strides = array<i32>} : memref<128xi32, #tpu.memory_space<vmem>>, vector<16xi32>,
      tpu.vector_store %arg10[%swap3A_482], %add3A_481 {strides = array<i32>} : memref<128xi32, #tpu.memory_space<vmem>>, vector<16xi32>,
      %get3A_484 = arith.constant 0 : i64
      %get3A_485 = arith.constant 0 : i64
      %get3A_486 = arith.index_cast %get3A_484 : i64 to index
      %get3A_487 = arith.index_cast %get3A_485 : i64 to index
      %get3A_488 = arith.constant 64 : index
      %get3A_489 = tpu.vector_load %arg9[%get3A_486, %get3A_487, %get3A_488] {strides = array<i32>} : memref<16x1x128xi32, #tpu.memory_space<vmem>>, vector<16xi32>,
      %get3A_490 = arith.constant 1 : i64
      %get3A_491 = arith.constant 0 : i64
      %get3A_492 = arith.index_cast %get3A_490 : i64 to index
      %get3A_493 = arith.index_cast %get3A_491 : i64 to index
      %get3A_494 = arith.constant 64 : index
      %get3A_495 = tpu.vector_load %arg9[%get3A_492, %get3A_493, %get3A_494] {strides = array<i32>} : memref<16x1x128xi32, #tpu.memory_space<vmem>>, vector<16xi32>,
      %add3A_496 = arith.addi %get3A_489, %get3A_495 : vector<16xi32>
      %get3A_497 = arith.constant 2 : i64
      %get3A_498 = arith.constant 0 : i64
      %get3A_499 = arith.index_cast %get3A_497 : i64 to index
      %get3A_500 = arith.index_cast %get3A_498 : i64 to index
      %get3A_501 = arith.constant 64 : index
      %get3A_502 = tpu.vector_load %arg9[%get3A_499, %get3A_500, %get3A_501] {strides = array<i32>} : memref<16x1x128xi32, #tpu.memory_space<vmem>>, vector<16xi32>,
      %add3A_503 = arith.addi %add3A_496, %get3A_502 : vector<16xi32>
      %get3A_504 = arith.constant 3 : i64
      %get3A_505 = arith.constant 0 : i64
      %get3A_506 = arith.index_cast %get3A_504 : i64 to index
      %get3A_507 = arith.index_cast %get3A_505 : i64 to index
      %get3A_508 = arith.constant 64 : index
      %get3A_509 = tpu.vector_load %arg9[%get3A_506, %get3A_507, %get3A_508] {strides = array<i32>} : memref<16x1x128xi32, #tpu.memory_space<vmem>>, vector<16xi32>,
      %add3A_510 = arith.addi %add3A_503, %get3A_509 : vector<16xi32>
      %get3A_511 = arith.constant 4 : i64
      %get3A_512 = arith.constant 0 : i64
      %get3A_513 = arith.index_cast %get3A_511 : i64 to index
      %get3A_514 = arith.index_cast %get3A_512 : i64 to index
      %get3A_515 = arith.constant 64 : index
      %get3A_516 = tpu.vector_load %arg9[%get3A_513, %get3A_514, %get3A_515] {strides = array<i32>} : memref<16x1x128xi32, #tpu.memory_space<vmem>>, vector<16xi32>,
      %add3A_517 = arith.addi %add3A_510, %get3A_516 : vector<16xi32>
      %get3A_518 = arith.constant 5 : i64
      %get3A_519 = arith.constant 0 : i64
      %get3A_520 = arith.index_cast %get3A_518 : i64 to index
      %get3A_521 = arith.index_cast %get3A_519 : i64 to index
      %get3A_522 = arith.constant 64 : index
      %get3A_523 = tpu.vector_load %arg9[%get3A_520, %get3A_521, %get3A_522] {strides = array<i32>} : memref<16x1x128xi32, #tpu.memory_space<vmem>>, vector<16xi32>,
      %add3A_524 = arith.addi %add3A_517, %get3A_523 : vector<16xi32>
      %get3A_525 = arith.constant 6 : i64
      %get3A_526 = arith.constant 0 : i64
      %get3A_527 = arith.index_cast %get3A_525 : i64 to index
      %get3A_528 = arith.index_cast %get3A_526 : i64 to index
      %get3A_529 = arith.constant 64 : index
      %get3A_530 = tpu.vector_load %arg9[%get3A_527, %get3A_528, %get3A_529] {strides = array<i32>} : memref<16x1x128xi32, #tpu.memory_space<vmem>>, vector<16xi32>,
      %add3A_531 = arith.addi %add3A_524, %get3A_530 : vector<16xi32>
      %get3A_532 = arith.constant 7 : i64
      %get3A_533 = arith.constant 0 : i64
      %get3A_534 = arith.index_cast %get3A_532 : i64 to index
      %get3A_535 = arith.index_cast %get3A_533 : i64 to index
      %get3A_536 = arith.constant 64 : index
      %get3A_537 = tpu.vector_load %arg9[%get3A_534, %get3A_535, %get3A_536] {strides = array<i32>} : memref<16x1x128xi32, #tpu.memory_space<vmem>>, vector<16xi32>,
      %add3A_538 = arith.addi %add3A_531, %get3A_537 : vector<16xi32>
      %get3A_539 = arith.constant 8 : i64
      %get3A_540 = arith.constant 0 : i64
      %get3A_541 = arith.index_cast %get3A_539 : i64 to index
      %get3A_542 = arith.index_cast %get3A_540 : i64 to index
      %get3A_543 = arith.constant 64 : index
      %get3A_544 = tpu.vector_load %arg9[%get3A_541, %get3A_542, %get3A_543] {strides = array<i32>} : memref<16x1x128xi32, #tpu.memory_space<vmem>>, vector<16xi32>,
      %add3A_545 = arith.addi %add3A_538, %get3A_544 : vector<16xi32>
      %get3A_546 = arith.constant 9 : i64
      %get3A_547 = arith.constant 0 : i64
      %get3A_548 = arith.index_cast %get3A_546 : i64 to index
      %get3A_549 = arith.index_cast %get3A_547 : i64 to index
      %get3A_550 = arith.constant 64 : index
      %get3A_551 = tpu.vector_load %arg9[%get3A_548, %get3A_549, %get3A_550] {strides = array<i32>} : memref<16x1x128xi32, #tpu.memory_space<vmem>>, vector<16xi32>,
      %add3A_552 = arith.addi %add3A_545, %get3A_551 : vector<16xi32>
      %get3A_553 = arith.constant 10 : i64
      %get3A_554 = arith.constant 0 : i64
      %get3A_555 = arith.index_cast %get3A_553 : i64 to index
      %get3A_556 = arith.index_cast %get3A_554 : i64 to index
      %get3A_557 = arith.constant 64 : index
      %get3A_558 = tpu.vector_load %arg9[%get3A_555, %get3A_556, %get3A_557] {strides = array<i32>} : memref<16x1x128xi32, #tpu.memory_space<vmem>>, vector<16xi32>,
      %add3A_559 = arith.addi %add3A_552, %get3A_558 : vector<16xi32>
      %get3A_560 = arith.constant 11 : i64
      %get3A_561 = arith.constant 0 : i64
      %get3A_562 = arith.index_cast %get3A_560 : i64 to index
      %get3A_563 = arith.index_cast %get3A_561 : i64 to index
      %get3A_564 = arith.constant 64 : index
      %get3A_565 = tpu.vector_load %arg9[%get3A_562, %get3A_563, %get3A_564] {strides = array<i32>} : memref<16x1x128xi32, #tpu.memory_space<vmem>>, vector<16xi32>,
      %add3A_566 = arith.addi %add3A_559, %get3A_565 : vector<16xi32>
      %get3A_567 = arith.constant 12 : i64
      %get3A_568 = arith.constant 0 : i64
      %get3A_569 = arith.index_cast %get3A_567 : i64 to index
      %get3A_570 = arith.index_cast %get3A_568 : i64 to index
      %get3A_571 = arith.constant 64 : index
      %get3A_572 = tpu.vector_load %arg9[%get3A_569, %get3A_570, %get3A_571] {strides = array<i32>} : memref<16x1x128xi32, #tpu.memory_space<vmem>>, vector<16xi32>,
      %add3A_573 = arith.addi %add3A_566, %get3A_572 : vector<16xi32>
      %get3A_574 = arith.constant 13 : i64
      %get3A_575 = arith.constant 0 : i64
      %get3A_576 = arith.index_cast %get3A_574 : i64 to index
      %get3A_577 = arith.index_cast %get3A_575 : i64 to index
      %get3A_578 = arith.constant 64 : index
      %get3A_579 = tpu.vector_load %arg9[%get3A_576, %get3A_577, %get3A_578] {strides = array<i32>} : memref<16x1x128xi32, #tpu.memory_space<vmem>>, vector<16xi32>,
      %add3A_580 = arith.addi %add3A_573, %get3A_579 : vector<16xi32>
      %get3A_581 = arith.constant 14 : i64
      %get3A_582 = arith.constant 0 : i64
      %get3A_583 = arith.index_cast %get3A_581 : i64 to index
      %get3A_584 = arith.index_cast %get3A_582 : i64 to index
      %get3A_585 = arith.constant 64 : index
      %get3A_586 = tpu.vector_load %arg9[%get3A_583, %get3A_584, %get3A_585] {strides = array<i32>} : memref<16x1x128xi32, #tpu.memory_space<vmem>>, vector<16xi32>,
      %add3A_587 = arith.addi %add3A_580, %get3A_586 : vector<16xi32>
      %get3A_588 = arith.constant 15 : i64
      %get3A_589 = arith.constant 0 : i64
      %get3A_590 = arith.index_cast %get3A_588 : i64 to index
      %get3A_591 = arith.index_cast %get3A_589 : i64 to index
      %get3A_592 = arith.constant 64 : index
      %get3A_593 = tpu.vector_load %arg9[%get3A_590, %get3A_591, %get3A_592] {strides = array<i32>} : memref<16x1x128xi32, #tpu.memory_space<vmem>>, vector<16xi32>,
      %add3A_594 = arith.addi %add3A_587, %get3A_593 : vector<16xi32>
      %swap3A_595 = arith.constant 64 : index
      %swap3A_596 = tpu.vector_load %arg10[%swap3A_595] {strides = array<i32>} : memref<128xi32, #tpu.memory_space<vmem>>, vector<16xi32>,
      tpu.vector_store %arg10[%swap3A_595], %add3A_594 {strides = array<i32>} : memref<128xi32, #tpu.memory_space<vmem>>, vector<16xi32>,
      %get3A_597 = arith.constant 0 : i64
      %get3A_598 = arith.constant 0 : i64
      %get3A_599 = arith.index_cast %get3A_597 : i64 to index
      %get3A_600 = arith.index_cast %get3A_598 : i64 to index
      %get3A_601 = arith.constant 80 : index
      %get3A_602 = tpu.vector_load %arg9[%get3A_599, %get3A_600, %get3A_601] {strides = array<i32>} : memref<16x1x128xi32, #tpu.memory_space<vmem>>, vector<16xi32>,
      %get3A_603 = arith.constant 1 : i64
      %get3A_604 = arith.constant 0 : i64
      %get3A_605 = arith.index_cast %get3A_603 : i64 to index
      %get3A_606 = arith.index_cast %get3A_604 : i64 to index
      %get3A_607 = arith.constant 80 : index
      %get3A_608 = tpu.vector_load %arg9[%get3A_605, %get3A_606, %get3A_607] {strides = array<i32>} : memref<16x1x128xi32, #tpu.memory_space<vmem>>, vector<16xi32>,
      %add3A_609 = arith.addi %get3A_602, %get3A_608 : vector<16xi32>
      %get3A_610 = arith.constant 2 : i64
      %get3A_611 = arith.constant 0 : i64
      %get3A_612 = arith.index_cast %get3A_610 : i64 to index
      %get3A_613 = arith.index_cast %get3A_611 : i64 to index
      %get3A_614 = arith.constant 80 : index
      %get3A_615 = tpu.vector_load %arg9[%get3A_612, %get3A_613, %get3A_614] {strides = array<i32>} : memref<16x1x128xi32, #tpu.memory_space<vmem>>, vector<16xi32>,
      %add3A_616 = arith.addi %add3A_609, %get3A_615 : vector<16xi32>
      %get3A_617 = arith.constant 3 : i64
      %get3A_618 = arith.constant 0 : i64
      %get3A_619 = arith.index_cast %get3A_617 : i64 to index
      %get3A_620 = arith.index_cast %get3A_618 : i64 to index
      %get3A_621 = arith.constant 80 : index
      %get3A_622 = tpu.vector_load %arg9[%get3A_619, %get3A_620, %get3A_621] {strides = array<i32>} : memref<16x1x128xi32, #tpu.memory_space<vmem>>, vector<16xi32>,
      %add3A_623 = arith.addi %add3A_616, %get3A_622 : vector<16xi32>
      %get3A_624 = arith.constant 4 : i64
      %get3A_625 = arith.constant 0 : i64
      %get3A_626 = arith.index_cast %get3A_624 : i64 to index
      %get3A_627 = arith.index_cast %get3A_625 : i64 to index
      %get3A_628 = arith.constant 80 : index
      %get3A_629 = tpu.vector_load %arg9[%get3A_626, %get3A_627, %get3A_628] {strides = array<i32>} : memref<16x1x128xi32, #tpu.memory_space<vmem>>, vector<16xi32>,
      %add3A_630 = arith.addi %add3A_623, %get3A_629 : vector<16xi32>
      %get3A_631 = arith.constant 5 : i64
      %get3A_632 = arith.constant 0 : i64
      %get3A_633 = arith.index_cast %get3A_631 : i64 to index
      %get3A_634 = arith.index_cast %get3A_632 : i64 to index
      %get3A_635 = arith.constant 80 : index
      %get3A_636 = tpu.vector_load %arg9[%get3A_633, %get3A_634, %get3A_635] {strides = array<i32>} : memref<16x1x128xi32, #tpu.memory_space<vmem>>, vector<16xi32>,
      %add3A_637 = arith.addi %add3A_630, %get3A_636 : vector<16xi32>
      %get3A_638 = arith.constant 6 : i64
      %get3A_639 = arith.constant 0 : i64
      %get3A_640 = arith.index_cast %get3A_638 : i64 to index
      %get3A_641 = arith.index_cast %get3A_639 : i64 to index
      %get3A_642 = arith.constant 80 : index
      %get3A_643 = tpu.vector_load %arg9[%get3A_640, %get3A_641, %get3A_642] {strides = array<i32>} : memref<16x1x128xi32, #tpu.memory_space<vmem>>, vector<16xi32>,
      %add3A_644 = arith.addi %add3A_637, %get3A_643 : vector<16xi32>
      %get3A_645 = arith.constant 7 : i64
      %get3A_646 = arith.constant 0 : i64
      %get3A_647 = arith.index_cast %get3A_645 : i64 to index
      %get3A_648 = arith.index_cast %get3A_646 : i64 to index
      %get3A_649 = arith.constant 80 : index
      %get3A_650 = tpu.vector_load %arg9[%get3A_647, %get3A_648, %get3A_649] {strides = array<i32>} : memref<16x1x128xi32, #tpu.memory_space<vmem>>, vector<16xi32>,
      %add3A_651 = arith.addi %add3A_644, %get3A_650 : vector<16xi32>
      %get3A_652 = arith.constant 8 : i64
      %get3A_653 = arith.constant 0 : i64
      %get3A_654 = arith.index_cast %get3A_652 : i64 to index
      %get3A_655 = arith.index_cast %get3A_653 : i64 to index
      %get3A_656 = arith.constant 80 : index
      %get3A_657 = tpu.vector_load %arg9[%get3A_654, %get3A_655, %get3A_656] {strides = array<i32>} : memref<16x1x128xi32, #tpu.memory_space<vmem>>, vector<16xi32>,
      %add3A_658 = arith.addi %add3A_651, %get3A_657 : vector<16xi32>
      %get3A_659 = arith.constant 9 : i64
      %get3A_660 = arith.constant 0 : i64
      %get3A_661 = arith.index_cast %get3A_659 : i64 to index
      %get3A_662 = arith.index_cast %get3A_660 : i64 to index
      %get3A_663 = arith.constant 80 : index
      %get3A_664 = tpu.vector_load %arg9[%get3A_661, %get3A_662, %get3A_663] {strides = array<i32>} : memref<16x1x128xi32, #tpu.memory_space<vmem>>, vector<16xi32>,
      %add3A_665 = arith.addi %add3A_658, %get3A_664 : vector<16xi32>
      %get3A_666 = arith.constant 10 : i64
      %get3A_667 = arith.constant 0 : i64
      %get3A_668 = arith.index_cast %get3A_666 : i64 to index
      %get3A_669 = arith.index_cast %get3A_667 : i64 to index
      %get3A_670 = arith.constant 80 : index
      %get3A_671 = tpu.vector_load %arg9[%get3A_668, %get3A_669, %get3A_670] {strides = array<i32>} : memref<16x1x128xi32, #tpu.memory_space<vmem>>, vector<16xi32>,
      %add3A_672 = arith.addi %add3A_665, %get3A_671 : vector<16xi32>
      %get3A_673 = arith.constant 11 : i64
      %get3A_674 = arith.constant 0 : i64
      %get3A_675 = arith.index_cast %get3A_673 : i64 to index
      %get3A_676 = arith.index_cast %get3A_674 : i64 to index
      %get3A_677 = arith.constant 80 : index
      %get3A_678 = tpu.vector_load %arg9[%get3A_675, %get3A_676, %get3A_677] {strides = array<i32>} : memref<16x1x128xi32, #tpu.memory_space<vmem>>, vector<16xi32>,
      %add3A_679 = arith.addi %add3A_672, %get3A_678 : vector<16xi32>
      %get3A_680 = arith.constant 12 : i64
      %get3A_681 = arith.constant 0 : i64
      %get3A_682 = arith.index_cast %get3A_680 : i64 to index
      %get3A_683 = arith.index_cast %get3A_681 : i64 to index
      %get3A_684 = arith.constant 80 : index
      %get3A_685 = tpu.vector_load %arg9[%get3A_682, %get3A_683, %get3A_684] {strides = array<i32>} : memref<16x1x128xi32, #tpu.memory_space<vmem>>, vector<16xi32>,
      %add3A_686 = arith.addi %add3A_679, %get3A_685 : vector<16xi32>
      %get3A_687 = arith.constant 13 : i64
      %get3A_688 = arith.constant 0 : i64
      %get3A_689 = arith.index_cast %get3A_687 : i64 to index
      %get3A_690 = arith.index_cast %get3A_688 : i64 to index
      %get3A_691 = arith.constant 80 : index
      %get3A_692 = tpu.vector_load %arg9[%get3A_689, %get3A_690, %get3A_691] {strides = array<i32>} : memref<16x1x128xi32, #tpu.memory_space<vmem>>, vector<16xi32>,
      %add3A_693 = arith.addi %add3A_686, %get3A_692 : vector<16xi32>
      %get3A_694 = arith.constant 14 : i64
      %get3A_695 = arith.constant 0 : i64
      %get3A_696 = arith.index_cast %get3A_694 : i64 to index
      %get3A_697 = arith.index_cast %get3A_695 : i64 to index
      %get3A_698 = arith.constant 80 : index
      %get3A_699 = tpu.vector_load %arg9[%get3A_696, %get3A_697, %get3A_698] {strides = array<i32>} : memref<16x1x128xi32, #tpu.memory_space<vmem>>, vector<16xi32>,
      %add3A_700 = arith.addi %add3A_693, %get3A_699 : vector<16xi32>
      %get3A_701 = arith.constant 15 : i64
      %get3A_702 = arith.constant 0 : i64
      %get3A_703 = arith.index_cast %get3A_701 : i64 to index
      %get3A_704 = arith.index_cast %get3A_702 : i64 to index
      %get3A_705 = arith.constant 80 : index
      %get3A_706 = tpu.vector_load %arg9[%get3A_703, %get3A_704, %get3A_705] {strides = array<i32>} : memref<16x1x128xi32, #tpu.memory_space<vmem>>, vector<16xi32>,
      %add3A_707 = arith.addi %add3A_700, %get3A_706 : vector<16xi32>
      %swap3A_708 = arith.constant 80 : index
      %swap3A_709 = tpu.vector_load %arg10[%swap3A_708] {strides = array<i32>} : memref<128xi32, #tpu.memory_space<vmem>>, vector<16xi32>,
      tpu.vector_store %arg10[%swap3A_708], %add3A_707 {strides = array<i32>} : memref<128xi32, #tpu.memory_space<vmem>>, vector<16xi32>,
      %get3A_710 = arith.constant 0 : i64
      %get3A_711 = arith.constant 0 : i64
      %get3A_712 = arith.index_cast %get3A_710 : i64 to index
      %get3A_713 = arith.index_cast %get3A_711 : i64 to index
      %get3A_714 = arith.constant 96 : index
      %get3A_715 = tpu.vector_load %arg9[%get3A_712, %get3A_713, %get3A_714] {strides = array<i32>} : memref<16x1x128xi32, #tpu.memory_space<vmem>>, vector<16xi32>,
      %get3A_716 = arith.constant 1 : i64
      %get3A_717 = arith.constant 0 : i64
      %get3A_718 = arith.index_cast %get3A_716 : i64 to index
      %get3A_719 = arith.index_cast %get3A_717 : i64 to index
      %get3A_720 = arith.constant 96 : index
      %get3A_721 = tpu.vector_load %arg9[%get3A_718, %get3A_719, %get3A_720] {strides = array<i32>} : memref<16x1x128xi32, #tpu.memory_space<vmem>>, vector<16xi32>,
      %add3A_722 = arith.addi %get3A_715, %get3A_721 : vector<16xi32>
      %get3A_723 = arith.constant 2 : i64
      %get3A_724 = arith.constant 0 : i64
      %get3A_725 = arith.index_cast %get3A_723 : i64 to index
      %get3A_726 = arith.index_cast %get3A_724 : i64 to index
      %get3A_727 = arith.constant 96 : index
      %get3A_728 = tpu.vector_load %arg9[%get3A_725, %get3A_726, %get3A_727] {strides = array<i32>} : memref<16x1x128xi32, #tpu.memory_space<vmem>>, vector<16xi32>,
      %add3A_729 = arith.addi %add3A_722, %get3A_728 : vector<16xi32>
      %get3A_730 = arith.constant 3 : i64
      %get3A_731 = arith.constant 0 : i64
      %get3A_732 = arith.index_cast %get3A_730 : i64 to index
      %get3A_733 = arith.index_cast %get3A_731 : i64 to index
      %get3A_734 = arith.constant 96 : index
      %get3A_735 = tpu.vector_load %arg9[%get3A_732, %get3A_733, %get3A_734] {strides = array<i32>} : memref<16x1x128xi32, #tpu.memory_space<vmem>>, vector<16xi32>,
      %add3A_736 = arith.addi %add3A_729, %get3A_735 : vector<16xi32>
      %get3A_737 = arith.constant 4 : i64
      %get3A_738 = arith.constant 0 : i64
      %get3A_739 = arith.index_cast %get3A_737 : i64 to index
      %get3A_740 = arith.index_cast %get3A_738 : i64 to index
      %get3A_741 = arith.constant 96 : index
      %get3A_742 = tpu.vector_load %arg9[%get3A_739, %get3A_740, %get3A_741] {strides = array<i32>} : memref<16x1x128xi32, #tpu.memory_space<vmem>>, vector<16xi32>,
      %add3A_743 = arith.addi %add3A_736, %get3A_742 : vector<16xi32>
      %get3A_744 = arith.constant 5 : i64
      %get3A_745 = arith.constant 0 : i64
      %get3A_746 = arith.index_cast %get3A_744 : i64 to index
      %get3A_747 = arith.index_cast %get3A_745 : i64 to index
      %get3A_748 = arith.constant 96 : index
      %get3A_749 = tpu.vector_load %arg9[%get3A_746, %get3A_747, %get3A_748] {strides = array<i32>} : memref<16x1x128xi32, #tpu.memory_space<vmem>>, vector<16xi32>,
      %add3A_750 = arith.addi %add3A_743, %get3A_749 : vector<16xi32>
      %get3A_751 = arith.constant 6 : i64
      %get3A_752 = arith.constant 0 : i64
      %get3A_753 = arith.index_cast %get3A_751 : i64 to index
      %get3A_754 = arith.index_cast %get3A_752 : i64 to index
      %get3A_755 = arith.constant 96 : index
      %get3A_756 = tpu.vector_load %arg9[%get3A_753, %get3A_754, %get3A_755] {strides = array<i32>} : memref<16x1x128xi32, #tpu.memory_space<vmem>>, vector<16xi32>,
      %add3A_757 = arith.addi %add3A_750, %get3A_756 : vector<16xi32>
      %get3A_758 = arith.constant 7 : i64
      %get3A_759 = arith.constant 0 : i64
      %get3A_760 = arith.index_cast %get3A_758 : i64 to index
      %get3A_761 = arith.index_cast %get3A_759 : i64 to index
      %get3A_762 = arith.constant 96 : index
      %get3A_763 = tpu.vector_load %arg9[%get3A_760, %get3A_761, %get3A_762] {strides = array<i32>} : memref<16x1x128xi32, #tpu.memory_space<vmem>>, vector<16xi32>,
      %add3A_764 = arith.addi %add3A_757, %get3A_763 : vector<16xi32>
      %get3A_765 = arith.constant 8 : i64
      %get3A_766 = arith.constant 0 : i64
      %get3A_767 = arith.index_cast %get3A_765 : i64 to index
      %get3A_768 = arith.index_cast %get3A_766 : i64 to index
      %get3A_769 = arith.constant 96 : index
      %get3A_770 = tpu.vector_load %arg9[%get3A_767, %get3A_768, %get3A_769] {strides = array<i32>} : memref<16x1x128xi32, #tpu.memory_space<vmem>>, vector<16xi32>,
      %add3A_771 = arith.addi %add3A_764, %get3A_770 : vector<16xi32>
      %get3A_772 = arith.constant 9 : i64
      %get3A_773 = arith.constant 0 : i64
      %get3A_774 = arith.index_cast %get3A_772 : i64 to index
      %get3A_775 = arith.index_cast %get3A_773 : i64 to index
      %get3A_776 = arith.constant 96 : index
      %get3A_777 = tpu.vector_load %arg9[%get3A_774, %get3A_775, %get3A_776] {strides = array<i32>} : memref<16x1x128xi32, #tpu.memory_space<vmem>>, vector<16xi32>,
      %add3A_778 = arith.addi %add3A_771, %get3A_777 : vector<16xi32>
      %get3A_779 = arith.constant 10 : i64
      %get3A_780 = arith.constant 0 : i64
      %get3A_781 = arith.index_cast %get3A_779 : i64 to index
      %get3A_782 = arith.index_cast %get3A_780 : i64 to index
      %get3A_783 = arith.constant 96 : index
      %get3A_784 = tpu.vector_load %arg9[%get3A_781, %get3A_782, %get3A_783] {strides = array<i32>} : memref<16x1x128xi32, #tpu.memory_space<vmem>>, vector<16xi32>,
      %add3A_785 = arith.addi %add3A_778, %get3A_784 : vector<16xi32>
      %get3A_786 = arith.constant 11 : i64
      %get3A_787 = arith.constant 0 : i64
      %get3A_788 = arith.index_cast %get3A_786 : i64 to index
      %get3A_789 = arith.index_cast %get3A_787 : i64 to index
      %get3A_790 = arith.constant 96 : index
      %get3A_791 = tpu.vector_load %arg9[%get3A_788, %get3A_789, %get3A_790] {strides = array<i32>} : memref<16x1x128xi32, #tpu.memory_space<vmem>>, vector<16xi32>,
      %add3A_792 = arith.addi %add3A_785, %get3A_791 : vector<16xi32>
      %get3A_793 = arith.constant 12 : i64
      %get3A_794 = arith.constant 0 : i64
      %get3A_795 = arith.index_cast %get3A_793 : i64 to index
      %get3A_796 = arith.index_cast %get3A_794 : i64 to index
      %get3A_797 = arith.constant 96 : index
      %get3A_798 = tpu.vector_load %arg9[%get3A_795, %get3A_796, %get3A_797] {strides = array<i32>} : memref<16x1x128xi32, #tpu.memory_space<vmem>>, vector<16xi32>,
      %add3A_799 = arith.addi %add3A_792, %get3A_798 : vector<16xi32>
      %get3A_800 = arith.constant 13 : i64
      %get3A_801 = arith.constant 0 : i64
      %get3A_802 = arith.index_cast %get3A_800 : i64 to index
      %get3A_803 = arith.index_cast %get3A_801 : i64 to index
      %get3A_804 = arith.constant 96 : index
      %get3A_805 = tpu.vector_load %arg9[%get3A_802, %get3A_803, %get3A_804] {strides = array<i32>} : memref<16x1x128xi32, #tpu.memory_space<vmem>>, vector<16xi32>,
      %add3A_806 = arith.addi %add3A_799, %get3A_805 : vector<16xi32>
      %get3A_807 = arith.constant 14 : i64
      %get3A_808 = arith.constant 0 : i64
      %get3A_809 = arith.index_cast %get3A_807 : i64 to index
      %get3A_810 = arith.index_cast %get3A_808 : i64 to index
      %get3A_811 = arith.constant 96 : index
      %get3A_812 = tpu.vector_load %arg9[%get3A_809, %get3A_810, %get3A_811] {strides = array<i32>} : memref<16x1x128xi32, #tpu.memory_space<vmem>>, vector<16xi32>,
      %add3A_813 = arith.addi %add3A_806, %get3A_812 : vector<16xi32>
      %get3A_814 = arith.constant 15 : i64
      %get3A_815 = arith.constant 0 : i64
      %get3A_816 = arith.index_cast %get3A_814 : i64 to index
      %get3A_817 = arith.index_cast %get3A_815 : i64 to index
      %get3A_818 = arith.constant 96 : index
      %get3A_819 = tpu.vector_load %arg9[%get3A_816, %get3A_817, %get3A_818] {strides = array<i32>} : memref<16x1x128xi32, #tpu.memory_space<vmem>>, vector<16xi32>,
      %add3A_820 = arith.addi %add3A_813, %get3A_819 : vector<16xi32>
      %swap3A_821 = arith.constant 96 : index
      %swap3A_822 = tpu.vector_load %arg10[%swap3A_821] {strides = array<i32>} : memref<128xi32, #tpu.memory_space<vmem>>, vector<16xi32>,
      tpu.vector_store %arg10[%swap3A_821], %add3A_820 {strides = array<i32>} : memref<128xi32, #tpu.memory_space<vmem>>, vector<16xi32>,
      %get3A_823 = arith.constant 0 : i64
      %get3A_824 = arith.constant 0 : i64
      %get3A_825 = arith.index_cast %get3A_823 : i64 to index
      %get3A_826 = arith.index_cast %get3A_824 : i64 to index
      %get3A_827 = arith.constant 112 : index
      %get3A_828 = tpu.vector_load %arg9[%get3A_825, %get3A_826, %get3A_827] {strides = array<i32>} : memref<16x1x128xi32, #tpu.memory_space<vmem>>, vector<16xi32>,
      %get3A_829 = arith.constant 1 : i64
      %get3A_830 = arith.constant 0 : i64
      %get3A_831 = arith.index_cast %get3A_829 : i64 to index
      %get3A_832 = arith.index_cast %get3A_830 : i64 to index
      %get3A_833 = arith.constant 112 : index
      %get3A_834 = tpu.vector_load %arg9[%get3A_831, %get3A_832, %get3A_833] {strides = array<i32>} : memref<16x1x128xi32, #tpu.memory_space<vmem>>, vector<16xi32>,
      %add3A_835 = arith.addi %get3A_828, %get3A_834 : vector<16xi32>
      %get3A_836 = arith.constant 2 : i64
      %get3A_837 = arith.constant 0 : i64
      %get3A_838 = arith.index_cast %get3A_836 : i64 to index
      %get3A_839 = arith.index_cast %get3A_837 : i64 to index
      %get3A_840 = arith.constant 112 : index
      %get3A_841 = tpu.vector_load %arg9[%get3A_838, %get3A_839, %get3A_840] {strides = array<i32>} : memref<16x1x128xi32, #tpu.memory_space<vmem>>, vector<16xi32>,
      %add3A_842 = arith.addi %add3A_835, %get3A_841 : vector<16xi32>
      %get3A_843 = arith.constant 3 : i64
      %get3A_844 = arith.constant 0 : i64
      %get3A_845 = arith.index_cast %get3A_843 : i64 to index
      %get3A_846 = arith.index_cast %get3A_844 : i64 to index
      %get3A_847 = arith.constant 112 : index
      %get3A_848 = tpu.vector_load %arg9[%get3A_845, %get3A_846, %get3A_847] {strides = array<i32>} : memref<16x1x128xi32, #tpu.memory_space<vmem>>, vector<16xi32>,
      %add3A_849 = arith.addi %add3A_842, %get3A_848 : vector<16xi32>
      %get3A_850 = arith.constant 4 : i64
      %get3A_851 = arith.constant 0 : i64
      %get3A_852 = arith.index_cast %get3A_850 : i64 to index
      %get3A_853 = arith.index_cast %get3A_851 : i64 to index
      %get3A_854 = arith.constant 112 : index
      %get3A_855 = tpu.vector_load %arg9[%get3A_852, %get3A_853, %get3A_854] {strides = array<i32>} : memref<16x1x128xi32, #tpu.memory_space<vmem>>, vector<16xi32>,
      %add3A_856 = arith.addi %add3A_849, %get3A_855 : vector<16xi32>
      %get3A_857 = arith.constant 5 : i64
      %get3A_858 = arith.constant 0 : i64
      %get3A_859 = arith.index_cast %get3A_857 : i64 to index
      %get3A_860 = arith.index_cast %get3A_858 : i64 to index
      %get3A_861 = arith.constant 112 : index
      %get3A_862 = tpu.vector_load %arg9[%get3A_859, %get3A_860, %get3A_861] {strides = array<i32>} : memref<16x1x128xi32, #tpu.memory_space<vmem>>, vector<16xi32>,
      %add3A_863 = arith.addi %add3A_856, %get3A_862 : vector<16xi32>
      %get3A_864 = arith.constant 6 : i64
      %get3A_865 = arith.constant 0 : i64
      %get3A_866 = arith.index_cast %get3A_864 : i64 to index
      %get3A_867 = arith.index_cast %get3A_865 : i64 to index
      %get3A_868 = arith.constant 112 : index
      %get3A_869 = tpu.vector_load %arg9[%get3A_866, %get3A_867, %get3A_868] {strides = array<i32>} : memref<16x1x128xi32, #tpu.memory_space<vmem>>, vector<16xi32>,
      %add3A_870 = arith.addi %add3A_863, %get3A_869 : vector<16xi32>
      %get3A_871 = arith.constant 7 : i64
      %get3A_872 = arith.constant 0 : i64
      %get3A_873 = arith.index_cast %get3A_871 : i64 to index
      %get3A_874 = arith.index_cast %get3A_872 : i64 to index
      %get3A_875 = arith.constant 112 : index
      %get3A_876 = tpu.vector_load %arg9[%get3A_873, %get3A_874, %get3A_875] {strides = array<i32>} : memref<16x1x128xi32, #tpu.memory_space<vmem>>, vector<16xi32>,
      %add3A_877 = arith.addi %add3A_870, %get3A_876 : vector<16xi32>
      %get3A_878 = arith.constant 8 : i64
      %get3A_879 = arith.constant 0 : i64
      %get3A_880 = arith.index_cast %get3A_878 : i64 to index
      %get3A_881 = arith.index_cast %get3A_879 : i64 to index
      %get3A_882 = arith.constant 112 : index
      %get3A_883 = tpu.vector_load %arg9[%get3A_880, %get3A_881, %get3A_882] {strides = array<i32>} : memref<16x1x128xi32, #tpu.memory_space<vmem>>, vector<16xi32>,
      %add3A_884 = arith.addi %add3A_877, %get3A_883 : vector<16xi32>
      %get3A_885 = arith.constant 9 : i64
      %get3A_886 = arith.constant 0 : i64
      %get3A_887 = arith.index_cast %get3A_885 : i64 to index
      %get3A_888 = arith.index_cast %get3A_886 : i64 to index
      %get3A_889 = arith.constant 112 : index
      %get3A_890 = tpu.vector_load %arg9[%get3A_887, %get3A_888, %get3A_889] {strides = array<i32>} : memref<16x1x128xi32, #tpu.memory_space<vmem>>, vector<16xi32>,
      %add3A_891 = arith.addi %add3A_884, %get3A_890 : vector<16xi32>
      %get3A_892 = arith.constant 10 : i64
      %get3A_893 = arith.constant 0 : i64
      %get3A_894 = arith.index_cast %get3A_892 : i64 to index
      %get3A_895 = arith.index_cast %get3A_893 : i64 to index
      %get3A_896 = arith.constant 112 : index
      %get3A_897 = tpu.vector_load %arg9[%get3A_894, %get3A_895, %get3A_896] {strides = array<i32>} : memref<16x1x128xi32, #tpu.memory_space<vmem>>, vector<16xi32>,
      %add3A_898 = arith.addi %add3A_891, %get3A_897 : vector<16xi32>
      %get3A_899 = arith.constant 11 : i64
      %get3A_900 = arith.constant 0 : i64
      %get3A_901 = arith.index_cast %get3A_899 : i64 to index
      %get3A_902 = arith.index_cast %get3A_900 : i64 to index
      %get3A_903 = arith.constant 112 : index
      %get3A_904 = tpu.vector_load %arg9[%get3A_901, %get3A_902, %get3A_903] {strides = array<i32>} : memref<16x1x128xi32, #tpu.memory_space<vmem>>, vector<16xi32>,
      %add3A_905 = arith.addi %add3A_898, %get3A_904 : vector<16xi32>
      %get3A_906 = arith.constant 12 : i64
      %get3A_907 = arith.constant 0 : i64
      %get3A_908 = arith.index_cast %get3A_906 : i64 to index
      %get3A_909 = arith.index_cast %get3A_907 : i64 to index
      %get3A_910 = arith.constant 112 : index
      %get3A_911 = tpu.vector_load %arg9[%get3A_908, %get3A_909, %get3A_910] {strides = array<i32>} : memref<16x1x128xi32, #tpu.memory_space<vmem>>, vector<16xi32>,
      %add3A_912 = arith.addi %add3A_905, %get3A_911 : vector<16xi32>
      %get3A_913 = arith.constant 13 : i64
      %get3A_914 = arith.constant 0 : i64
      %get3A_915 = arith.index_cast %get3A_913 : i64 to index
      %get3A_916 = arith.index_cast %get3A_914 : i64 to index
      %get3A_917 = arith.constant 112 : index
      %get3A_918 = tpu.vector_load %arg9[%get3A_915, %get3A_916, %get3A_917] {strides = array<i32>} : memref<16x1x128xi32, #tpu.memory_space<vmem>>, vector<16xi32>,
      %add3A_919 = arith.addi %add3A_912, %get3A_918 : vector<16xi32>
      %get3A_920 = arith.constant 14 : i64
      %get3A_921 = arith.constant 0 : i64
      %get3A_922 = arith.index_cast %get3A_920 : i64 to index
      %get3A_923 = arith.index_cast %get3A_921 : i64 to index
      %get3A_924 = arith.constant 112 : index
      %get3A_925 = tpu.vector_load %arg9[%get3A_922, %get3A_923, %get3A_924] {strides = array<i32>} : memref<16x1x128xi32, #tpu.memory_space<vmem>>, vector<16xi32>,
      %add3A_926 = arith.addi %add3A_919, %get3A_925 : vector<16xi32>
      %get3A_927 = arith.constant 15 : i64
      %get3A_928 = arith.constant 0 : i64
      %get3A_929 = arith.index_cast %get3A_927 : i64 to index
      %get3A_930 = arith.index_cast %get3A_928 : i64 to index
      %get3A_931 = arith.constant 112 : index
      %get3A_932 = tpu.vector_load %arg9[%get3A_929, %get3A_930, %get3A_931] {strides = array<i32>} : memref<16x1x128xi32, #tpu.memory_space<vmem>>, vector<16xi32>,
      %add3A_933 = arith.addi %add3A_926, %get3A_932 : vector<16xi32>
      %swap3A_934 = arith.constant 112 : index
      %swap3A_935 = tpu.vector_load %arg10[%swap3A_934] {strides = array<i32>} : memref<128xi32, #tpu.memory_space<vmem>>, vector<16xi32>,
      tpu.vector_store %arg10[%swap3A_934], %add3A_933 {strides = array<i32>} : memref<128xi32, #tpu.memory_space<vmem>>, vector<16xi32>,
      %run_scoped3A = arith.constant 0 : i32
      "tpu.region"() ({
        %run_scoped3A_936 = tpu.sem_alloc : memref<!tpu.dma_semaphore, #tpu.memory_space<semaphore_mem>>
        %dma_start3A = tpu.memref_slice %arg4[%arg0, %run_scoped3A, %multiple_of3A_33] : memref<2x1x1024xi32, #tpu.memory_space<hbm>> -> memref<1x1x128xi32, #tpu.memory_space<hbm>>
        %dma_start3A_937 = tpu.memref_squeeze %dma_start3A : memref<1x1x128xi32, #tpu.memory_space<hbm>> -> memref<128xi32, #tpu.memory_space<hbm>>
        %dma_start3A_938 = tpu.memref_slice %arg4[%arg0, %run_scoped3A, %multiple_of3A_33] : memref<2x1x1024xi32, #tpu.memory_space<hbm>> -> memref<1x1x128xi32, #tpu.memory_space<hbm>>
        %dma_start3A_939 = tpu.memref_squeeze %dma_start3A_938 : memref<1x1x128xi32, #tpu.memory_space<hbm>> -> memref<128xi32, #tpu.memory_space<hbm>>
        tpu.enqueue_dma source(%arg10 : memref<128xi32, #tpu.memory_space<vmem>>) target(%dma_start3A_939 : memref<128xi32, #tpu.memory_space<hbm>>) target_semaphore(%run_scoped3A_936 : memref<!tpu.dma_semaphore, #tpu.memory_space<semaphore_mem>>)
        %dma_wait3A = tpu.memref_slice %arg4[%arg0, %run_scoped3A, %multiple_of3A_33] : memref<2x1x1024xi32, #tpu.memory_space<hbm>> -> memref<1x1x128xi32, #tpu.memory_space<hbm>>
        %dma_wait3A_940 = tpu.memref_squeeze %dma_wait3A : memref<1x1x128xi32, #tpu.memory_space<hbm>> -> memref<128xi32, #tpu.memory_space<hbm>>
        %dma_wait3A_941 = tpu.memref_slice %arg4[%arg0, %run_scoped3A, %multiple_of3A_33] : memref<2x1x1024xi32, #tpu.memory_space<hbm>> -> memref<1x1x128xi32, #tpu.memory_space<hbm>>
        %dma_wait3A_942 = tpu.memref_squeeze %dma_wait3A_941 : memref<1x1x128xi32, #tpu.memory_space<hbm>> -> memref<128xi32, #tpu.memory_space<hbm>>
        tpu.wait_dma2 semaphore(%run_scoped3A_936 : memref<!tpu.dma_semaphore, #tpu.memory_space<semaphore_mem>>) src(%arg10 : memref<128xi32, #tpu.memory_space<vmem>>) dst(%dma_wait3A_942 : memref<128xi32, #tpu.memory_space<hbm>>)
        tpu.yield
      }) : () -> ()
    } else {
    }
    return
  }
}

module attributes {stable_mosaic.version = 14 : i64} {
  func.func @_greedy_body(%arg0: memref<2x32x32xi32, #tpu.memory_space<vmem>>, %arg1: memref<31xf32, #tpu.memory_space<vmem>>, %arg2: memref<1xf32, #tpu.memory_space<smem>>) attributes {dimension_semantics = [], scalar_prefetch = 0 : i64, scratch_operands = 0 : i64, tpu.core_type = #tpu.core_type<tc>} {
    %get3A = arith.constant 0 : index
    %get3A_0 = arith.constant 0 : index
    %get3A_1 = arith.constant 0 : index
    %get3A_2 = vector.load %arg0[%get3A, %get3A_0, %get3A_1] : memref<2x32x32xi32, #tpu.memory_space<vmem>>, vector<1x32x32xi32>
    %get3A_3 = vector.shape_cast %get3A_2 : vector<1x32x32xi32> to vector<32x32xi32>
    %get3A_4 = arith.constant 1 : index
    %get3A_5 = arith.constant 0 : index
    %get3A_6 = arith.constant 0 : index
    %get3A_7 = vector.load %arg0[%get3A_4, %get3A_5, %get3A_6] : memref<2x32x32xi32, #tpu.memory_space<vmem>>, vector<1x32x32xi32>
    %get3A_8 = vector.shape_cast %get3A_7 : vector<1x32x32xi32> to vector<32x32xi32>
    %add3A = arith.addi %get3A_3, %get3A_8 : vector<32x32xi32>
    %reduce_sum3A = arith.constant dense<0> : vector<32xi32>
    %reduce_sum3A_9 = vector.multi_reduction <add>, %add3A, %reduce_sum3A [0] : vector<32x32xi32> to vector<32xi32>
    %broadcast_in_dim3A = vector.shape_cast %reduce_sum3A_9 : vector<32xi32> to vector<1x32xi32>
    %reduce_sum3A_10 = arith.constant dense<0> : vector<32xi32>
    %reduce_sum3A_11 = vector.multi_reduction <add>, %add3A, %reduce_sum3A_10 [1] : vector<32x32xi32> to vector<32xi32>
    %broadcast_in_dim3A_12 = vector.shape_cast %reduce_sum3A_11 : vector<32xi32> to vector<32x1xi32>
    %add3A_13 = vector.broadcast %broadcast_in_dim3A_12 : vector<32x1xi32> to vector<32x32xi32>
    %add3A_14 = vector.broadcast %broadcast_in_dim3A : vector<1x32xi32> to vector<32x32xi32>
    %add3A_15 = arith.addi %add3A_13, %add3A_14 : vector<32x32xi32>
    %sub3A = arith.subi %add3A_15, %add3A : vector<32x32xi32>
    %add3A_16 = arith.addi %add3A, %add3A : vector<32x32xi32>
    %gt3A = vector.broadcast %broadcast_in_dim3A_12 : vector<32x1xi32> to vector<32x32xi32>
    %gt3A_17 = arith.cmpi sgt, %add3A_16, %gt3A : vector<32x32xi32>
    %gt3A_18 = arith.constant 0 : i32
    %gt3A_19 = vector.broadcast %gt3A_18 : i32 to vector<32x32xi32>
    %gt3A_20 = arith.cmpi sgt, %sub3A, %gt3A_19 : vector<32x32xi32>
    %jit3A = arith.constant 1 : i32
    %broadcast_in_dim3A_21 = vector.broadcast %jit3A : i32 to vector<32x32xi32>
    %select_n3A = arith.select %gt3A_20, %sub3A, %broadcast_in_dim3A_21 : vector<32x32xi1>, vector<32x32xi32>
    %convert_element_type3A = arith.sitofp %select_n3A : vector<32x32xi32> to vector<32x32xf32>
    %shift_left3A = arith.constant 12 : i32
    %shift_left3A_22 = vector.broadcast %shift_left3A : i32 to vector<32x32xi32>
    %shift_left3A_23 = arith.shli %add3A, %shift_left3A_22 : vector<32x32xi32>
    %convert_element_type3A_24 = arith.sitofp %shift_left3A_23 : vector<32x32xi32> to vector<32x32xf32>
    %div3A = arith.divf %convert_element_type3A_24, %convert_element_type3A : vector<32x32xf32>
    %convert_element_type3A_25 = arith.fptosi %div3A : vector<32x32xf32> to vector<32x32xi32>
    %mul3A = arith.muli %convert_element_type3A_25, %sub3A : vector<32x32xi32>
    %gt3A_26 = arith.cmpi sgt, %mul3A, %shift_left3A_23 : vector<32x32xi32>
    %sub3A_27 = arith.constant 1 : i32
    %sub3A_28 = vector.broadcast %sub3A_27 : i32 to vector<32x32xi32>
    %sub3A_29 = arith.subi %convert_element_type3A_25, %sub3A_28 : vector<32x32xi32>
    %select_n3A_30 = arith.select %gt3A_26, %sub3A_29, %convert_element_type3A_25 : vector<32x32xi1>, vector<32x32xi32>
    %mul3A_31 = arith.muli %select_n3A_30, %sub3A : vector<32x32xi32>
    %add3A_32 = arith.addi %mul3A_31, %sub3A : vector<32x32xi32>
    %le3A = arith.cmpi sle, %add3A_32, %shift_left3A_23 : vector<32x32xi32>
    %add3A_33 = arith.constant 1 : i32
    %add3A_34 = vector.broadcast %add3A_33 : i32 to vector<32x32xi32>
    %add3A_35 = arith.addi %select_n3A_30, %add3A_34 : vector<32x32xi32>
    %select_n3A_36 = arith.select %le3A, %add3A_35, %select_n3A_30 : vector<32x32xi1>, vector<32x32xi32>
    %mul3A_37 = arith.muli %select_n3A_36, %sub3A : vector<32x32xi32>
    %sub3A_38 = arith.subi %shift_left3A_23, %mul3A_37 : vector<32x32xi32>
    %shift_left3A_39 = arith.constant 12 : i32
    %shift_left3A_40 = vector.broadcast %shift_left3A_39 : i32 to vector<32x32xi32>
    %shift_left3A_41 = arith.shli %sub3A_38, %shift_left3A_40 : vector<32x32xi32>
    %convert_element_type3A_42 = arith.sitofp %shift_left3A_41 : vector<32x32xi32> to vector<32x32xf32>
    %div3A_43 = arith.divf %convert_element_type3A_42, %convert_element_type3A : vector<32x32xf32>
    %convert_element_type3A_44 = arith.fptosi %div3A_43 : vector<32x32xf32> to vector<32x32xi32>
    %mul3A_45 = arith.muli %convert_element_type3A_44, %sub3A : vector<32x32xi32>
    %gt3A_46 = arith.cmpi sgt, %mul3A_45, %shift_left3A_41 : vector<32x32xi32>
    %sub3A_47 = arith.constant 1 : i32
    %sub3A_48 = vector.broadcast %sub3A_47 : i32 to vector<32x32xi32>
    %sub3A_49 = arith.subi %convert_element_type3A_44, %sub3A_48 : vector<32x32xi32>
    %select_n3A_50 = arith.select %gt3A_46, %sub3A_49, %convert_element_type3A_44 : vector<32x32xi1>, vector<32x32xi32>
    %mul3A_51 = arith.muli %select_n3A_50, %sub3A : vector<32x32xi32>
    %add3A_52 = arith.addi %mul3A_51, %sub3A : vector<32x32xi32>
    %le3A_53 = arith.cmpi sle, %add3A_52, %shift_left3A_41 : vector<32x32xi32>
    %add3A_54 = arith.constant 1 : i32
    %add3A_55 = vector.broadcast %add3A_54 : i32 to vector<32x32xi32>
    %add3A_56 = arith.addi %select_n3A_50, %add3A_55 : vector<32x32xi32>
    %select_n3A_57 = arith.select %le3A_53, %add3A_56, %select_n3A_50 : vector<32x32xi1>, vector<32x32xi32>
    %mul3A_58 = arith.muli %select_n3A_57, %sub3A : vector<32x32xi32>
    %sub3A_59 = arith.subi %shift_left3A_41, %mul3A_58 : vector<32x32xi32>
    %shift_left3A_60 = arith.constant 12 : i32
    %shift_left3A_61 = vector.broadcast %shift_left3A_60 : i32 to vector<32x32xi32>
    %shift_left3A_62 = arith.shli %sub3A_59, %shift_left3A_61 : vector<32x32xi32>
    %convert_element_type3A_63 = arith.sitofp %shift_left3A_62 : vector<32x32xi32> to vector<32x32xf32>
    %div3A_64 = arith.divf %convert_element_type3A_63, %convert_element_type3A : vector<32x32xf32>
    %convert_element_type3A_65 = arith.fptosi %div3A_64 : vector<32x32xf32> to vector<32x32xi32>
    %mul3A_66 = arith.muli %convert_element_type3A_65, %sub3A : vector<32x32xi32>
    %gt3A_67 = arith.cmpi sgt, %mul3A_66, %shift_left3A_62 : vector<32x32xi32>
    %sub3A_68 = arith.constant 1 : i32
    %sub3A_69 = vector.broadcast %sub3A_68 : i32 to vector<32x32xi32>
    %sub3A_70 = arith.subi %convert_element_type3A_65, %sub3A_69 : vector<32x32xi32>
    %select_n3A_71 = arith.select %gt3A_67, %sub3A_70, %convert_element_type3A_65 : vector<32x32xi1>, vector<32x32xi32>
    %mul3A_72 = arith.muli %select_n3A_71, %sub3A : vector<32x32xi32>
    %add3A_73 = arith.addi %mul3A_72, %sub3A : vector<32x32xi32>
    %le3A_74 = arith.cmpi sle, %add3A_73, %shift_left3A_62 : vector<32x32xi32>
    %add3A_75 = arith.constant 1 : i32
    %add3A_76 = vector.broadcast %add3A_75 : i32 to vector<32x32xi32>
    %add3A_77 = arith.addi %select_n3A_71, %add3A_76 : vector<32x32xi32>
    %select_n3A_78 = arith.select %le3A_74, %add3A_77, %select_n3A_71 : vector<32x32xi1>, vector<32x32xi32>
    %iota3A = tpu.iota {dimensions = array<i32: 1>} : vector<1x32xi32>
    %shift_left3A_79 = arith.constant 12 : i32
    %shift_left3A_80 = vector.broadcast %shift_left3A_79 : i32 to vector<32x32xi32>
    %shift_left3A_81 = arith.shli %select_n3A_36, %shift_left3A_80 : vector<32x32xi32>
    %add3A_82 = arith.addi %shift_left3A_81, %select_n3A_57 : vector<32x32xi32>
    %jit3A_83 = arith.constant -1 : i32
    %broadcast_in_dim3A_84 = vector.broadcast %jit3A_83 : i32 to vector<32x32xi32>
    %select_n3A_85 = arith.select %gt3A_17, %add3A_82, %broadcast_in_dim3A_84 : vector<32x32xi1>, vector<32x32xi32>
    %shift_left3A_86 = arith.constant 5 : i32
    %shift_left3A_87 = vector.broadcast %shift_left3A_86 : i32 to vector<32x32xi32>
    %shift_left3A_88 = arith.shli %select_n3A_78, %shift_left3A_87 : vector<32x32xi32>
    %sub3A_89 = arith.constant 31 : i32
    %sub3A_90 = vector.broadcast %sub3A_89 : i32 to vector<1x32xi32>
    %sub3A_91 = arith.subi %sub3A_90, %iota3A : vector<1x32xi32>
    %add3A_92 = vector.broadcast %sub3A_91 : vector<1x32xi32> to vector<32x32xi32>
    %add3A_93 = arith.addi %shift_left3A_88, %add3A_92 : vector<32x32xi32>
    %jit3A_94 = arith.constant -1 : i32
    %broadcast_in_dim3A_95 = vector.broadcast %jit3A_94 : i32 to vector<32x32xi32>
    %select_n3A_96 = arith.select %gt3A_17, %add3A_93, %broadcast_in_dim3A_95 : vector<32x32xi1>, vector<32x32xi32>
    %ge3A = arith.constant 1 : i32
    %ge3A_97 = vector.broadcast %ge3A : i32 to vector<1x32xi32>
    %ge3A_98 = arith.cmpi sge, %iota3A, %ge3A_97 : vector<1x32xi32>
    %gt3A_99 = arith.constant 0 : i32
    %gt3A_100 = vector.broadcast %gt3A_99 : i32 to vector<1x32xi32>
    %gt3A_101 = arith.cmpi sgt, %broadcast_in_dim3A, %gt3A_100 : vector<1x32xi32>
    %and3A = arith.andi %ge3A_98, %gt3A_101 : vector<1x32xi1>
    %broadcast_in_dim3A_102 = arith.constant -1 : i32
    %broadcast_in_dim3A_103 = vector.broadcast %broadcast_in_dim3A_102 : i32 to vector<1x32xi32>
    %broadcast_in_dim3A_104 = arith.constant -1 : i32
    %broadcast_in_dim3A_105 = vector.broadcast %broadcast_in_dim3A_104 : i32 to vector<1x32xi32>
    %eq3A = arith.constant 0 : i32
    %eq3A_106 = vector.broadcast %eq3A : i32 to vector<1x32xi32>
    %eq3A_107 = arith.cmpi eq, %iota3A, %eq3A_106 : vector<1x32xi32>
    %slice3A = vector.extract_strided_slice %select_n3A_85 {offsets = [1, 0], sizes = [1, 32], strides = [1, 1]} : vector<32x32xi32> to vector<1x32xi32>
    %jit3A_108 = arith.constant -1 : i32
    %broadcast_in_dim3A_109 = vector.broadcast %jit3A_108 : i32 to vector<1x32xi32>
    %select_n3A_110 = arith.select %and3A, %slice3A, %broadcast_in_dim3A_109 : vector<1x32xi1>, vector<1x32xi32>
    %reduce_max3A = arith.constant dense<-2147483648> : vector<1xi32>
    %reduce_max3A_111 = vector.multi_reduction <maxsi>, %select_n3A_110, %reduce_max3A [1] : vector<1x32xi32> to vector<1xi32>
    %broadcast_in_dim3A_112 = vector.shape_cast %reduce_max3A_111 : vector<1xi32> to vector<1x1xi32>
    %eq3A_113 = vector.broadcast %broadcast_in_dim3A_112 : vector<1x1xi32> to vector<1x32xi32>
    %eq3A_114 = arith.cmpi eq, %select_n3A_110, %eq3A_113 : vector<1x32xi32>
    %and3A_115 = arith.andi %and3A, %eq3A_114 : vector<1x32xi1>
    %slice3A_116 = vector.extract_strided_slice %select_n3A_96 {offsets = [1, 0], sizes = [1, 32], strides = [1, 1]} : vector<32x32xi32> to vector<1x32xi32>
    %jit3A_117 = arith.constant -1 : i32
    %broadcast_in_dim3A_118 = vector.broadcast %jit3A_117 : i32 to vector<1x32xi32>
    %select_n3A_119 = arith.select %and3A_115, %slice3A_116, %broadcast_in_dim3A_118 : vector<1x32xi1>, vector<1x32xi32>
    %reduce_max3A_120 = arith.constant dense<-2147483648> : vector<1xi32>
    %reduce_max3A_121 = vector.multi_reduction <maxsi>, %select_n3A_119, %reduce_max3A_120 [1] : vector<1x32xi32> to vector<1xi32>
    %broadcast_in_dim3A_122 = vector.shape_cast %reduce_max3A_121 : vector<1xi32> to vector<1x1xi32>
    %eq3A_123 = vector.broadcast %broadcast_in_dim3A_122 : vector<1x1xi32> to vector<1x32xi32>
    %eq3A_124 = arith.cmpi eq, %slice3A_116, %eq3A_123 : vector<1x32xi32>
    %and3A_125 = arith.andi %and3A_115, %eq3A_124 : vector<1x32xi1>
    %ge3A_126 = arith.constant 0 : i32
    %ge3A_127 = vector.broadcast %ge3A_126 : i32 to vector<1x1xi32>
    %ge3A_128 = arith.cmpi sge, %broadcast_in_dim3A_112, %ge3A_127 : vector<1x1xi32>
    %broadcast_in_dim3A_129 = vector.shape_cast %broadcast_in_dim3A_112 : vector<1x1xi32> to vector<1x1xi32>
    %broadcast_in_dim3A_130 = vector.broadcast %broadcast_in_dim3A_129 : vector<1x1xi32> to vector<1x32xi32>
    %select_n3A_131 = arith.select %eq3A_107, %broadcast_in_dim3A_130, %broadcast_in_dim3A_103 : vector<1x32xi1>, vector<1x32xi32>
    %broadcast_in_dim3A_132 = vector.shape_cast %broadcast_in_dim3A_122 : vector<1x1xi32> to vector<1x1xi32>
    %broadcast_in_dim3A_133 = vector.broadcast %broadcast_in_dim3A_132 : vector<1x1xi32> to vector<1x32xi32>
    %select_n3A_134 = arith.select %eq3A_107, %broadcast_in_dim3A_133, %broadcast_in_dim3A_105 : vector<1x32xi1>, vector<1x32xi32>
    %and3A_135 = vector.broadcast %ge3A_128 : vector<1x1xi1> to vector<1x32xi1>
    %and3A_136 = arith.andi %and3A_135, %and3A_125 : vector<1x32xi1>
    %not3A = arith.constant dense<true> : vector<1x32xi1>
    %not3A_137 = arith.xori %and3A_136, %not3A : vector<1x32xi1>
    %and3A_138 = arith.andi %and3A, %not3A_137 : vector<1x32xi1>
    %eq3A_139 = arith.constant 1 : i32
    %eq3A_140 = vector.broadcast %eq3A_139 : i32 to vector<1x32xi32>
    %eq3A_141 = arith.cmpi eq, %iota3A, %eq3A_140 : vector<1x32xi32>
    %slice3A_142 = vector.extract_strided_slice %select_n3A_85 {offsets = [2, 0], sizes = [1, 32], strides = [1, 1]} : vector<32x32xi32> to vector<1x32xi32>
    %jit3A_143 = arith.constant -1 : i32
    %broadcast_in_dim3A_144 = vector.broadcast %jit3A_143 : i32 to vector<1x32xi32>
    %select_n3A_145 = arith.select %and3A_138, %slice3A_142, %broadcast_in_dim3A_144 : vector<1x32xi1>, vector<1x32xi32>
    %reduce_max3A_146 = arith.constant dense<-2147483648> : vector<1xi32>
    %reduce_max3A_147 = vector.multi_reduction <maxsi>, %select_n3A_145, %reduce_max3A_146 [1] : vector<1x32xi32> to vector<1xi32>
    %broadcast_in_dim3A_148 = vector.shape_cast %reduce_max3A_147 : vector<1xi32> to vector<1x1xi32>
    %eq3A_149 = vector.broadcast %broadcast_in_dim3A_148 : vector<1x1xi32> to vector<1x32xi32>
    %eq3A_150 = arith.cmpi eq, %select_n3A_145, %eq3A_149 : vector<1x32xi32>
    %and3A_151 = arith.andi %and3A_138, %eq3A_150 : vector<1x32xi1>
    %slice3A_152 = vector.extract_strided_slice %select_n3A_96 {offsets = [2, 0], sizes = [1, 32], strides = [1, 1]} : vector<32x32xi32> to vector<1x32xi32>
    %jit3A_153 = arith.constant -1 : i32
    %broadcast_in_dim3A_154 = vector.broadcast %jit3A_153 : i32 to vector<1x32xi32>
    %select_n3A_155 = arith.select %and3A_151, %slice3A_152, %broadcast_in_dim3A_154 : vector<1x32xi1>, vector<1x32xi32>
    %reduce_max3A_156 = arith.constant dense<-2147483648> : vector<1xi32>
    %reduce_max3A_157 = vector.multi_reduction <maxsi>, %select_n3A_155, %reduce_max3A_156 [1] : vector<1x32xi32> to vector<1xi32>
    %broadcast_in_dim3A_158 = vector.shape_cast %reduce_max3A_157 : vector<1xi32> to vector<1x1xi32>
    %eq3A_159 = vector.broadcast %broadcast_in_dim3A_158 : vector<1x1xi32> to vector<1x32xi32>
    %eq3A_160 = arith.cmpi eq, %slice3A_152, %eq3A_159 : vector<1x32xi32>
    %and3A_161 = arith.andi %and3A_151, %eq3A_160 : vector<1x32xi1>
    %ge3A_162 = arith.constant 0 : i32
    %ge3A_163 = vector.broadcast %ge3A_162 : i32 to vector<1x1xi32>
    %ge3A_164 = arith.cmpi sge, %broadcast_in_dim3A_148, %ge3A_163 : vector<1x1xi32>
    %broadcast_in_dim3A_165 = vector.shape_cast %broadcast_in_dim3A_148 : vector<1x1xi32> to vector<1x1xi32>
    %broadcast_in_dim3A_166 = vector.broadcast %broadcast_in_dim3A_165 : vector<1x1xi32> to vector<1x32xi32>
    %select_n3A_167 = arith.select %eq3A_141, %broadcast_in_dim3A_166, %select_n3A_131 : vector<1x32xi1>, vector<1x32xi32>
    %broadcast_in_dim3A_168 = vector.shape_cast %broadcast_in_dim3A_158 : vector<1x1xi32> to vector<1x1xi32>
    %broadcast_in_dim3A_169 = vector.broadcast %broadcast_in_dim3A_168 : vector<1x1xi32> to vector<1x32xi32>
    %select_n3A_170 = arith.select %eq3A_141, %broadcast_in_dim3A_169, %select_n3A_134 : vector<1x32xi1>, vector<1x32xi32>
    %and3A_171 = vector.broadcast %ge3A_164 : vector<1x1xi1> to vector<1x32xi1>
    %and3A_172 = arith.andi %and3A_171, %and3A_161 : vector<1x32xi1>
    %not3A_173 = arith.constant dense<true> : vector<1x32xi1>
    %not3A_174 = arith.xori %and3A_172, %not3A_173 : vector<1x32xi1>
    %and3A_175 = arith.andi %and3A_138, %not3A_174 : vector<1x32xi1>
    %eq3A_176 = arith.constant 2 : i32
    %eq3A_177 = vector.broadcast %eq3A_176 : i32 to vector<1x32xi32>
    %eq3A_178 = arith.cmpi eq, %iota3A, %eq3A_177 : vector<1x32xi32>
    %slice3A_179 = vector.extract_strided_slice %select_n3A_85 {offsets = [3, 0], sizes = [1, 32], strides = [1, 1]} : vector<32x32xi32> to vector<1x32xi32>
    %jit3A_180 = arith.constant -1 : i32
    %broadcast_in_dim3A_181 = vector.broadcast %jit3A_180 : i32 to vector<1x32xi32>
    %select_n3A_182 = arith.select %and3A_175, %slice3A_179, %broadcast_in_dim3A_181 : vector<1x32xi1>, vector<1x32xi32>
    %reduce_max3A_183 = arith.constant dense<-2147483648> : vector<1xi32>
    %reduce_max3A_184 = vector.multi_reduction <maxsi>, %select_n3A_182, %reduce_max3A_183 [1] : vector<1x32xi32> to vector<1xi32>
    %broadcast_in_dim3A_185 = vector.shape_cast %reduce_max3A_184 : vector<1xi32> to vector<1x1xi32>
    %eq3A_186 = vector.broadcast %broadcast_in_dim3A_185 : vector<1x1xi32> to vector<1x32xi32>
    %eq3A_187 = arith.cmpi eq, %select_n3A_182, %eq3A_186 : vector<1x32xi32>
    %and3A_188 = arith.andi %and3A_175, %eq3A_187 : vector<1x32xi1>
    %slice3A_189 = vector.extract_strided_slice %select_n3A_96 {offsets = [3, 0], sizes = [1, 32], strides = [1, 1]} : vector<32x32xi32> to vector<1x32xi32>
    %jit3A_190 = arith.constant -1 : i32
    %broadcast_in_dim3A_191 = vector.broadcast %jit3A_190 : i32 to vector<1x32xi32>
    %select_n3A_192 = arith.select %and3A_188, %slice3A_189, %broadcast_in_dim3A_191 : vector<1x32xi1>, vector<1x32xi32>
    %reduce_max3A_193 = arith.constant dense<-2147483648> : vector<1xi32>
    %reduce_max3A_194 = vector.multi_reduction <maxsi>, %select_n3A_192, %reduce_max3A_193 [1] : vector<1x32xi32> to vector<1xi32>
    %broadcast_in_dim3A_195 = vector.shape_cast %reduce_max3A_194 : vector<1xi32> to vector<1x1xi32>
    %eq3A_196 = vector.broadcast %broadcast_in_dim3A_195 : vector<1x1xi32> to vector<1x32xi32>
    %eq3A_197 = arith.cmpi eq, %slice3A_189, %eq3A_196 : vector<1x32xi32>
    %and3A_198 = arith.andi %and3A_188, %eq3A_197 : vector<1x32xi1>
    %ge3A_199 = arith.constant 0 : i32
    %ge3A_200 = vector.broadcast %ge3A_199 : i32 to vector<1x1xi32>
    %ge3A_201 = arith.cmpi sge, %broadcast_in_dim3A_185, %ge3A_200 : vector<1x1xi32>
    %broadcast_in_dim3A_202 = vector.shape_cast %broadcast_in_dim3A_185 : vector<1x1xi32> to vector<1x1xi32>
    %broadcast_in_dim3A_203 = vector.broadcast %broadcast_in_dim3A_202 : vector<1x1xi32> to vector<1x32xi32>
    %select_n3A_204 = arith.select %eq3A_178, %broadcast_in_dim3A_203, %select_n3A_167 : vector<1x32xi1>, vector<1x32xi32>
    %broadcast_in_dim3A_205 = vector.shape_cast %broadcast_in_dim3A_195 : vector<1x1xi32> to vector<1x1xi32>
    %broadcast_in_dim3A_206 = vector.broadcast %broadcast_in_dim3A_205 : vector<1x1xi32> to vector<1x32xi32>
    %select_n3A_207 = arith.select %eq3A_178, %broadcast_in_dim3A_206, %select_n3A_170 : vector<1x32xi1>, vector<1x32xi32>
    %and3A_208 = vector.broadcast %ge3A_201 : vector<1x1xi1> to vector<1x32xi1>
    %and3A_209 = arith.andi %and3A_208, %and3A_198 : vector<1x32xi1>
    %not3A_210 = arith.constant dense<true> : vector<1x32xi1>
    %not3A_211 = arith.xori %and3A_209, %not3A_210 : vector<1x32xi1>
    %and3A_212 = arith.andi %and3A_175, %not3A_211 : vector<1x32xi1>
    %eq3A_213 = arith.constant 3 : i32
    %eq3A_214 = vector.broadcast %eq3A_213 : i32 to vector<1x32xi32>
    %eq3A_215 = arith.cmpi eq, %iota3A, %eq3A_214 : vector<1x32xi32>
    %slice3A_216 = vector.extract_strided_slice %select_n3A_85 {offsets = [4, 0], sizes = [1, 32], strides = [1, 1]} : vector<32x32xi32> to vector<1x32xi32>
    %jit3A_217 = arith.constant -1 : i32
    %broadcast_in_dim3A_218 = vector.broadcast %jit3A_217 : i32 to vector<1x32xi32>
    %select_n3A_219 = arith.select %and3A_212, %slice3A_216, %broadcast_in_dim3A_218 : vector<1x32xi1>, vector<1x32xi32>
    %reduce_max3A_220 = arith.constant dense<-2147483648> : vector<1xi32>
    %reduce_max3A_221 = vector.multi_reduction <maxsi>, %select_n3A_219, %reduce_max3A_220 [1] : vector<1x32xi32> to vector<1xi32>
    %broadcast_in_dim3A_222 = vector.shape_cast %reduce_max3A_221 : vector<1xi32> to vector<1x1xi32>
    %eq3A_223 = vector.broadcast %broadcast_in_dim3A_222 : vector<1x1xi32> to vector<1x32xi32>
    %eq3A_224 = arith.cmpi eq, %select_n3A_219, %eq3A_223 : vector<1x32xi32>
    %and3A_225 = arith.andi %and3A_212, %eq3A_224 : vector<1x32xi1>
    %slice3A_226 = vector.extract_strided_slice %select_n3A_96 {offsets = [4, 0], sizes = [1, 32], strides = [1, 1]} : vector<32x32xi32> to vector<1x32xi32>
    %jit3A_227 = arith.constant -1 : i32
    %broadcast_in_dim3A_228 = vector.broadcast %jit3A_227 : i32 to vector<1x32xi32>
    %select_n3A_229 = arith.select %and3A_225, %slice3A_226, %broadcast_in_dim3A_228 : vector<1x32xi1>, vector<1x32xi32>
    %reduce_max3A_230 = arith.constant dense<-2147483648> : vector<1xi32>
    %reduce_max3A_231 = vector.multi_reduction <maxsi>, %select_n3A_229, %reduce_max3A_230 [1] : vector<1x32xi32> to vector<1xi32>
    %broadcast_in_dim3A_232 = vector.shape_cast %reduce_max3A_231 : vector<1xi32> to vector<1x1xi32>
    %eq3A_233 = vector.broadcast %broadcast_in_dim3A_232 : vector<1x1xi32> to vector<1x32xi32>
    %eq3A_234 = arith.cmpi eq, %slice3A_226, %eq3A_233 : vector<1x32xi32>
    %and3A_235 = arith.andi %and3A_225, %eq3A_234 : vector<1x32xi1>
    %ge3A_236 = arith.constant 0 : i32
    %ge3A_237 = vector.broadcast %ge3A_236 : i32 to vector<1x1xi32>
    %ge3A_238 = arith.cmpi sge, %broadcast_in_dim3A_222, %ge3A_237 : vector<1x1xi32>
    %broadcast_in_dim3A_239 = vector.shape_cast %broadcast_in_dim3A_222 : vector<1x1xi32> to vector<1x1xi32>
    %broadcast_in_dim3A_240 = vector.broadcast %broadcast_in_dim3A_239 : vector<1x1xi32> to vector<1x32xi32>
    %select_n3A_241 = arith.select %eq3A_215, %broadcast_in_dim3A_240, %select_n3A_204 : vector<1x32xi1>, vector<1x32xi32>
    %broadcast_in_dim3A_242 = vector.shape_cast %broadcast_in_dim3A_232 : vector<1x1xi32> to vector<1x1xi32>
    %broadcast_in_dim3A_243 = vector.broadcast %broadcast_in_dim3A_242 : vector<1x1xi32> to vector<1x32xi32>
    %select_n3A_244 = arith.select %eq3A_215, %broadcast_in_dim3A_243, %select_n3A_207 : vector<1x32xi1>, vector<1x32xi32>
    %and3A_245 = vector.broadcast %ge3A_238 : vector<1x1xi1> to vector<1x32xi1>
    %and3A_246 = arith.andi %and3A_245, %and3A_235 : vector<1x32xi1>
    %not3A_247 = arith.constant dense<true> : vector<1x32xi1>
    %not3A_248 = arith.xori %and3A_246, %not3A_247 : vector<1x32xi1>
    %and3A_249 = arith.andi %and3A_212, %not3A_248 : vector<1x32xi1>
    %eq3A_250 = arith.constant 4 : i32
    %eq3A_251 = vector.broadcast %eq3A_250 : i32 to vector<1x32xi32>
    %eq3A_252 = arith.cmpi eq, %iota3A, %eq3A_251 : vector<1x32xi32>
    %slice3A_253 = vector.extract_strided_slice %select_n3A_85 {offsets = [5, 0], sizes = [1, 32], strides = [1, 1]} : vector<32x32xi32> to vector<1x32xi32>
    %jit3A_254 = arith.constant -1 : i32
    %broadcast_in_dim3A_255 = vector.broadcast %jit3A_254 : i32 to vector<1x32xi32>
    %select_n3A_256 = arith.select %and3A_249, %slice3A_253, %broadcast_in_dim3A_255 : vector<1x32xi1>, vector<1x32xi32>
    %reduce_max3A_257 = arith.constant dense<-2147483648> : vector<1xi32>
    %reduce_max3A_258 = vector.multi_reduction <maxsi>, %select_n3A_256, %reduce_max3A_257 [1] : vector<1x32xi32> to vector<1xi32>
    %broadcast_in_dim3A_259 = vector.shape_cast %reduce_max3A_258 : vector<1xi32> to vector<1x1xi32>
    %eq3A_260 = vector.broadcast %broadcast_in_dim3A_259 : vector<1x1xi32> to vector<1x32xi32>
    %eq3A_261 = arith.cmpi eq, %select_n3A_256, %eq3A_260 : vector<1x32xi32>
    %and3A_262 = arith.andi %and3A_249, %eq3A_261 : vector<1x32xi1>
    %slice3A_263 = vector.extract_strided_slice %select_n3A_96 {offsets = [5, 0], sizes = [1, 32], strides = [1, 1]} : vector<32x32xi32> to vector<1x32xi32>
    %jit3A_264 = arith.constant -1 : i32
    %broadcast_in_dim3A_265 = vector.broadcast %jit3A_264 : i32 to vector<1x32xi32>
    %select_n3A_266 = arith.select %and3A_262, %slice3A_263, %broadcast_in_dim3A_265 : vector<1x32xi1>, vector<1x32xi32>
    %reduce_max3A_267 = arith.constant dense<-2147483648> : vector<1xi32>
    %reduce_max3A_268 = vector.multi_reduction <maxsi>, %select_n3A_266, %reduce_max3A_267 [1] : vector<1x32xi32> to vector<1xi32>
    %broadcast_in_dim3A_269 = vector.shape_cast %reduce_max3A_268 : vector<1xi32> to vector<1x1xi32>
    %eq3A_270 = vector.broadcast %broadcast_in_dim3A_269 : vector<1x1xi32> to vector<1x32xi32>
    %eq3A_271 = arith.cmpi eq, %slice3A_263, %eq3A_270 : vector<1x32xi32>
    %and3A_272 = arith.andi %and3A_262, %eq3A_271 : vector<1x32xi1>
    %ge3A_273 = arith.constant 0 : i32
    %ge3A_274 = vector.broadcast %ge3A_273 : i32 to vector<1x1xi32>
    %ge3A_275 = arith.cmpi sge, %broadcast_in_dim3A_259, %ge3A_274 : vector<1x1xi32>
    %broadcast_in_dim3A_276 = vector.shape_cast %broadcast_in_dim3A_259 : vector<1x1xi32> to vector<1x1xi32>
    %broadcast_in_dim3A_277 = vector.broadcast %broadcast_in_dim3A_276 : vector<1x1xi32> to vector<1x32xi32>
    %select_n3A_278 = arith.select %eq3A_252, %broadcast_in_dim3A_277, %select_n3A_241 : vector<1x32xi1>, vector<1x32xi32>
    %broadcast_in_dim3A_279 = vector.shape_cast %broadcast_in_dim3A_269 : vector<1x1xi32> to vector<1x1xi32>
    %broadcast_in_dim3A_280 = vector.broadcast %broadcast_in_dim3A_279 : vector<1x1xi32> to vector<1x32xi32>
    %select_n3A_281 = arith.select %eq3A_252, %broadcast_in_dim3A_280, %select_n3A_244 : vector<1x32xi1>, vector<1x32xi32>
    %and3A_282 = vector.broadcast %ge3A_275 : vector<1x1xi1> to vector<1x32xi1>
    %and3A_283 = arith.andi %and3A_282, %and3A_272 : vector<1x32xi1>
    %not3A_284 = arith.constant dense<true> : vector<1x32xi1>
    %not3A_285 = arith.xori %and3A_283, %not3A_284 : vector<1x32xi1>
    %and3A_286 = arith.andi %and3A_249, %not3A_285 : vector<1x32xi1>
    %eq3A_287 = arith.constant 5 : i32
    %eq3A_288 = vector.broadcast %eq3A_287 : i32 to vector<1x32xi32>
    %eq3A_289 = arith.cmpi eq, %iota3A, %eq3A_288 : vector<1x32xi32>
    %slice3A_290 = vector.extract_strided_slice %select_n3A_85 {offsets = [6, 0], sizes = [1, 32], strides = [1, 1]} : vector<32x32xi32> to vector<1x32xi32>
    %jit3A_291 = arith.constant -1 : i32
    %broadcast_in_dim3A_292 = vector.broadcast %jit3A_291 : i32 to vector<1x32xi32>
    %select_n3A_293 = arith.select %and3A_286, %slice3A_290, %broadcast_in_dim3A_292 : vector<1x32xi1>, vector<1x32xi32>
    %reduce_max3A_294 = arith.constant dense<-2147483648> : vector<1xi32>
    %reduce_max3A_295 = vector.multi_reduction <maxsi>, %select_n3A_293, %reduce_max3A_294 [1] : vector<1x32xi32> to vector<1xi32>
    %broadcast_in_dim3A_296 = vector.shape_cast %reduce_max3A_295 : vector<1xi32> to vector<1x1xi32>
    %eq3A_297 = vector.broadcast %broadcast_in_dim3A_296 : vector<1x1xi32> to vector<1x32xi32>
    %eq3A_298 = arith.cmpi eq, %select_n3A_293, %eq3A_297 : vector<1x32xi32>
    %and3A_299 = arith.andi %and3A_286, %eq3A_298 : vector<1x32xi1>
    %slice3A_300 = vector.extract_strided_slice %select_n3A_96 {offsets = [6, 0], sizes = [1, 32], strides = [1, 1]} : vector<32x32xi32> to vector<1x32xi32>
    %jit3A_301 = arith.constant -1 : i32
    %broadcast_in_dim3A_302 = vector.broadcast %jit3A_301 : i32 to vector<1x32xi32>
    %select_n3A_303 = arith.select %and3A_299, %slice3A_300, %broadcast_in_dim3A_302 : vector<1x32xi1>, vector<1x32xi32>
    %reduce_max3A_304 = arith.constant dense<-2147483648> : vector<1xi32>
    %reduce_max3A_305 = vector.multi_reduction <maxsi>, %select_n3A_303, %reduce_max3A_304 [1] : vector<1x32xi32> to vector<1xi32>
    %broadcast_in_dim3A_306 = vector.shape_cast %reduce_max3A_305 : vector<1xi32> to vector<1x1xi32>
    %eq3A_307 = vector.broadcast %broadcast_in_dim3A_306 : vector<1x1xi32> to vector<1x32xi32>
    %eq3A_308 = arith.cmpi eq, %slice3A_300, %eq3A_307 : vector<1x32xi32>
    %and3A_309 = arith.andi %and3A_299, %eq3A_308 : vector<1x32xi1>
    %ge3A_310 = arith.constant 0 : i32
    %ge3A_311 = vector.broadcast %ge3A_310 : i32 to vector<1x1xi32>
    %ge3A_312 = arith.cmpi sge, %broadcast_in_dim3A_296, %ge3A_311 : vector<1x1xi32>
    %broadcast_in_dim3A_313 = vector.shape_cast %broadcast_in_dim3A_296 : vector<1x1xi32> to vector<1x1xi32>
    %broadcast_in_dim3A_314 = vector.broadcast %broadcast_in_dim3A_313 : vector<1x1xi32> to vector<1x32xi32>
    %select_n3A_315 = arith.select %eq3A_289, %broadcast_in_dim3A_314, %select_n3A_278 : vector<1x32xi1>, vector<1x32xi32>
    %broadcast_in_dim3A_316 = vector.shape_cast %broadcast_in_dim3A_306 : vector<1x1xi32> to vector<1x1xi32>
    %broadcast_in_dim3A_317 = vector.broadcast %broadcast_in_dim3A_316 : vector<1x1xi32> to vector<1x32xi32>
    %select_n3A_318 = arith.select %eq3A_289, %broadcast_in_dim3A_317, %select_n3A_281 : vector<1x32xi1>, vector<1x32xi32>
    %and3A_319 = vector.broadcast %ge3A_312 : vector<1x1xi1> to vector<1x32xi1>
    %and3A_320 = arith.andi %and3A_319, %and3A_309 : vector<1x32xi1>
    %not3A_321 = arith.constant dense<true> : vector<1x32xi1>
    %not3A_322 = arith.xori %and3A_320, %not3A_321 : vector<1x32xi1>
    %and3A_323 = arith.andi %and3A_286, %not3A_322 : vector<1x32xi1>
    %eq3A_324 = arith.constant 6 : i32
    %eq3A_325 = vector.broadcast %eq3A_324 : i32 to vector<1x32xi32>
    %eq3A_326 = arith.cmpi eq, %iota3A, %eq3A_325 : vector<1x32xi32>
    %slice3A_327 = vector.extract_strided_slice %select_n3A_85 {offsets = [7, 0], sizes = [1, 32], strides = [1, 1]} : vector<32x32xi32> to vector<1x32xi32>
    %jit3A_328 = arith.constant -1 : i32
    %broadcast_in_dim3A_329 = vector.broadcast %jit3A_328 : i32 to vector<1x32xi32>
    %select_n3A_330 = arith.select %and3A_323, %slice3A_327, %broadcast_in_dim3A_329 : vector<1x32xi1>, vector<1x32xi32>
    %reduce_max3A_331 = arith.constant dense<-2147483648> : vector<1xi32>
    %reduce_max3A_332 = vector.multi_reduction <maxsi>, %select_n3A_330, %reduce_max3A_331 [1] : vector<1x32xi32> to vector<1xi32>
    %broadcast_in_dim3A_333 = vector.shape_cast %reduce_max3A_332 : vector<1xi32> to vector<1x1xi32>
    %eq3A_334 = vector.broadcast %broadcast_in_dim3A_333 : vector<1x1xi32> to vector<1x32xi32>
    %eq3A_335 = arith.cmpi eq, %select_n3A_330, %eq3A_334 : vector<1x32xi32>
    %and3A_336 = arith.andi %and3A_323, %eq3A_335 : vector<1x32xi1>
    %slice3A_337 = vector.extract_strided_slice %select_n3A_96 {offsets = [7, 0], sizes = [1, 32], strides = [1, 1]} : vector<32x32xi32> to vector<1x32xi32>
    %jit3A_338 = arith.constant -1 : i32
    %broadcast_in_dim3A_339 = vector.broadcast %jit3A_338 : i32 to vector<1x32xi32>
    %select_n3A_340 = arith.select %and3A_336, %slice3A_337, %broadcast_in_dim3A_339 : vector<1x32xi1>, vector<1x32xi32>
    %reduce_max3A_341 = arith.constant dense<-2147483648> : vector<1xi32>
    %reduce_max3A_342 = vector.multi_reduction <maxsi>, %select_n3A_340, %reduce_max3A_341 [1] : vector<1x32xi32> to vector<1xi32>
    %broadcast_in_dim3A_343 = vector.shape_cast %reduce_max3A_342 : vector<1xi32> to vector<1x1xi32>
    %eq3A_344 = vector.broadcast %broadcast_in_dim3A_343 : vector<1x1xi32> to vector<1x32xi32>
    %eq3A_345 = arith.cmpi eq, %slice3A_337, %eq3A_344 : vector<1x32xi32>
    %and3A_346 = arith.andi %and3A_336, %eq3A_345 : vector<1x32xi1>
    %ge3A_347 = arith.constant 0 : i32
    %ge3A_348 = vector.broadcast %ge3A_347 : i32 to vector<1x1xi32>
    %ge3A_349 = arith.cmpi sge, %broadcast_in_dim3A_333, %ge3A_348 : vector<1x1xi32>
    %broadcast_in_dim3A_350 = vector.shape_cast %broadcast_in_dim3A_333 : vector<1x1xi32> to vector<1x1xi32>
    %broadcast_in_dim3A_351 = vector.broadcast %broadcast_in_dim3A_350 : vector<1x1xi32> to vector<1x32xi32>
    %select_n3A_352 = arith.select %eq3A_326, %broadcast_in_dim3A_351, %select_n3A_315 : vector<1x32xi1>, vector<1x32xi32>
    %broadcast_in_dim3A_353 = vector.shape_cast %broadcast_in_dim3A_343 : vector<1x1xi32> to vector<1x1xi32>
    %broadcast_in_dim3A_354 = vector.broadcast %broadcast_in_dim3A_353 : vector<1x1xi32> to vector<1x32xi32>
    %select_n3A_355 = arith.select %eq3A_326, %broadcast_in_dim3A_354, %select_n3A_318 : vector<1x32xi1>, vector<1x32xi32>
    %and3A_356 = vector.broadcast %ge3A_349 : vector<1x1xi1> to vector<1x32xi1>
    %and3A_357 = arith.andi %and3A_356, %and3A_346 : vector<1x32xi1>
    %not3A_358 = arith.constant dense<true> : vector<1x32xi1>
    %not3A_359 = arith.xori %and3A_357, %not3A_358 : vector<1x32xi1>
    %and3A_360 = arith.andi %and3A_323, %not3A_359 : vector<1x32xi1>
    %eq3A_361 = arith.constant 7 : i32
    %eq3A_362 = vector.broadcast %eq3A_361 : i32 to vector<1x32xi32>
    %eq3A_363 = arith.cmpi eq, %iota3A, %eq3A_362 : vector<1x32xi32>
    %slice3A_364 = vector.extract_strided_slice %select_n3A_85 {offsets = [8, 0], sizes = [1, 32], strides = [1, 1]} : vector<32x32xi32> to vector<1x32xi32>
    %jit3A_365 = arith.constant -1 : i32
    %broadcast_in_dim3A_366 = vector.broadcast %jit3A_365 : i32 to vector<1x32xi32>
    %select_n3A_367 = arith.select %and3A_360, %slice3A_364, %broadcast_in_dim3A_366 : vector<1x32xi1>, vector<1x32xi32>
    %reduce_max3A_368 = arith.constant dense<-2147483648> : vector<1xi32>
    %reduce_max3A_369 = vector.multi_reduction <maxsi>, %select_n3A_367, %reduce_max3A_368 [1] : vector<1x32xi32> to vector<1xi32>
    %broadcast_in_dim3A_370 = vector.shape_cast %reduce_max3A_369 : vector<1xi32> to vector<1x1xi32>
    %eq3A_371 = vector.broadcast %broadcast_in_dim3A_370 : vector<1x1xi32> to vector<1x32xi32>
    %eq3A_372 = arith.cmpi eq, %select_n3A_367, %eq3A_371 : vector<1x32xi32>
    %and3A_373 = arith.andi %and3A_360, %eq3A_372 : vector<1x32xi1>
    %slice3A_374 = vector.extract_strided_slice %select_n3A_96 {offsets = [8, 0], sizes = [1, 32], strides = [1, 1]} : vector<32x32xi32> to vector<1x32xi32>
    %jit3A_375 = arith.constant -1 : i32
    %broadcast_in_dim3A_376 = vector.broadcast %jit3A_375 : i32 to vector<1x32xi32>
    %select_n3A_377 = arith.select %and3A_373, %slice3A_374, %broadcast_in_dim3A_376 : vector<1x32xi1>, vector<1x32xi32>
    %reduce_max3A_378 = arith.constant dense<-2147483648> : vector<1xi32>
    %reduce_max3A_379 = vector.multi_reduction <maxsi>, %select_n3A_377, %reduce_max3A_378 [1] : vector<1x32xi32> to vector<1xi32>
    %broadcast_in_dim3A_380 = vector.shape_cast %reduce_max3A_379 : vector<1xi32> to vector<1x1xi32>
    %eq3A_381 = vector.broadcast %broadcast_in_dim3A_380 : vector<1x1xi32> to vector<1x32xi32>
    %eq3A_382 = arith.cmpi eq, %slice3A_374, %eq3A_381 : vector<1x32xi32>
    %and3A_383 = arith.andi %and3A_373, %eq3A_382 : vector<1x32xi1>
    %ge3A_384 = arith.constant 0 : i32
    %ge3A_385 = vector.broadcast %ge3A_384 : i32 to vector<1x1xi32>
    %ge3A_386 = arith.cmpi sge, %broadcast_in_dim3A_370, %ge3A_385 : vector<1x1xi32>
    %broadcast_in_dim3A_387 = vector.shape_cast %broadcast_in_dim3A_370 : vector<1x1xi32> to vector<1x1xi32>
    %broadcast_in_dim3A_388 = vector.broadcast %broadcast_in_dim3A_387 : vector<1x1xi32> to vector<1x32xi32>
    %select_n3A_389 = arith.select %eq3A_363, %broadcast_in_dim3A_388, %select_n3A_352 : vector<1x32xi1>, vector<1x32xi32>
    %broadcast_in_dim3A_390 = vector.shape_cast %broadcast_in_dim3A_380 : vector<1x1xi32> to vector<1x1xi32>
    %broadcast_in_dim3A_391 = vector.broadcast %broadcast_in_dim3A_390 : vector<1x1xi32> to vector<1x32xi32>
    %select_n3A_392 = arith.select %eq3A_363, %broadcast_in_dim3A_391, %select_n3A_355 : vector<1x32xi1>, vector<1x32xi32>
    %and3A_393 = vector.broadcast %ge3A_386 : vector<1x1xi1> to vector<1x32xi1>
    %and3A_394 = arith.andi %and3A_393, %and3A_383 : vector<1x32xi1>
    %not3A_395 = arith.constant dense<true> : vector<1x32xi1>
    %not3A_396 = arith.xori %and3A_394, %not3A_395 : vector<1x32xi1>
    %and3A_397 = arith.andi %and3A_360, %not3A_396 : vector<1x32xi1>
    %eq3A_398 = arith.constant 8 : i32
    %eq3A_399 = vector.broadcast %eq3A_398 : i32 to vector<1x32xi32>
    %eq3A_400 = arith.cmpi eq, %iota3A, %eq3A_399 : vector<1x32xi32>
    %slice3A_401 = vector.extract_strided_slice %select_n3A_85 {offsets = [9, 0], sizes = [1, 32], strides = [1, 1]} : vector<32x32xi32> to vector<1x32xi32>
    %jit3A_402 = arith.constant -1 : i32
    %broadcast_in_dim3A_403 = vector.broadcast %jit3A_402 : i32 to vector<1x32xi32>
    %select_n3A_404 = arith.select %and3A_397, %slice3A_401, %broadcast_in_dim3A_403 : vector<1x32xi1>, vector<1x32xi32>
    %reduce_max3A_405 = arith.constant dense<-2147483648> : vector<1xi32>
    %reduce_max3A_406 = vector.multi_reduction <maxsi>, %select_n3A_404, %reduce_max3A_405 [1] : vector<1x32xi32> to vector<1xi32>
    %broadcast_in_dim3A_407 = vector.shape_cast %reduce_max3A_406 : vector<1xi32> to vector<1x1xi32>
    %eq3A_408 = vector.broadcast %broadcast_in_dim3A_407 : vector<1x1xi32> to vector<1x32xi32>
    %eq3A_409 = arith.cmpi eq, %select_n3A_404, %eq3A_408 : vector<1x32xi32>
    %and3A_410 = arith.andi %and3A_397, %eq3A_409 : vector<1x32xi1>
    %slice3A_411 = vector.extract_strided_slice %select_n3A_96 {offsets = [9, 0], sizes = [1, 32], strides = [1, 1]} : vector<32x32xi32> to vector<1x32xi32>
    %jit3A_412 = arith.constant -1 : i32
    %broadcast_in_dim3A_413 = vector.broadcast %jit3A_412 : i32 to vector<1x32xi32>
    %select_n3A_414 = arith.select %and3A_410, %slice3A_411, %broadcast_in_dim3A_413 : vector<1x32xi1>, vector<1x32xi32>
    %reduce_max3A_415 = arith.constant dense<-2147483648> : vector<1xi32>
    %reduce_max3A_416 = vector.multi_reduction <maxsi>, %select_n3A_414, %reduce_max3A_415 [1] : vector<1x32xi32> to vector<1xi32>
    %broadcast_in_dim3A_417 = vector.shape_cast %reduce_max3A_416 : vector<1xi32> to vector<1x1xi32>
    %eq3A_418 = vector.broadcast %broadcast_in_dim3A_417 : vector<1x1xi32> to vector<1x32xi32>
    %eq3A_419 = arith.cmpi eq, %slice3A_411, %eq3A_418 : vector<1x32xi32>
    %and3A_420 = arith.andi %and3A_410, %eq3A_419 : vector<1x32xi1>
    %ge3A_421 = arith.constant 0 : i32
    %ge3A_422 = vector.broadcast %ge3A_421 : i32 to vector<1x1xi32>
    %ge3A_423 = arith.cmpi sge, %broadcast_in_dim3A_407, %ge3A_422 : vector<1x1xi32>
    %broadcast_in_dim3A_424 = vector.shape_cast %broadcast_in_dim3A_407 : vector<1x1xi32> to vector<1x1xi32>
    %broadcast_in_dim3A_425 = vector.broadcast %broadcast_in_dim3A_424 : vector<1x1xi32> to vector<1x32xi32>
    %select_n3A_426 = arith.select %eq3A_400, %broadcast_in_dim3A_425, %select_n3A_389 : vector<1x32xi1>, vector<1x32xi32>
    %broadcast_in_dim3A_427 = vector.shape_cast %broadcast_in_dim3A_417 : vector<1x1xi32> to vector<1x1xi32>
    %broadcast_in_dim3A_428 = vector.broadcast %broadcast_in_dim3A_427 : vector<1x1xi32> to vector<1x32xi32>
    %select_n3A_429 = arith.select %eq3A_400, %broadcast_in_dim3A_428, %select_n3A_392 : vector<1x32xi1>, vector<1x32xi32>
    %and3A_430 = vector.broadcast %ge3A_423 : vector<1x1xi1> to vector<1x32xi1>
    %and3A_431 = arith.andi %and3A_430, %and3A_420 : vector<1x32xi1>
    %not3A_432 = arith.constant dense<true> : vector<1x32xi1>
    %not3A_433 = arith.xori %and3A_431, %not3A_432 : vector<1x32xi1>
    %and3A_434 = arith.andi %and3A_397, %not3A_433 : vector<1x32xi1>
    %eq3A_435 = arith.constant 9 : i32
    %eq3A_436 = vector.broadcast %eq3A_435 : i32 to vector<1x32xi32>
    %eq3A_437 = arith.cmpi eq, %iota3A, %eq3A_436 : vector<1x32xi32>
    %slice3A_438 = vector.extract_strided_slice %select_n3A_85 {offsets = [10, 0], sizes = [1, 32], strides = [1, 1]} : vector<32x32xi32> to vector<1x32xi32>
    %jit3A_439 = arith.constant -1 : i32
    %broadcast_in_dim3A_440 = vector.broadcast %jit3A_439 : i32 to vector<1x32xi32>
    %select_n3A_441 = arith.select %and3A_434, %slice3A_438, %broadcast_in_dim3A_440 : vector<1x32xi1>, vector<1x32xi32>
    %reduce_max3A_442 = arith.constant dense<-2147483648> : vector<1xi32>
    %reduce_max3A_443 = vector.multi_reduction <maxsi>, %select_n3A_441, %reduce_max3A_442 [1] : vector<1x32xi32> to vector<1xi32>
    %broadcast_in_dim3A_444 = vector.shape_cast %reduce_max3A_443 : vector<1xi32> to vector<1x1xi32>
    %eq3A_445 = vector.broadcast %broadcast_in_dim3A_444 : vector<1x1xi32> to vector<1x32xi32>
    %eq3A_446 = arith.cmpi eq, %select_n3A_441, %eq3A_445 : vector<1x32xi32>
    %and3A_447 = arith.andi %and3A_434, %eq3A_446 : vector<1x32xi1>
    %slice3A_448 = vector.extract_strided_slice %select_n3A_96 {offsets = [10, 0], sizes = [1, 32], strides = [1, 1]} : vector<32x32xi32> to vector<1x32xi32>
    %jit3A_449 = arith.constant -1 : i32
    %broadcast_in_dim3A_450 = vector.broadcast %jit3A_449 : i32 to vector<1x32xi32>
    %select_n3A_451 = arith.select %and3A_447, %slice3A_448, %broadcast_in_dim3A_450 : vector<1x32xi1>, vector<1x32xi32>
    %reduce_max3A_452 = arith.constant dense<-2147483648> : vector<1xi32>
    %reduce_max3A_453 = vector.multi_reduction <maxsi>, %select_n3A_451, %reduce_max3A_452 [1] : vector<1x32xi32> to vector<1xi32>
    %broadcast_in_dim3A_454 = vector.shape_cast %reduce_max3A_453 : vector<1xi32> to vector<1x1xi32>
    %eq3A_455 = vector.broadcast %broadcast_in_dim3A_454 : vector<1x1xi32> to vector<1x32xi32>
    %eq3A_456 = arith.cmpi eq, %slice3A_448, %eq3A_455 : vector<1x32xi32>
    %and3A_457 = arith.andi %and3A_447, %eq3A_456 : vector<1x32xi1>
    %ge3A_458 = arith.constant 0 : i32
    %ge3A_459 = vector.broadcast %ge3A_458 : i32 to vector<1x1xi32>
    %ge3A_460 = arith.cmpi sge, %broadcast_in_dim3A_444, %ge3A_459 : vector<1x1xi32>
    %broadcast_in_dim3A_461 = vector.shape_cast %broadcast_in_dim3A_444 : vector<1x1xi32> to vector<1x1xi32>
    %broadcast_in_dim3A_462 = vector.broadcast %broadcast_in_dim3A_461 : vector<1x1xi32> to vector<1x32xi32>
    %select_n3A_463 = arith.select %eq3A_437, %broadcast_in_dim3A_462, %select_n3A_426 : vector<1x32xi1>, vector<1x32xi32>
    %broadcast_in_dim3A_464 = vector.shape_cast %broadcast_in_dim3A_454 : vector<1x1xi32> to vector<1x1xi32>
    %broadcast_in_dim3A_465 = vector.broadcast %broadcast_in_dim3A_464 : vector<1x1xi32> to vector<1x32xi32>
    %select_n3A_466 = arith.select %eq3A_437, %broadcast_in_dim3A_465, %select_n3A_429 : vector<1x32xi1>, vector<1x32xi32>
    %and3A_467 = vector.broadcast %ge3A_460 : vector<1x1xi1> to vector<1x32xi1>
    %and3A_468 = arith.andi %and3A_467, %and3A_457 : vector<1x32xi1>
    %not3A_469 = arith.constant dense<true> : vector<1x32xi1>
    %not3A_470 = arith.xori %and3A_468, %not3A_469 : vector<1x32xi1>
    %and3A_471 = arith.andi %and3A_434, %not3A_470 : vector<1x32xi1>
    %eq3A_472 = arith.constant 10 : i32
    %eq3A_473 = vector.broadcast %eq3A_472 : i32 to vector<1x32xi32>
    %eq3A_474 = arith.cmpi eq, %iota3A, %eq3A_473 : vector<1x32xi32>
    %slice3A_475 = vector.extract_strided_slice %select_n3A_85 {offsets = [11, 0], sizes = [1, 32], strides = [1, 1]} : vector<32x32xi32> to vector<1x32xi32>
    %jit3A_476 = arith.constant -1 : i32
    %broadcast_in_dim3A_477 = vector.broadcast %jit3A_476 : i32 to vector<1x32xi32>
    %select_n3A_478 = arith.select %and3A_471, %slice3A_475, %broadcast_in_dim3A_477 : vector<1x32xi1>, vector<1x32xi32>
    %reduce_max3A_479 = arith.constant dense<-2147483648> : vector<1xi32>
    %reduce_max3A_480 = vector.multi_reduction <maxsi>, %select_n3A_478, %reduce_max3A_479 [1] : vector<1x32xi32> to vector<1xi32>
    %broadcast_in_dim3A_481 = vector.shape_cast %reduce_max3A_480 : vector<1xi32> to vector<1x1xi32>
    %eq3A_482 = vector.broadcast %broadcast_in_dim3A_481 : vector<1x1xi32> to vector<1x32xi32>
    %eq3A_483 = arith.cmpi eq, %select_n3A_478, %eq3A_482 : vector<1x32xi32>
    %and3A_484 = arith.andi %and3A_471, %eq3A_483 : vector<1x32xi1>
    %slice3A_485 = vector.extract_strided_slice %select_n3A_96 {offsets = [11, 0], sizes = [1, 32], strides = [1, 1]} : vector<32x32xi32> to vector<1x32xi32>
    %jit3A_486 = arith.constant -1 : i32
    %broadcast_in_dim3A_487 = vector.broadcast %jit3A_486 : i32 to vector<1x32xi32>
    %select_n3A_488 = arith.select %and3A_484, %slice3A_485, %broadcast_in_dim3A_487 : vector<1x32xi1>, vector<1x32xi32>
    %reduce_max3A_489 = arith.constant dense<-2147483648> : vector<1xi32>
    %reduce_max3A_490 = vector.multi_reduction <maxsi>, %select_n3A_488, %reduce_max3A_489 [1] : vector<1x32xi32> to vector<1xi32>
    %broadcast_in_dim3A_491 = vector.shape_cast %reduce_max3A_490 : vector<1xi32> to vector<1x1xi32>
    %eq3A_492 = vector.broadcast %broadcast_in_dim3A_491 : vector<1x1xi32> to vector<1x32xi32>
    %eq3A_493 = arith.cmpi eq, %slice3A_485, %eq3A_492 : vector<1x32xi32>
    %and3A_494 = arith.andi %and3A_484, %eq3A_493 : vector<1x32xi1>
    %ge3A_495 = arith.constant 0 : i32
    %ge3A_496 = vector.broadcast %ge3A_495 : i32 to vector<1x1xi32>
    %ge3A_497 = arith.cmpi sge, %broadcast_in_dim3A_481, %ge3A_496 : vector<1x1xi32>
    %broadcast_in_dim3A_498 = vector.shape_cast %broadcast_in_dim3A_481 : vector<1x1xi32> to vector<1x1xi32>
    %broadcast_in_dim3A_499 = vector.broadcast %broadcast_in_dim3A_498 : vector<1x1xi32> to vector<1x32xi32>
    %select_n3A_500 = arith.select %eq3A_474, %broadcast_in_dim3A_499, %select_n3A_463 : vector<1x32xi1>, vector<1x32xi32>
    %broadcast_in_dim3A_501 = vector.shape_cast %broadcast_in_dim3A_491 : vector<1x1xi32> to vector<1x1xi32>
    %broadcast_in_dim3A_502 = vector.broadcast %broadcast_in_dim3A_501 : vector<1x1xi32> to vector<1x32xi32>
    %select_n3A_503 = arith.select %eq3A_474, %broadcast_in_dim3A_502, %select_n3A_466 : vector<1x32xi1>, vector<1x32xi32>
    %and3A_504 = vector.broadcast %ge3A_497 : vector<1x1xi1> to vector<1x32xi1>
    %and3A_505 = arith.andi %and3A_504, %and3A_494 : vector<1x32xi1>
    %not3A_506 = arith.constant dense<true> : vector<1x32xi1>
    %not3A_507 = arith.xori %and3A_505, %not3A_506 : vector<1x32xi1>
    %and3A_508 = arith.andi %and3A_471, %not3A_507 : vector<1x32xi1>
    %eq3A_509 = arith.constant 11 : i32
    %eq3A_510 = vector.broadcast %eq3A_509 : i32 to vector<1x32xi32>
    %eq3A_511 = arith.cmpi eq, %iota3A, %eq3A_510 : vector<1x32xi32>
    %slice3A_512 = vector.extract_strided_slice %select_n3A_85 {offsets = [12, 0], sizes = [1, 32], strides = [1, 1]} : vector<32x32xi32> to vector<1x32xi32>
    %jit3A_513 = arith.constant -1 : i32
    %broadcast_in_dim3A_514 = vector.broadcast %jit3A_513 : i32 to vector<1x32xi32>
    %select_n3A_515 = arith.select %and3A_508, %slice3A_512, %broadcast_in_dim3A_514 : vector<1x32xi1>, vector<1x32xi32>
    %reduce_max3A_516 = arith.constant dense<-2147483648> : vector<1xi32>
    %reduce_max3A_517 = vector.multi_reduction <maxsi>, %select_n3A_515, %reduce_max3A_516 [1] : vector<1x32xi32> to vector<1xi32>
    %broadcast_in_dim3A_518 = vector.shape_cast %reduce_max3A_517 : vector<1xi32> to vector<1x1xi32>
    %eq3A_519 = vector.broadcast %broadcast_in_dim3A_518 : vector<1x1xi32> to vector<1x32xi32>
    %eq3A_520 = arith.cmpi eq, %select_n3A_515, %eq3A_519 : vector<1x32xi32>
    %and3A_521 = arith.andi %and3A_508, %eq3A_520 : vector<1x32xi1>
    %slice3A_522 = vector.extract_strided_slice %select_n3A_96 {offsets = [12, 0], sizes = [1, 32], strides = [1, 1]} : vector<32x32xi32> to vector<1x32xi32>
    %jit3A_523 = arith.constant -1 : i32
    %broadcast_in_dim3A_524 = vector.broadcast %jit3A_523 : i32 to vector<1x32xi32>
    %select_n3A_525 = arith.select %and3A_521, %slice3A_522, %broadcast_in_dim3A_524 : vector<1x32xi1>, vector<1x32xi32>
    %reduce_max3A_526 = arith.constant dense<-2147483648> : vector<1xi32>
    %reduce_max3A_527 = vector.multi_reduction <maxsi>, %select_n3A_525, %reduce_max3A_526 [1] : vector<1x32xi32> to vector<1xi32>
    %broadcast_in_dim3A_528 = vector.shape_cast %reduce_max3A_527 : vector<1xi32> to vector<1x1xi32>
    %eq3A_529 = vector.broadcast %broadcast_in_dim3A_528 : vector<1x1xi32> to vector<1x32xi32>
    %eq3A_530 = arith.cmpi eq, %slice3A_522, %eq3A_529 : vector<1x32xi32>
    %and3A_531 = arith.andi %and3A_521, %eq3A_530 : vector<1x32xi1>
    %ge3A_532 = arith.constant 0 : i32
    %ge3A_533 = vector.broadcast %ge3A_532 : i32 to vector<1x1xi32>
    %ge3A_534 = arith.cmpi sge, %broadcast_in_dim3A_518, %ge3A_533 : vector<1x1xi32>
    %broadcast_in_dim3A_535 = vector.shape_cast %broadcast_in_dim3A_518 : vector<1x1xi32> to vector<1x1xi32>
    %broadcast_in_dim3A_536 = vector.broadcast %broadcast_in_dim3A_535 : vector<1x1xi32> to vector<1x32xi32>
    %select_n3A_537 = arith.select %eq3A_511, %broadcast_in_dim3A_536, %select_n3A_500 : vector<1x32xi1>, vector<1x32xi32>
    %broadcast_in_dim3A_538 = vector.shape_cast %broadcast_in_dim3A_528 : vector<1x1xi32> to vector<1x1xi32>
    %broadcast_in_dim3A_539 = vector.broadcast %broadcast_in_dim3A_538 : vector<1x1xi32> to vector<1x32xi32>
    %select_n3A_540 = arith.select %eq3A_511, %broadcast_in_dim3A_539, %select_n3A_503 : vector<1x32xi1>, vector<1x32xi32>
    %and3A_541 = vector.broadcast %ge3A_534 : vector<1x1xi1> to vector<1x32xi1>
    %and3A_542 = arith.andi %and3A_541, %and3A_531 : vector<1x32xi1>
    %not3A_543 = arith.constant dense<true> : vector<1x32xi1>
    %not3A_544 = arith.xori %and3A_542, %not3A_543 : vector<1x32xi1>
    %and3A_545 = arith.andi %and3A_508, %not3A_544 : vector<1x32xi1>
    %eq3A_546 = arith.constant 12 : i32
    %eq3A_547 = vector.broadcast %eq3A_546 : i32 to vector<1x32xi32>
    %eq3A_548 = arith.cmpi eq, %iota3A, %eq3A_547 : vector<1x32xi32>
    %slice3A_549 = vector.extract_strided_slice %select_n3A_85 {offsets = [13, 0], sizes = [1, 32], strides = [1, 1]} : vector<32x32xi32> to vector<1x32xi32>
    %jit3A_550 = arith.constant -1 : i32
    %broadcast_in_dim3A_551 = vector.broadcast %jit3A_550 : i32 to vector<1x32xi32>
    %select_n3A_552 = arith.select %and3A_545, %slice3A_549, %broadcast_in_dim3A_551 : vector<1x32xi1>, vector<1x32xi32>
    %reduce_max3A_553 = arith.constant dense<-2147483648> : vector<1xi32>
    %reduce_max3A_554 = vector.multi_reduction <maxsi>, %select_n3A_552, %reduce_max3A_553 [1] : vector<1x32xi32> to vector<1xi32>
    %broadcast_in_dim3A_555 = vector.shape_cast %reduce_max3A_554 : vector<1xi32> to vector<1x1xi32>
    %eq3A_556 = vector.broadcast %broadcast_in_dim3A_555 : vector<1x1xi32> to vector<1x32xi32>
    %eq3A_557 = arith.cmpi eq, %select_n3A_552, %eq3A_556 : vector<1x32xi32>
    %and3A_558 = arith.andi %and3A_545, %eq3A_557 : vector<1x32xi1>
    %slice3A_559 = vector.extract_strided_slice %select_n3A_96 {offsets = [13, 0], sizes = [1, 32], strides = [1, 1]} : vector<32x32xi32> to vector<1x32xi32>
    %jit3A_560 = arith.constant -1 : i32
    %broadcast_in_dim3A_561 = vector.broadcast %jit3A_560 : i32 to vector<1x32xi32>
    %select_n3A_562 = arith.select %and3A_558, %slice3A_559, %broadcast_in_dim3A_561 : vector<1x32xi1>, vector<1x32xi32>
    %reduce_max3A_563 = arith.constant dense<-2147483648> : vector<1xi32>
    %reduce_max3A_564 = vector.multi_reduction <maxsi>, %select_n3A_562, %reduce_max3A_563 [1] : vector<1x32xi32> to vector<1xi32>
    %broadcast_in_dim3A_565 = vector.shape_cast %reduce_max3A_564 : vector<1xi32> to vector<1x1xi32>
    %eq3A_566 = vector.broadcast %broadcast_in_dim3A_565 : vector<1x1xi32> to vector<1x32xi32>
    %eq3A_567 = arith.cmpi eq, %slice3A_559, %eq3A_566 : vector<1x32xi32>
    %and3A_568 = arith.andi %and3A_558, %eq3A_567 : vector<1x32xi1>
    %ge3A_569 = arith.constant 0 : i32
    %ge3A_570 = vector.broadcast %ge3A_569 : i32 to vector<1x1xi32>
    %ge3A_571 = arith.cmpi sge, %broadcast_in_dim3A_555, %ge3A_570 : vector<1x1xi32>
    %broadcast_in_dim3A_572 = vector.shape_cast %broadcast_in_dim3A_555 : vector<1x1xi32> to vector<1x1xi32>
    %broadcast_in_dim3A_573 = vector.broadcast %broadcast_in_dim3A_572 : vector<1x1xi32> to vector<1x32xi32>
    %select_n3A_574 = arith.select %eq3A_548, %broadcast_in_dim3A_573, %select_n3A_537 : vector<1x32xi1>, vector<1x32xi32>
    %broadcast_in_dim3A_575 = vector.shape_cast %broadcast_in_dim3A_565 : vector<1x1xi32> to vector<1x1xi32>
    %broadcast_in_dim3A_576 = vector.broadcast %broadcast_in_dim3A_575 : vector<1x1xi32> to vector<1x32xi32>
    %select_n3A_577 = arith.select %eq3A_548, %broadcast_in_dim3A_576, %select_n3A_540 : vector<1x32xi1>, vector<1x32xi32>
    %and3A_578 = vector.broadcast %ge3A_571 : vector<1x1xi1> to vector<1x32xi1>
    %and3A_579 = arith.andi %and3A_578, %and3A_568 : vector<1x32xi1>
    %not3A_580 = arith.constant dense<true> : vector<1x32xi1>
    %not3A_581 = arith.xori %and3A_579, %not3A_580 : vector<1x32xi1>
    %and3A_582 = arith.andi %and3A_545, %not3A_581 : vector<1x32xi1>
    %eq3A_583 = arith.constant 13 : i32
    %eq3A_584 = vector.broadcast %eq3A_583 : i32 to vector<1x32xi32>
    %eq3A_585 = arith.cmpi eq, %iota3A, %eq3A_584 : vector<1x32xi32>
    %slice3A_586 = vector.extract_strided_slice %select_n3A_85 {offsets = [14, 0], sizes = [1, 32], strides = [1, 1]} : vector<32x32xi32> to vector<1x32xi32>
    %jit3A_587 = arith.constant -1 : i32
    %broadcast_in_dim3A_588 = vector.broadcast %jit3A_587 : i32 to vector<1x32xi32>
    %select_n3A_589 = arith.select %and3A_582, %slice3A_586, %broadcast_in_dim3A_588 : vector<1x32xi1>, vector<1x32xi32>
    %reduce_max3A_590 = arith.constant dense<-2147483648> : vector<1xi32>
    %reduce_max3A_591 = vector.multi_reduction <maxsi>, %select_n3A_589, %reduce_max3A_590 [1] : vector<1x32xi32> to vector<1xi32>
    %broadcast_in_dim3A_592 = vector.shape_cast %reduce_max3A_591 : vector<1xi32> to vector<1x1xi32>
    %eq3A_593 = vector.broadcast %broadcast_in_dim3A_592 : vector<1x1xi32> to vector<1x32xi32>
    %eq3A_594 = arith.cmpi eq, %select_n3A_589, %eq3A_593 : vector<1x32xi32>
    %and3A_595 = arith.andi %and3A_582, %eq3A_594 : vector<1x32xi1>
    %slice3A_596 = vector.extract_strided_slice %select_n3A_96 {offsets = [14, 0], sizes = [1, 32], strides = [1, 1]} : vector<32x32xi32> to vector<1x32xi32>
    %jit3A_597 = arith.constant -1 : i32
    %broadcast_in_dim3A_598 = vector.broadcast %jit3A_597 : i32 to vector<1x32xi32>
    %select_n3A_599 = arith.select %and3A_595, %slice3A_596, %broadcast_in_dim3A_598 : vector<1x32xi1>, vector<1x32xi32>
    %reduce_max3A_600 = arith.constant dense<-2147483648> : vector<1xi32>
    %reduce_max3A_601 = vector.multi_reduction <maxsi>, %select_n3A_599, %reduce_max3A_600 [1] : vector<1x32xi32> to vector<1xi32>
    %broadcast_in_dim3A_602 = vector.shape_cast %reduce_max3A_601 : vector<1xi32> to vector<1x1xi32>
    %eq3A_603 = vector.broadcast %broadcast_in_dim3A_602 : vector<1x1xi32> to vector<1x32xi32>
    %eq3A_604 = arith.cmpi eq, %slice3A_596, %eq3A_603 : vector<1x32xi32>
    %and3A_605 = arith.andi %and3A_595, %eq3A_604 : vector<1x32xi1>
    %ge3A_606 = arith.constant 0 : i32
    %ge3A_607 = vector.broadcast %ge3A_606 : i32 to vector<1x1xi32>
    %ge3A_608 = arith.cmpi sge, %broadcast_in_dim3A_592, %ge3A_607 : vector<1x1xi32>
    %broadcast_in_dim3A_609 = vector.shape_cast %broadcast_in_dim3A_592 : vector<1x1xi32> to vector<1x1xi32>
    %broadcast_in_dim3A_610 = vector.broadcast %broadcast_in_dim3A_609 : vector<1x1xi32> to vector<1x32xi32>
    %select_n3A_611 = arith.select %eq3A_585, %broadcast_in_dim3A_610, %select_n3A_574 : vector<1x32xi1>, vector<1x32xi32>
    %broadcast_in_dim3A_612 = vector.shape_cast %broadcast_in_dim3A_602 : vector<1x1xi32> to vector<1x1xi32>
    %broadcast_in_dim3A_613 = vector.broadcast %broadcast_in_dim3A_612 : vector<1x1xi32> to vector<1x32xi32>
    %select_n3A_614 = arith.select %eq3A_585, %broadcast_in_dim3A_613, %select_n3A_577 : vector<1x32xi1>, vector<1x32xi32>
    %and3A_615 = vector.broadcast %ge3A_608 : vector<1x1xi1> to vector<1x32xi1>
    %and3A_616 = arith.andi %and3A_615, %and3A_605 : vector<1x32xi1>
    %not3A_617 = arith.constant dense<true> : vector<1x32xi1>
    %not3A_618 = arith.xori %and3A_616, %not3A_617 : vector<1x32xi1>
    %and3A_619 = arith.andi %and3A_582, %not3A_618 : vector<1x32xi1>
    %eq3A_620 = arith.constant 14 : i32
    %eq3A_621 = vector.broadcast %eq3A_620 : i32 to vector<1x32xi32>
    %eq3A_622 = arith.cmpi eq, %iota3A, %eq3A_621 : vector<1x32xi32>
    %slice3A_623 = vector.extract_strided_slice %select_n3A_85 {offsets = [15, 0], sizes = [1, 32], strides = [1, 1]} : vector<32x32xi32> to vector<1x32xi32>
    %jit3A_624 = arith.constant -1 : i32
    %broadcast_in_dim3A_625 = vector.broadcast %jit3A_624 : i32 to vector<1x32xi32>
    %select_n3A_626 = arith.select %and3A_619, %slice3A_623, %broadcast_in_dim3A_625 : vector<1x32xi1>, vector<1x32xi32>
    %reduce_max3A_627 = arith.constant dense<-2147483648> : vector<1xi32>
    %reduce_max3A_628 = vector.multi_reduction <maxsi>, %select_n3A_626, %reduce_max3A_627 [1] : vector<1x32xi32> to vector<1xi32>
    %broadcast_in_dim3A_629 = vector.shape_cast %reduce_max3A_628 : vector<1xi32> to vector<1x1xi32>
    %eq3A_630 = vector.broadcast %broadcast_in_dim3A_629 : vector<1x1xi32> to vector<1x32xi32>
    %eq3A_631 = arith.cmpi eq, %select_n3A_626, %eq3A_630 : vector<1x32xi32>
    %and3A_632 = arith.andi %and3A_619, %eq3A_631 : vector<1x32xi1>
    %slice3A_633 = vector.extract_strided_slice %select_n3A_96 {offsets = [15, 0], sizes = [1, 32], strides = [1, 1]} : vector<32x32xi32> to vector<1x32xi32>
    %jit3A_634 = arith.constant -1 : i32
    %broadcast_in_dim3A_635 = vector.broadcast %jit3A_634 : i32 to vector<1x32xi32>
    %select_n3A_636 = arith.select %and3A_632, %slice3A_633, %broadcast_in_dim3A_635 : vector<1x32xi1>, vector<1x32xi32>
    %reduce_max3A_637 = arith.constant dense<-2147483648> : vector<1xi32>
    %reduce_max3A_638 = vector.multi_reduction <maxsi>, %select_n3A_636, %reduce_max3A_637 [1] : vector<1x32xi32> to vector<1xi32>
    %broadcast_in_dim3A_639 = vector.shape_cast %reduce_max3A_638 : vector<1xi32> to vector<1x1xi32>
    %eq3A_640 = vector.broadcast %broadcast_in_dim3A_639 : vector<1x1xi32> to vector<1x32xi32>
    %eq3A_641 = arith.cmpi eq, %slice3A_633, %eq3A_640 : vector<1x32xi32>
    %and3A_642 = arith.andi %and3A_632, %eq3A_641 : vector<1x32xi1>
    %ge3A_643 = arith.constant 0 : i32
    %ge3A_644 = vector.broadcast %ge3A_643 : i32 to vector<1x1xi32>
    %ge3A_645 = arith.cmpi sge, %broadcast_in_dim3A_629, %ge3A_644 : vector<1x1xi32>
    %broadcast_in_dim3A_646 = vector.shape_cast %broadcast_in_dim3A_629 : vector<1x1xi32> to vector<1x1xi32>
    %broadcast_in_dim3A_647 = vector.broadcast %broadcast_in_dim3A_646 : vector<1x1xi32> to vector<1x32xi32>
    %select_n3A_648 = arith.select %eq3A_622, %broadcast_in_dim3A_647, %select_n3A_611 : vector<1x32xi1>, vector<1x32xi32>
    %broadcast_in_dim3A_649 = vector.shape_cast %broadcast_in_dim3A_639 : vector<1x1xi32> to vector<1x1xi32>
    %broadcast_in_dim3A_650 = vector.broadcast %broadcast_in_dim3A_649 : vector<1x1xi32> to vector<1x32xi32>
    %select_n3A_651 = arith.select %eq3A_622, %broadcast_in_dim3A_650, %select_n3A_614 : vector<1x32xi1>, vector<1x32xi32>
    %and3A_652 = vector.broadcast %ge3A_645 : vector<1x1xi1> to vector<1x32xi1>
    %and3A_653 = arith.andi %and3A_652, %and3A_642 : vector<1x32xi1>
    %not3A_654 = arith.constant dense<true> : vector<1x32xi1>
    %not3A_655 = arith.xori %and3A_653, %not3A_654 : vector<1x32xi1>
    %and3A_656 = arith.andi %and3A_619, %not3A_655 : vector<1x32xi1>
    %eq3A_657 = arith.constant 15 : i32
    %eq3A_658 = vector.broadcast %eq3A_657 : i32 to vector<1x32xi32>
    %eq3A_659 = arith.cmpi eq, %iota3A, %eq3A_658 : vector<1x32xi32>
    %slice3A_660 = vector.extract_strided_slice %select_n3A_85 {offsets = [16, 0], sizes = [1, 32], strides = [1, 1]} : vector<32x32xi32> to vector<1x32xi32>
    %jit3A_661 = arith.constant -1 : i32
    %broadcast_in_dim3A_662 = vector.broadcast %jit3A_661 : i32 to vector<1x32xi32>
    %select_n3A_663 = arith.select %and3A_656, %slice3A_660, %broadcast_in_dim3A_662 : vector<1x32xi1>, vector<1x32xi32>
    %reduce_max3A_664 = arith.constant dense<-2147483648> : vector<1xi32>
    %reduce_max3A_665 = vector.multi_reduction <maxsi>, %select_n3A_663, %reduce_max3A_664 [1] : vector<1x32xi32> to vector<1xi32>
    %broadcast_in_dim3A_666 = vector.shape_cast %reduce_max3A_665 : vector<1xi32> to vector<1x1xi32>
    %eq3A_667 = vector.broadcast %broadcast_in_dim3A_666 : vector<1x1xi32> to vector<1x32xi32>
    %eq3A_668 = arith.cmpi eq, %select_n3A_663, %eq3A_667 : vector<1x32xi32>
    %and3A_669 = arith.andi %and3A_656, %eq3A_668 : vector<1x32xi1>
    %slice3A_670 = vector.extract_strided_slice %select_n3A_96 {offsets = [16, 0], sizes = [1, 32], strides = [1, 1]} : vector<32x32xi32> to vector<1x32xi32>
    %jit3A_671 = arith.constant -1 : i32
    %broadcast_in_dim3A_672 = vector.broadcast %jit3A_671 : i32 to vector<1x32xi32>
    %select_n3A_673 = arith.select %and3A_669, %slice3A_670, %broadcast_in_dim3A_672 : vector<1x32xi1>, vector<1x32xi32>
    %reduce_max3A_674 = arith.constant dense<-2147483648> : vector<1xi32>
    %reduce_max3A_675 = vector.multi_reduction <maxsi>, %select_n3A_673, %reduce_max3A_674 [1] : vector<1x32xi32> to vector<1xi32>
    %broadcast_in_dim3A_676 = vector.shape_cast %reduce_max3A_675 : vector<1xi32> to vector<1x1xi32>
    %eq3A_677 = vector.broadcast %broadcast_in_dim3A_676 : vector<1x1xi32> to vector<1x32xi32>
    %eq3A_678 = arith.cmpi eq, %slice3A_670, %eq3A_677 : vector<1x32xi32>
    %and3A_679 = arith.andi %and3A_669, %eq3A_678 : vector<1x32xi1>
    %ge3A_680 = arith.constant 0 : i32
    %ge3A_681 = vector.broadcast %ge3A_680 : i32 to vector<1x1xi32>
    %ge3A_682 = arith.cmpi sge, %broadcast_in_dim3A_666, %ge3A_681 : vector<1x1xi32>
    %broadcast_in_dim3A_683 = vector.shape_cast %broadcast_in_dim3A_666 : vector<1x1xi32> to vector<1x1xi32>
    %broadcast_in_dim3A_684 = vector.broadcast %broadcast_in_dim3A_683 : vector<1x1xi32> to vector<1x32xi32>
    %select_n3A_685 = arith.select %eq3A_659, %broadcast_in_dim3A_684, %select_n3A_648 : vector<1x32xi1>, vector<1x32xi32>
    %broadcast_in_dim3A_686 = vector.shape_cast %broadcast_in_dim3A_676 : vector<1x1xi32> to vector<1x1xi32>
    %broadcast_in_dim3A_687 = vector.broadcast %broadcast_in_dim3A_686 : vector<1x1xi32> to vector<1x32xi32>
    %select_n3A_688 = arith.select %eq3A_659, %broadcast_in_dim3A_687, %select_n3A_651 : vector<1x32xi1>, vector<1x32xi32>
    %and3A_689 = vector.broadcast %ge3A_682 : vector<1x1xi1> to vector<1x32xi1>
    %and3A_690 = arith.andi %and3A_689, %and3A_679 : vector<1x32xi1>
    %not3A_691 = arith.constant dense<true> : vector<1x32xi1>
    %not3A_692 = arith.xori %and3A_690, %not3A_691 : vector<1x32xi1>
    %and3A_693 = arith.andi %and3A_656, %not3A_692 : vector<1x32xi1>
    %eq3A_694 = arith.constant 16 : i32
    %eq3A_695 = vector.broadcast %eq3A_694 : i32 to vector<1x32xi32>
    %eq3A_696 = arith.cmpi eq, %iota3A, %eq3A_695 : vector<1x32xi32>
    %slice3A_697 = vector.extract_strided_slice %select_n3A_85 {offsets = [17, 0], sizes = [1, 32], strides = [1, 1]} : vector<32x32xi32> to vector<1x32xi32>
    %jit3A_698 = arith.constant -1 : i32
    %broadcast_in_dim3A_699 = vector.broadcast %jit3A_698 : i32 to vector<1x32xi32>
    %select_n3A_700 = arith.select %and3A_693, %slice3A_697, %broadcast_in_dim3A_699 : vector<1x32xi1>, vector<1x32xi32>
    %reduce_max3A_701 = arith.constant dense<-2147483648> : vector<1xi32>
    %reduce_max3A_702 = vector.multi_reduction <maxsi>, %select_n3A_700, %reduce_max3A_701 [1] : vector<1x32xi32> to vector<1xi32>
    %broadcast_in_dim3A_703 = vector.shape_cast %reduce_max3A_702 : vector<1xi32> to vector<1x1xi32>
    %eq3A_704 = vector.broadcast %broadcast_in_dim3A_703 : vector<1x1xi32> to vector<1x32xi32>
    %eq3A_705 = arith.cmpi eq, %select_n3A_700, %eq3A_704 : vector<1x32xi32>
    %and3A_706 = arith.andi %and3A_693, %eq3A_705 : vector<1x32xi1>
    %slice3A_707 = vector.extract_strided_slice %select_n3A_96 {offsets = [17, 0], sizes = [1, 32], strides = [1, 1]} : vector<32x32xi32> to vector<1x32xi32>
    %jit3A_708 = arith.constant -1 : i32
    %broadcast_in_dim3A_709 = vector.broadcast %jit3A_708 : i32 to vector<1x32xi32>
    %select_n3A_710 = arith.select %and3A_706, %slice3A_707, %broadcast_in_dim3A_709 : vector<1x32xi1>, vector<1x32xi32>
    %reduce_max3A_711 = arith.constant dense<-2147483648> : vector<1xi32>
    %reduce_max3A_712 = vector.multi_reduction <maxsi>, %select_n3A_710, %reduce_max3A_711 [1] : vector<1x32xi32> to vector<1xi32>
    %broadcast_in_dim3A_713 = vector.shape_cast %reduce_max3A_712 : vector<1xi32> to vector<1x1xi32>
    %eq3A_714 = vector.broadcast %broadcast_in_dim3A_713 : vector<1x1xi32> to vector<1x32xi32>
    %eq3A_715 = arith.cmpi eq, %slice3A_707, %eq3A_714 : vector<1x32xi32>
    %and3A_716 = arith.andi %and3A_706, %eq3A_715 : vector<1x32xi1>
    %ge3A_717 = arith.constant 0 : i32
    %ge3A_718 = vector.broadcast %ge3A_717 : i32 to vector<1x1xi32>
    %ge3A_719 = arith.cmpi sge, %broadcast_in_dim3A_703, %ge3A_718 : vector<1x1xi32>
    %broadcast_in_dim3A_720 = vector.shape_cast %broadcast_in_dim3A_703 : vector<1x1xi32> to vector<1x1xi32>
    %broadcast_in_dim3A_721 = vector.broadcast %broadcast_in_dim3A_720 : vector<1x1xi32> to vector<1x32xi32>
    %select_n3A_722 = arith.select %eq3A_696, %broadcast_in_dim3A_721, %select_n3A_685 : vector<1x32xi1>, vector<1x32xi32>
    %broadcast_in_dim3A_723 = vector.shape_cast %broadcast_in_dim3A_713 : vector<1x1xi32> to vector<1x1xi32>
    %broadcast_in_dim3A_724 = vector.broadcast %broadcast_in_dim3A_723 : vector<1x1xi32> to vector<1x32xi32>
    %select_n3A_725 = arith.select %eq3A_696, %broadcast_in_dim3A_724, %select_n3A_688 : vector<1x32xi1>, vector<1x32xi32>
    %and3A_726 = vector.broadcast %ge3A_719 : vector<1x1xi1> to vector<1x32xi1>
    %and3A_727 = arith.andi %and3A_726, %and3A_716 : vector<1x32xi1>
    %not3A_728 = arith.constant dense<true> : vector<1x32xi1>
    %not3A_729 = arith.xori %and3A_727, %not3A_728 : vector<1x32xi1>
    %and3A_730 = arith.andi %and3A_693, %not3A_729 : vector<1x32xi1>
    %eq3A_731 = arith.constant 17 : i32
    %eq3A_732 = vector.broadcast %eq3A_731 : i32 to vector<1x32xi32>
    %eq3A_733 = arith.cmpi eq, %iota3A, %eq3A_732 : vector<1x32xi32>
    %slice3A_734 = vector.extract_strided_slice %select_n3A_85 {offsets = [18, 0], sizes = [1, 32], strides = [1, 1]} : vector<32x32xi32> to vector<1x32xi32>
    %jit3A_735 = arith.constant -1 : i32
    %broadcast_in_dim3A_736 = vector.broadcast %jit3A_735 : i32 to vector<1x32xi32>
    %select_n3A_737 = arith.select %and3A_730, %slice3A_734, %broadcast_in_dim3A_736 : vector<1x32xi1>, vector<1x32xi32>
    %reduce_max3A_738 = arith.constant dense<-2147483648> : vector<1xi32>
    %reduce_max3A_739 = vector.multi_reduction <maxsi>, %select_n3A_737, %reduce_max3A_738 [1] : vector<1x32xi32> to vector<1xi32>
    %broadcast_in_dim3A_740 = vector.shape_cast %reduce_max3A_739 : vector<1xi32> to vector<1x1xi32>
    %eq3A_741 = vector.broadcast %broadcast_in_dim3A_740 : vector<1x1xi32> to vector<1x32xi32>
    %eq3A_742 = arith.cmpi eq, %select_n3A_737, %eq3A_741 : vector<1x32xi32>
    %and3A_743 = arith.andi %and3A_730, %eq3A_742 : vector<1x32xi1>
    %slice3A_744 = vector.extract_strided_slice %select_n3A_96 {offsets = [18, 0], sizes = [1, 32], strides = [1, 1]} : vector<32x32xi32> to vector<1x32xi32>
    %jit3A_745 = arith.constant -1 : i32
    %broadcast_in_dim3A_746 = vector.broadcast %jit3A_745 : i32 to vector<1x32xi32>
    %select_n3A_747 = arith.select %and3A_743, %slice3A_744, %broadcast_in_dim3A_746 : vector<1x32xi1>, vector<1x32xi32>
    %reduce_max3A_748 = arith.constant dense<-2147483648> : vector<1xi32>
    %reduce_max3A_749 = vector.multi_reduction <maxsi>, %select_n3A_747, %reduce_max3A_748 [1] : vector<1x32xi32> to vector<1xi32>
    %broadcast_in_dim3A_750 = vector.shape_cast %reduce_max3A_749 : vector<1xi32> to vector<1x1xi32>
    %eq3A_751 = vector.broadcast %broadcast_in_dim3A_750 : vector<1x1xi32> to vector<1x32xi32>
    %eq3A_752 = arith.cmpi eq, %slice3A_744, %eq3A_751 : vector<1x32xi32>
    %and3A_753 = arith.andi %and3A_743, %eq3A_752 : vector<1x32xi1>
    %ge3A_754 = arith.constant 0 : i32
    %ge3A_755 = vector.broadcast %ge3A_754 : i32 to vector<1x1xi32>
    %ge3A_756 = arith.cmpi sge, %broadcast_in_dim3A_740, %ge3A_755 : vector<1x1xi32>
    %broadcast_in_dim3A_757 = vector.shape_cast %broadcast_in_dim3A_740 : vector<1x1xi32> to vector<1x1xi32>
    %broadcast_in_dim3A_758 = vector.broadcast %broadcast_in_dim3A_757 : vector<1x1xi32> to vector<1x32xi32>
    %select_n3A_759 = arith.select %eq3A_733, %broadcast_in_dim3A_758, %select_n3A_722 : vector<1x32xi1>, vector<1x32xi32>
    %broadcast_in_dim3A_760 = vector.shape_cast %broadcast_in_dim3A_750 : vector<1x1xi32> to vector<1x1xi32>
    %broadcast_in_dim3A_761 = vector.broadcast %broadcast_in_dim3A_760 : vector<1x1xi32> to vector<1x32xi32>
    %select_n3A_762 = arith.select %eq3A_733, %broadcast_in_dim3A_761, %select_n3A_725 : vector<1x32xi1>, vector<1x32xi32>
    %and3A_763 = vector.broadcast %ge3A_756 : vector<1x1xi1> to vector<1x32xi1>
    %and3A_764 = arith.andi %and3A_763, %and3A_753 : vector<1x32xi1>
    %not3A_765 = arith.constant dense<true> : vector<1x32xi1>
    %not3A_766 = arith.xori %and3A_764, %not3A_765 : vector<1x32xi1>
    %and3A_767 = arith.andi %and3A_730, %not3A_766 : vector<1x32xi1>
    %eq3A_768 = arith.constant 18 : i32
    %eq3A_769 = vector.broadcast %eq3A_768 : i32 to vector<1x32xi32>
    %eq3A_770 = arith.cmpi eq, %iota3A, %eq3A_769 : vector<1x32xi32>
    %slice3A_771 = vector.extract_strided_slice %select_n3A_85 {offsets = [19, 0], sizes = [1, 32], strides = [1, 1]} : vector<32x32xi32> to vector<1x32xi32>
    %jit3A_772 = arith.constant -1 : i32
    %broadcast_in_dim3A_773 = vector.broadcast %jit3A_772 : i32 to vector<1x32xi32>
    %select_n3A_774 = arith.select %and3A_767, %slice3A_771, %broadcast_in_dim3A_773 : vector<1x32xi1>, vector<1x32xi32>
    %reduce_max3A_775 = arith.constant dense<-2147483648> : vector<1xi32>
    %reduce_max3A_776 = vector.multi_reduction <maxsi>, %select_n3A_774, %reduce_max3A_775 [1] : vector<1x32xi32> to vector<1xi32>
    %broadcast_in_dim3A_777 = vector.shape_cast %reduce_max3A_776 : vector<1xi32> to vector<1x1xi32>
    %eq3A_778 = vector.broadcast %broadcast_in_dim3A_777 : vector<1x1xi32> to vector<1x32xi32>
    %eq3A_779 = arith.cmpi eq, %select_n3A_774, %eq3A_778 : vector<1x32xi32>
    %and3A_780 = arith.andi %and3A_767, %eq3A_779 : vector<1x32xi1>
    %slice3A_781 = vector.extract_strided_slice %select_n3A_96 {offsets = [19, 0], sizes = [1, 32], strides = [1, 1]} : vector<32x32xi32> to vector<1x32xi32>
    %jit3A_782 = arith.constant -1 : i32
    %broadcast_in_dim3A_783 = vector.broadcast %jit3A_782 : i32 to vector<1x32xi32>
    %select_n3A_784 = arith.select %and3A_780, %slice3A_781, %broadcast_in_dim3A_783 : vector<1x32xi1>, vector<1x32xi32>
    %reduce_max3A_785 = arith.constant dense<-2147483648> : vector<1xi32>
    %reduce_max3A_786 = vector.multi_reduction <maxsi>, %select_n3A_784, %reduce_max3A_785 [1] : vector<1x32xi32> to vector<1xi32>
    %broadcast_in_dim3A_787 = vector.shape_cast %reduce_max3A_786 : vector<1xi32> to vector<1x1xi32>
    %eq3A_788 = vector.broadcast %broadcast_in_dim3A_787 : vector<1x1xi32> to vector<1x32xi32>
    %eq3A_789 = arith.cmpi eq, %slice3A_781, %eq3A_788 : vector<1x32xi32>
    %and3A_790 = arith.andi %and3A_780, %eq3A_789 : vector<1x32xi1>
    %ge3A_791 = arith.constant 0 : i32
    %ge3A_792 = vector.broadcast %ge3A_791 : i32 to vector<1x1xi32>
    %ge3A_793 = arith.cmpi sge, %broadcast_in_dim3A_777, %ge3A_792 : vector<1x1xi32>
    %broadcast_in_dim3A_794 = vector.shape_cast %broadcast_in_dim3A_777 : vector<1x1xi32> to vector<1x1xi32>
    %broadcast_in_dim3A_795 = vector.broadcast %broadcast_in_dim3A_794 : vector<1x1xi32> to vector<1x32xi32>
    %select_n3A_796 = arith.select %eq3A_770, %broadcast_in_dim3A_795, %select_n3A_759 : vector<1x32xi1>, vector<1x32xi32>
    %broadcast_in_dim3A_797 = vector.shape_cast %broadcast_in_dim3A_787 : vector<1x1xi32> to vector<1x1xi32>
    %broadcast_in_dim3A_798 = vector.broadcast %broadcast_in_dim3A_797 : vector<1x1xi32> to vector<1x32xi32>
    %select_n3A_799 = arith.select %eq3A_770, %broadcast_in_dim3A_798, %select_n3A_762 : vector<1x32xi1>, vector<1x32xi32>
    %and3A_800 = vector.broadcast %ge3A_793 : vector<1x1xi1> to vector<1x32xi1>
    %and3A_801 = arith.andi %and3A_800, %and3A_790 : vector<1x32xi1>
    %not3A_802 = arith.constant dense<true> : vector<1x32xi1>
    %not3A_803 = arith.xori %and3A_801, %not3A_802 : vector<1x32xi1>
    %and3A_804 = arith.andi %and3A_767, %not3A_803 : vector<1x32xi1>
    %eq3A_805 = arith.constant 19 : i32
    %eq3A_806 = vector.broadcast %eq3A_805 : i32 to vector<1x32xi32>
    %eq3A_807 = arith.cmpi eq, %iota3A, %eq3A_806 : vector<1x32xi32>
    %slice3A_808 = vector.extract_strided_slice %select_n3A_85 {offsets = [20, 0], sizes = [1, 32], strides = [1, 1]} : vector<32x32xi32> to vector<1x32xi32>
    %jit3A_809 = arith.constant -1 : i32
    %broadcast_in_dim3A_810 = vector.broadcast %jit3A_809 : i32 to vector<1x32xi32>
    %select_n3A_811 = arith.select %and3A_804, %slice3A_808, %broadcast_in_dim3A_810 : vector<1x32xi1>, vector<1x32xi32>
    %reduce_max3A_812 = arith.constant dense<-2147483648> : vector<1xi32>
    %reduce_max3A_813 = vector.multi_reduction <maxsi>, %select_n3A_811, %reduce_max3A_812 [1] : vector<1x32xi32> to vector<1xi32>
    %broadcast_in_dim3A_814 = vector.shape_cast %reduce_max3A_813 : vector<1xi32> to vector<1x1xi32>
    %eq3A_815 = vector.broadcast %broadcast_in_dim3A_814 : vector<1x1xi32> to vector<1x32xi32>
    %eq3A_816 = arith.cmpi eq, %select_n3A_811, %eq3A_815 : vector<1x32xi32>
    %and3A_817 = arith.andi %and3A_804, %eq3A_816 : vector<1x32xi1>
    %slice3A_818 = vector.extract_strided_slice %select_n3A_96 {offsets = [20, 0], sizes = [1, 32], strides = [1, 1]} : vector<32x32xi32> to vector<1x32xi32>
    %jit3A_819 = arith.constant -1 : i32
    %broadcast_in_dim3A_820 = vector.broadcast %jit3A_819 : i32 to vector<1x32xi32>
    %select_n3A_821 = arith.select %and3A_817, %slice3A_818, %broadcast_in_dim3A_820 : vector<1x32xi1>, vector<1x32xi32>
    %reduce_max3A_822 = arith.constant dense<-2147483648> : vector<1xi32>
    %reduce_max3A_823 = vector.multi_reduction <maxsi>, %select_n3A_821, %reduce_max3A_822 [1] : vector<1x32xi32> to vector<1xi32>
    %broadcast_in_dim3A_824 = vector.shape_cast %reduce_max3A_823 : vector<1xi32> to vector<1x1xi32>
    %eq3A_825 = vector.broadcast %broadcast_in_dim3A_824 : vector<1x1xi32> to vector<1x32xi32>
    %eq3A_826 = arith.cmpi eq, %slice3A_818, %eq3A_825 : vector<1x32xi32>
    %and3A_827 = arith.andi %and3A_817, %eq3A_826 : vector<1x32xi1>
    %ge3A_828 = arith.constant 0 : i32
    %ge3A_829 = vector.broadcast %ge3A_828 : i32 to vector<1x1xi32>
    %ge3A_830 = arith.cmpi sge, %broadcast_in_dim3A_814, %ge3A_829 : vector<1x1xi32>
    %broadcast_in_dim3A_831 = vector.shape_cast %broadcast_in_dim3A_814 : vector<1x1xi32> to vector<1x1xi32>
    %broadcast_in_dim3A_832 = vector.broadcast %broadcast_in_dim3A_831 : vector<1x1xi32> to vector<1x32xi32>
    %select_n3A_833 = arith.select %eq3A_807, %broadcast_in_dim3A_832, %select_n3A_796 : vector<1x32xi1>, vector<1x32xi32>
    %broadcast_in_dim3A_834 = vector.shape_cast %broadcast_in_dim3A_824 : vector<1x1xi32> to vector<1x1xi32>
    %broadcast_in_dim3A_835 = vector.broadcast %broadcast_in_dim3A_834 : vector<1x1xi32> to vector<1x32xi32>
    %select_n3A_836 = arith.select %eq3A_807, %broadcast_in_dim3A_835, %select_n3A_799 : vector<1x32xi1>, vector<1x32xi32>
    %and3A_837 = vector.broadcast %ge3A_830 : vector<1x1xi1> to vector<1x32xi1>
    %and3A_838 = arith.andi %and3A_837, %and3A_827 : vector<1x32xi1>
    %not3A_839 = arith.constant dense<true> : vector<1x32xi1>
    %not3A_840 = arith.xori %and3A_838, %not3A_839 : vector<1x32xi1>
    %and3A_841 = arith.andi %and3A_804, %not3A_840 : vector<1x32xi1>
    %eq3A_842 = arith.constant 20 : i32
    %eq3A_843 = vector.broadcast %eq3A_842 : i32 to vector<1x32xi32>
    %eq3A_844 = arith.cmpi eq, %iota3A, %eq3A_843 : vector<1x32xi32>
    %slice3A_845 = vector.extract_strided_slice %select_n3A_85 {offsets = [21, 0], sizes = [1, 32], strides = [1, 1]} : vector<32x32xi32> to vector<1x32xi32>
    %jit3A_846 = arith.constant -1 : i32
    %broadcast_in_dim3A_847 = vector.broadcast %jit3A_846 : i32 to vector<1x32xi32>
    %select_n3A_848 = arith.select %and3A_841, %slice3A_845, %broadcast_in_dim3A_847 : vector<1x32xi1>, vector<1x32xi32>
    %reduce_max3A_849 = arith.constant dense<-2147483648> : vector<1xi32>
    %reduce_max3A_850 = vector.multi_reduction <maxsi>, %select_n3A_848, %reduce_max3A_849 [1] : vector<1x32xi32> to vector<1xi32>
    %broadcast_in_dim3A_851 = vector.shape_cast %reduce_max3A_850 : vector<1xi32> to vector<1x1xi32>
    %eq3A_852 = vector.broadcast %broadcast_in_dim3A_851 : vector<1x1xi32> to vector<1x32xi32>
    %eq3A_853 = arith.cmpi eq, %select_n3A_848, %eq3A_852 : vector<1x32xi32>
    %and3A_854 = arith.andi %and3A_841, %eq3A_853 : vector<1x32xi1>
    %slice3A_855 = vector.extract_strided_slice %select_n3A_96 {offsets = [21, 0], sizes = [1, 32], strides = [1, 1]} : vector<32x32xi32> to vector<1x32xi32>
    %jit3A_856 = arith.constant -1 : i32
    %broadcast_in_dim3A_857 = vector.broadcast %jit3A_856 : i32 to vector<1x32xi32>
    %select_n3A_858 = arith.select %and3A_854, %slice3A_855, %broadcast_in_dim3A_857 : vector<1x32xi1>, vector<1x32xi32>
    %reduce_max3A_859 = arith.constant dense<-2147483648> : vector<1xi32>
    %reduce_max3A_860 = vector.multi_reduction <maxsi>, %select_n3A_858, %reduce_max3A_859 [1] : vector<1x32xi32> to vector<1xi32>
    %broadcast_in_dim3A_861 = vector.shape_cast %reduce_max3A_860 : vector<1xi32> to vector<1x1xi32>
    %eq3A_862 = vector.broadcast %broadcast_in_dim3A_861 : vector<1x1xi32> to vector<1x32xi32>
    %eq3A_863 = arith.cmpi eq, %slice3A_855, %eq3A_862 : vector<1x32xi32>
    %and3A_864 = arith.andi %and3A_854, %eq3A_863 : vector<1x32xi1>
    %ge3A_865 = arith.constant 0 : i32
    %ge3A_866 = vector.broadcast %ge3A_865 : i32 to vector<1x1xi32>
    %ge3A_867 = arith.cmpi sge, %broadcast_in_dim3A_851, %ge3A_866 : vector<1x1xi32>
    %broadcast_in_dim3A_868 = vector.shape_cast %broadcast_in_dim3A_851 : vector<1x1xi32> to vector<1x1xi32>
    %broadcast_in_dim3A_869 = vector.broadcast %broadcast_in_dim3A_868 : vector<1x1xi32> to vector<1x32xi32>
    %select_n3A_870 = arith.select %eq3A_844, %broadcast_in_dim3A_869, %select_n3A_833 : vector<1x32xi1>, vector<1x32xi32>
    %broadcast_in_dim3A_871 = vector.shape_cast %broadcast_in_dim3A_861 : vector<1x1xi32> to vector<1x1xi32>
    %broadcast_in_dim3A_872 = vector.broadcast %broadcast_in_dim3A_871 : vector<1x1xi32> to vector<1x32xi32>
    %select_n3A_873 = arith.select %eq3A_844, %broadcast_in_dim3A_872, %select_n3A_836 : vector<1x32xi1>, vector<1x32xi32>
    %and3A_874 = vector.broadcast %ge3A_867 : vector<1x1xi1> to vector<1x32xi1>
    %and3A_875 = arith.andi %and3A_874, %and3A_864 : vector<1x32xi1>
    %not3A_876 = arith.constant dense<true> : vector<1x32xi1>
    %not3A_877 = arith.xori %and3A_875, %not3A_876 : vector<1x32xi1>
    %and3A_878 = arith.andi %and3A_841, %not3A_877 : vector<1x32xi1>
    %eq3A_879 = arith.constant 21 : i32
    %eq3A_880 = vector.broadcast %eq3A_879 : i32 to vector<1x32xi32>
    %eq3A_881 = arith.cmpi eq, %iota3A, %eq3A_880 : vector<1x32xi32>
    %slice3A_882 = vector.extract_strided_slice %select_n3A_85 {offsets = [22, 0], sizes = [1, 32], strides = [1, 1]} : vector<32x32xi32> to vector<1x32xi32>
    %jit3A_883 = arith.constant -1 : i32
    %broadcast_in_dim3A_884 = vector.broadcast %jit3A_883 : i32 to vector<1x32xi32>
    %select_n3A_885 = arith.select %and3A_878, %slice3A_882, %broadcast_in_dim3A_884 : vector<1x32xi1>, vector<1x32xi32>
    %reduce_max3A_886 = arith.constant dense<-2147483648> : vector<1xi32>
    %reduce_max3A_887 = vector.multi_reduction <maxsi>, %select_n3A_885, %reduce_max3A_886 [1] : vector<1x32xi32> to vector<1xi32>
    %broadcast_in_dim3A_888 = vector.shape_cast %reduce_max3A_887 : vector<1xi32> to vector<1x1xi32>
    %eq3A_889 = vector.broadcast %broadcast_in_dim3A_888 : vector<1x1xi32> to vector<1x32xi32>
    %eq3A_890 = arith.cmpi eq, %select_n3A_885, %eq3A_889 : vector<1x32xi32>
    %and3A_891 = arith.andi %and3A_878, %eq3A_890 : vector<1x32xi1>
    %slice3A_892 = vector.extract_strided_slice %select_n3A_96 {offsets = [22, 0], sizes = [1, 32], strides = [1, 1]} : vector<32x32xi32> to vector<1x32xi32>
    %jit3A_893 = arith.constant -1 : i32
    %broadcast_in_dim3A_894 = vector.broadcast %jit3A_893 : i32 to vector<1x32xi32>
    %select_n3A_895 = arith.select %and3A_891, %slice3A_892, %broadcast_in_dim3A_894 : vector<1x32xi1>, vector<1x32xi32>
    %reduce_max3A_896 = arith.constant dense<-2147483648> : vector<1xi32>
    %reduce_max3A_897 = vector.multi_reduction <maxsi>, %select_n3A_895, %reduce_max3A_896 [1] : vector<1x32xi32> to vector<1xi32>
    %broadcast_in_dim3A_898 = vector.shape_cast %reduce_max3A_897 : vector<1xi32> to vector<1x1xi32>
    %eq3A_899 = vector.broadcast %broadcast_in_dim3A_898 : vector<1x1xi32> to vector<1x32xi32>
    %eq3A_900 = arith.cmpi eq, %slice3A_892, %eq3A_899 : vector<1x32xi32>
    %and3A_901 = arith.andi %and3A_891, %eq3A_900 : vector<1x32xi1>
    %ge3A_902 = arith.constant 0 : i32
    %ge3A_903 = vector.broadcast %ge3A_902 : i32 to vector<1x1xi32>
    %ge3A_904 = arith.cmpi sge, %broadcast_in_dim3A_888, %ge3A_903 : vector<1x1xi32>
    %broadcast_in_dim3A_905 = vector.shape_cast %broadcast_in_dim3A_888 : vector<1x1xi32> to vector<1x1xi32>
    %broadcast_in_dim3A_906 = vector.broadcast %broadcast_in_dim3A_905 : vector<1x1xi32> to vector<1x32xi32>
    %select_n3A_907 = arith.select %eq3A_881, %broadcast_in_dim3A_906, %select_n3A_870 : vector<1x32xi1>, vector<1x32xi32>
    %broadcast_in_dim3A_908 = vector.shape_cast %broadcast_in_dim3A_898 : vector<1x1xi32> to vector<1x1xi32>
    %broadcast_in_dim3A_909 = vector.broadcast %broadcast_in_dim3A_908 : vector<1x1xi32> to vector<1x32xi32>
    %select_n3A_910 = arith.select %eq3A_881, %broadcast_in_dim3A_909, %select_n3A_873 : vector<1x32xi1>, vector<1x32xi32>
    %and3A_911 = vector.broadcast %ge3A_904 : vector<1x1xi1> to vector<1x32xi1>
    %and3A_912 = arith.andi %and3A_911, %and3A_901 : vector<1x32xi1>
    %not3A_913 = arith.constant dense<true> : vector<1x32xi1>
    %not3A_914 = arith.xori %and3A_912, %not3A_913 : vector<1x32xi1>
    %and3A_915 = arith.andi %and3A_878, %not3A_914 : vector<1x32xi1>
    %eq3A_916 = arith.constant 22 : i32
    %eq3A_917 = vector.broadcast %eq3A_916 : i32 to vector<1x32xi32>
    %eq3A_918 = arith.cmpi eq, %iota3A, %eq3A_917 : vector<1x32xi32>
    %slice3A_919 = vector.extract_strided_slice %select_n3A_85 {offsets = [23, 0], sizes = [1, 32], strides = [1, 1]} : vector<32x32xi32> to vector<1x32xi32>
    %jit3A_920 = arith.constant -1 : i32
    %broadcast_in_dim3A_921 = vector.broadcast %jit3A_920 : i32 to vector<1x32xi32>
    %select_n3A_922 = arith.select %and3A_915, %slice3A_919, %broadcast_in_dim3A_921 : vector<1x32xi1>, vector<1x32xi32>
    %reduce_max3A_923 = arith.constant dense<-2147483648> : vector<1xi32>
    %reduce_max3A_924 = vector.multi_reduction <maxsi>, %select_n3A_922, %reduce_max3A_923 [1] : vector<1x32xi32> to vector<1xi32>
    %broadcast_in_dim3A_925 = vector.shape_cast %reduce_max3A_924 : vector<1xi32> to vector<1x1xi32>
    %eq3A_926 = vector.broadcast %broadcast_in_dim3A_925 : vector<1x1xi32> to vector<1x32xi32>
    %eq3A_927 = arith.cmpi eq, %select_n3A_922, %eq3A_926 : vector<1x32xi32>
    %and3A_928 = arith.andi %and3A_915, %eq3A_927 : vector<1x32xi1>
    %slice3A_929 = vector.extract_strided_slice %select_n3A_96 {offsets = [23, 0], sizes = [1, 32], strides = [1, 1]} : vector<32x32xi32> to vector<1x32xi32>
    %jit3A_930 = arith.constant -1 : i32
    %broadcast_in_dim3A_931 = vector.broadcast %jit3A_930 : i32 to vector<1x32xi32>
    %select_n3A_932 = arith.select %and3A_928, %slice3A_929, %broadcast_in_dim3A_931 : vector<1x32xi1>, vector<1x32xi32>
    %reduce_max3A_933 = arith.constant dense<-2147483648> : vector<1xi32>
    %reduce_max3A_934 = vector.multi_reduction <maxsi>, %select_n3A_932, %reduce_max3A_933 [1] : vector<1x32xi32> to vector<1xi32>
    %broadcast_in_dim3A_935 = vector.shape_cast %reduce_max3A_934 : vector<1xi32> to vector<1x1xi32>
    %eq3A_936 = vector.broadcast %broadcast_in_dim3A_935 : vector<1x1xi32> to vector<1x32xi32>
    %eq3A_937 = arith.cmpi eq, %slice3A_929, %eq3A_936 : vector<1x32xi32>
    %and3A_938 = arith.andi %and3A_928, %eq3A_937 : vector<1x32xi1>
    %ge3A_939 = arith.constant 0 : i32
    %ge3A_940 = vector.broadcast %ge3A_939 : i32 to vector<1x1xi32>
    %ge3A_941 = arith.cmpi sge, %broadcast_in_dim3A_925, %ge3A_940 : vector<1x1xi32>
    %broadcast_in_dim3A_942 = vector.shape_cast %broadcast_in_dim3A_925 : vector<1x1xi32> to vector<1x1xi32>
    %broadcast_in_dim3A_943 = vector.broadcast %broadcast_in_dim3A_942 : vector<1x1xi32> to vector<1x32xi32>
    %select_n3A_944 = arith.select %eq3A_918, %broadcast_in_dim3A_943, %select_n3A_907 : vector<1x32xi1>, vector<1x32xi32>
    %broadcast_in_dim3A_945 = vector.shape_cast %broadcast_in_dim3A_935 : vector<1x1xi32> to vector<1x1xi32>
    %broadcast_in_dim3A_946 = vector.broadcast %broadcast_in_dim3A_945 : vector<1x1xi32> to vector<1x32xi32>
    %select_n3A_947 = arith.select %eq3A_918, %broadcast_in_dim3A_946, %select_n3A_910 : vector<1x32xi1>, vector<1x32xi32>
    %and3A_948 = vector.broadcast %ge3A_941 : vector<1x1xi1> to vector<1x32xi1>
    %and3A_949 = arith.andi %and3A_948, %and3A_938 : vector<1x32xi1>
    %not3A_950 = arith.constant dense<true> : vector<1x32xi1>
    %not3A_951 = arith.xori %and3A_949, %not3A_950 : vector<1x32xi1>
    %and3A_952 = arith.andi %and3A_915, %not3A_951 : vector<1x32xi1>
    %eq3A_953 = arith.constant 23 : i32
    %eq3A_954 = vector.broadcast %eq3A_953 : i32 to vector<1x32xi32>
    %eq3A_955 = arith.cmpi eq, %iota3A, %eq3A_954 : vector<1x32xi32>
    %slice3A_956 = vector.extract_strided_slice %select_n3A_85 {offsets = [24, 0], sizes = [1, 32], strides = [1, 1]} : vector<32x32xi32> to vector<1x32xi32>
    %jit3A_957 = arith.constant -1 : i32
    %broadcast_in_dim3A_958 = vector.broadcast %jit3A_957 : i32 to vector<1x32xi32>
    %select_n3A_959 = arith.select %and3A_952, %slice3A_956, %broadcast_in_dim3A_958 : vector<1x32xi1>, vector<1x32xi32>
    %reduce_max3A_960 = arith.constant dense<-2147483648> : vector<1xi32>
    %reduce_max3A_961 = vector.multi_reduction <maxsi>, %select_n3A_959, %reduce_max3A_960 [1] : vector<1x32xi32> to vector<1xi32>
    %broadcast_in_dim3A_962 = vector.shape_cast %reduce_max3A_961 : vector<1xi32> to vector<1x1xi32>
    %eq3A_963 = vector.broadcast %broadcast_in_dim3A_962 : vector<1x1xi32> to vector<1x32xi32>
    %eq3A_964 = arith.cmpi eq, %select_n3A_959, %eq3A_963 : vector<1x32xi32>
    %and3A_965 = arith.andi %and3A_952, %eq3A_964 : vector<1x32xi1>
    %slice3A_966 = vector.extract_strided_slice %select_n3A_96 {offsets = [24, 0], sizes = [1, 32], strides = [1, 1]} : vector<32x32xi32> to vector<1x32xi32>
    %jit3A_967 = arith.constant -1 : i32
    %broadcast_in_dim3A_968 = vector.broadcast %jit3A_967 : i32 to vector<1x32xi32>
    %select_n3A_969 = arith.select %and3A_965, %slice3A_966, %broadcast_in_dim3A_968 : vector<1x32xi1>, vector<1x32xi32>
    %reduce_max3A_970 = arith.constant dense<-2147483648> : vector<1xi32>
    %reduce_max3A_971 = vector.multi_reduction <maxsi>, %select_n3A_969, %reduce_max3A_970 [1] : vector<1x32xi32> to vector<1xi32>
    %broadcast_in_dim3A_972 = vector.shape_cast %reduce_max3A_971 : vector<1xi32> to vector<1x1xi32>
    %eq3A_973 = vector.broadcast %broadcast_in_dim3A_972 : vector<1x1xi32> to vector<1x32xi32>
    %eq3A_974 = arith.cmpi eq, %slice3A_966, %eq3A_973 : vector<1x32xi32>
    %and3A_975 = arith.andi %and3A_965, %eq3A_974 : vector<1x32xi1>
    %ge3A_976 = arith.constant 0 : i32
    %ge3A_977 = vector.broadcast %ge3A_976 : i32 to vector<1x1xi32>
    %ge3A_978 = arith.cmpi sge, %broadcast_in_dim3A_962, %ge3A_977 : vector<1x1xi32>
    %broadcast_in_dim3A_979 = vector.shape_cast %broadcast_in_dim3A_962 : vector<1x1xi32> to vector<1x1xi32>
    %broadcast_in_dim3A_980 = vector.broadcast %broadcast_in_dim3A_979 : vector<1x1xi32> to vector<1x32xi32>
    %select_n3A_981 = arith.select %eq3A_955, %broadcast_in_dim3A_980, %select_n3A_944 : vector<1x32xi1>, vector<1x32xi32>
    %broadcast_in_dim3A_982 = vector.shape_cast %broadcast_in_dim3A_972 : vector<1x1xi32> to vector<1x1xi32>
    %broadcast_in_dim3A_983 = vector.broadcast %broadcast_in_dim3A_982 : vector<1x1xi32> to vector<1x32xi32>
    %select_n3A_984 = arith.select %eq3A_955, %broadcast_in_dim3A_983, %select_n3A_947 : vector<1x32xi1>, vector<1x32xi32>
    %and3A_985 = vector.broadcast %ge3A_978 : vector<1x1xi1> to vector<1x32xi1>
    %and3A_986 = arith.andi %and3A_985, %and3A_975 : vector<1x32xi1>
    %not3A_987 = arith.constant dense<true> : vector<1x32xi1>
    %not3A_988 = arith.xori %and3A_986, %not3A_987 : vector<1x32xi1>
    %and3A_989 = arith.andi %and3A_952, %not3A_988 : vector<1x32xi1>
    %eq3A_990 = arith.constant 24 : i32
    %eq3A_991 = vector.broadcast %eq3A_990 : i32 to vector<1x32xi32>
    %eq3A_992 = arith.cmpi eq, %iota3A, %eq3A_991 : vector<1x32xi32>
    %slice3A_993 = vector.extract_strided_slice %select_n3A_85 {offsets = [25, 0], sizes = [1, 32], strides = [1, 1]} : vector<32x32xi32> to vector<1x32xi32>
    %jit3A_994 = arith.constant -1 : i32
    %broadcast_in_dim3A_995 = vector.broadcast %jit3A_994 : i32 to vector<1x32xi32>
    %select_n3A_996 = arith.select %and3A_989, %slice3A_993, %broadcast_in_dim3A_995 : vector<1x32xi1>, vector<1x32xi32>
    %reduce_max3A_997 = arith.constant dense<-2147483648> : vector<1xi32>
    %reduce_max3A_998 = vector.multi_reduction <maxsi>, %select_n3A_996, %reduce_max3A_997 [1] : vector<1x32xi32> to vector<1xi32>
    %broadcast_in_dim3A_999 = vector.shape_cast %reduce_max3A_998 : vector<1xi32> to vector<1x1xi32>
    %eq3A_1000 = vector.broadcast %broadcast_in_dim3A_999 : vector<1x1xi32> to vector<1x32xi32>
    %eq3A_1001 = arith.cmpi eq, %select_n3A_996, %eq3A_1000 : vector<1x32xi32>
    %and3A_1002 = arith.andi %and3A_989, %eq3A_1001 : vector<1x32xi1>
    %slice3A_1003 = vector.extract_strided_slice %select_n3A_96 {offsets = [25, 0], sizes = [1, 32], strides = [1, 1]} : vector<32x32xi32> to vector<1x32xi32>
    %jit3A_1004 = arith.constant -1 : i32
    %broadcast_in_dim3A_1005 = vector.broadcast %jit3A_1004 : i32 to vector<1x32xi32>
    %select_n3A_1006 = arith.select %and3A_1002, %slice3A_1003, %broadcast_in_dim3A_1005 : vector<1x32xi1>, vector<1x32xi32>
    %reduce_max3A_1007 = arith.constant dense<-2147483648> : vector<1xi32>
    %reduce_max3A_1008 = vector.multi_reduction <maxsi>, %select_n3A_1006, %reduce_max3A_1007 [1] : vector<1x32xi32> to vector<1xi32>
    %broadcast_in_dim3A_1009 = vector.shape_cast %reduce_max3A_1008 : vector<1xi32> to vector<1x1xi32>
    %eq3A_1010 = vector.broadcast %broadcast_in_dim3A_1009 : vector<1x1xi32> to vector<1x32xi32>
    %eq3A_1011 = arith.cmpi eq, %slice3A_1003, %eq3A_1010 : vector<1x32xi32>
    %and3A_1012 = arith.andi %and3A_1002, %eq3A_1011 : vector<1x32xi1>
    %ge3A_1013 = arith.constant 0 : i32
    %ge3A_1014 = vector.broadcast %ge3A_1013 : i32 to vector<1x1xi32>
    %ge3A_1015 = arith.cmpi sge, %broadcast_in_dim3A_999, %ge3A_1014 : vector<1x1xi32>
    %broadcast_in_dim3A_1016 = vector.shape_cast %broadcast_in_dim3A_999 : vector<1x1xi32> to vector<1x1xi32>
    %broadcast_in_dim3A_1017 = vector.broadcast %broadcast_in_dim3A_1016 : vector<1x1xi32> to vector<1x32xi32>
    %select_n3A_1018 = arith.select %eq3A_992, %broadcast_in_dim3A_1017, %select_n3A_981 : vector<1x32xi1>, vector<1x32xi32>
    %broadcast_in_dim3A_1019 = vector.shape_cast %broadcast_in_dim3A_1009 : vector<1x1xi32> to vector<1x1xi32>
    %broadcast_in_dim3A_1020 = vector.broadcast %broadcast_in_dim3A_1019 : vector<1x1xi32> to vector<1x32xi32>
    %select_n3A_1021 = arith.select %eq3A_992, %broadcast_in_dim3A_1020, %select_n3A_984 : vector<1x32xi1>, vector<1x32xi32>
    %and3A_1022 = vector.broadcast %ge3A_1015 : vector<1x1xi1> to vector<1x32xi1>
    %and3A_1023 = arith.andi %and3A_1022, %and3A_1012 : vector<1x32xi1>
    %not3A_1024 = arith.constant dense<true> : vector<1x32xi1>
    %not3A_1025 = arith.xori %and3A_1023, %not3A_1024 : vector<1x32xi1>
    %and3A_1026 = arith.andi %and3A_989, %not3A_1025 : vector<1x32xi1>
    %eq3A_1027 = arith.constant 25 : i32
    %eq3A_1028 = vector.broadcast %eq3A_1027 : i32 to vector<1x32xi32>
    %eq3A_1029 = arith.cmpi eq, %iota3A, %eq3A_1028 : vector<1x32xi32>
    %slice3A_1030 = vector.extract_strided_slice %select_n3A_85 {offsets = [26, 0], sizes = [1, 32], strides = [1, 1]} : vector<32x32xi32> to vector<1x32xi32>
    %jit3A_1031 = arith.constant -1 : i32
    %broadcast_in_dim3A_1032 = vector.broadcast %jit3A_1031 : i32 to vector<1x32xi32>
    %select_n3A_1033 = arith.select %and3A_1026, %slice3A_1030, %broadcast_in_dim3A_1032 : vector<1x32xi1>, vector<1x32xi32>
    %reduce_max3A_1034 = arith.constant dense<-2147483648> : vector<1xi32>
    %reduce_max3A_1035 = vector.multi_reduction <maxsi>, %select_n3A_1033, %reduce_max3A_1034 [1] : vector<1x32xi32> to vector<1xi32>
    %broadcast_in_dim3A_1036 = vector.shape_cast %reduce_max3A_1035 : vector<1xi32> to vector<1x1xi32>
    %eq3A_1037 = vector.broadcast %broadcast_in_dim3A_1036 : vector<1x1xi32> to vector<1x32xi32>
    %eq3A_1038 = arith.cmpi eq, %select_n3A_1033, %eq3A_1037 : vector<1x32xi32>
    %and3A_1039 = arith.andi %and3A_1026, %eq3A_1038 : vector<1x32xi1>
    %slice3A_1040 = vector.extract_strided_slice %select_n3A_96 {offsets = [26, 0], sizes = [1, 32], strides = [1, 1]} : vector<32x32xi32> to vector<1x32xi32>
    %jit3A_1041 = arith.constant -1 : i32
    %broadcast_in_dim3A_1042 = vector.broadcast %jit3A_1041 : i32 to vector<1x32xi32>
    %select_n3A_1043 = arith.select %and3A_1039, %slice3A_1040, %broadcast_in_dim3A_1042 : vector<1x32xi1>, vector<1x32xi32>
    %reduce_max3A_1044 = arith.constant dense<-2147483648> : vector<1xi32>
    %reduce_max3A_1045 = vector.multi_reduction <maxsi>, %select_n3A_1043, %reduce_max3A_1044 [1] : vector<1x32xi32> to vector<1xi32>
    %broadcast_in_dim3A_1046 = vector.shape_cast %reduce_max3A_1045 : vector<1xi32> to vector<1x1xi32>
    %eq3A_1047 = vector.broadcast %broadcast_in_dim3A_1046 : vector<1x1xi32> to vector<1x32xi32>
    %eq3A_1048 = arith.cmpi eq, %slice3A_1040, %eq3A_1047 : vector<1x32xi32>
    %and3A_1049 = arith.andi %and3A_1039, %eq3A_1048 : vector<1x32xi1>
    %ge3A_1050 = arith.constant 0 : i32
    %ge3A_1051 = vector.broadcast %ge3A_1050 : i32 to vector<1x1xi32>
    %ge3A_1052 = arith.cmpi sge, %broadcast_in_dim3A_1036, %ge3A_1051 : vector<1x1xi32>
    %broadcast_in_dim3A_1053 = vector.shape_cast %broadcast_in_dim3A_1036 : vector<1x1xi32> to vector<1x1xi32>
    %broadcast_in_dim3A_1054 = vector.broadcast %broadcast_in_dim3A_1053 : vector<1x1xi32> to vector<1x32xi32>
    %select_n3A_1055 = arith.select %eq3A_1029, %broadcast_in_dim3A_1054, %select_n3A_1018 : vector<1x32xi1>, vector<1x32xi32>
    %broadcast_in_dim3A_1056 = vector.shape_cast %broadcast_in_dim3A_1046 : vector<1x1xi32> to vector<1x1xi32>
    %broadcast_in_dim3A_1057 = vector.broadcast %broadcast_in_dim3A_1056 : vector<1x1xi32> to vector<1x32xi32>
    %select_n3A_1058 = arith.select %eq3A_1029, %broadcast_in_dim3A_1057, %select_n3A_1021 : vector<1x32xi1>, vector<1x32xi32>
    %and3A_1059 = vector.broadcast %ge3A_1052 : vector<1x1xi1> to vector<1x32xi1>
    %and3A_1060 = arith.andi %and3A_1059, %and3A_1049 : vector<1x32xi1>
    %not3A_1061 = arith.constant dense<true> : vector<1x32xi1>
    %not3A_1062 = arith.xori %and3A_1060, %not3A_1061 : vector<1x32xi1>
    %and3A_1063 = arith.andi %and3A_1026, %not3A_1062 : vector<1x32xi1>
    %eq3A_1064 = arith.constant 26 : i32
    %eq3A_1065 = vector.broadcast %eq3A_1064 : i32 to vector<1x32xi32>
    %eq3A_1066 = arith.cmpi eq, %iota3A, %eq3A_1065 : vector<1x32xi32>
    %slice3A_1067 = vector.extract_strided_slice %select_n3A_85 {offsets = [27, 0], sizes = [1, 32], strides = [1, 1]} : vector<32x32xi32> to vector<1x32xi32>
    %jit3A_1068 = arith.constant -1 : i32
    %broadcast_in_dim3A_1069 = vector.broadcast %jit3A_1068 : i32 to vector<1x32xi32>
    %select_n3A_1070 = arith.select %and3A_1063, %slice3A_1067, %broadcast_in_dim3A_1069 : vector<1x32xi1>, vector<1x32xi32>
    %reduce_max3A_1071 = arith.constant dense<-2147483648> : vector<1xi32>
    %reduce_max3A_1072 = vector.multi_reduction <maxsi>, %select_n3A_1070, %reduce_max3A_1071 [1] : vector<1x32xi32> to vector<1xi32>
    %broadcast_in_dim3A_1073 = vector.shape_cast %reduce_max3A_1072 : vector<1xi32> to vector<1x1xi32>
    %eq3A_1074 = vector.broadcast %broadcast_in_dim3A_1073 : vector<1x1xi32> to vector<1x32xi32>
    %eq3A_1075 = arith.cmpi eq, %select_n3A_1070, %eq3A_1074 : vector<1x32xi32>
    %and3A_1076 = arith.andi %and3A_1063, %eq3A_1075 : vector<1x32xi1>
    %slice3A_1077 = vector.extract_strided_slice %select_n3A_96 {offsets = [27, 0], sizes = [1, 32], strides = [1, 1]} : vector<32x32xi32> to vector<1x32xi32>
    %jit3A_1078 = arith.constant -1 : i32
    %broadcast_in_dim3A_1079 = vector.broadcast %jit3A_1078 : i32 to vector<1x32xi32>
    %select_n3A_1080 = arith.select %and3A_1076, %slice3A_1077, %broadcast_in_dim3A_1079 : vector<1x32xi1>, vector<1x32xi32>
    %reduce_max3A_1081 = arith.constant dense<-2147483648> : vector<1xi32>
    %reduce_max3A_1082 = vector.multi_reduction <maxsi>, %select_n3A_1080, %reduce_max3A_1081 [1] : vector<1x32xi32> to vector<1xi32>
    %broadcast_in_dim3A_1083 = vector.shape_cast %reduce_max3A_1082 : vector<1xi32> to vector<1x1xi32>
    %eq3A_1084 = vector.broadcast %broadcast_in_dim3A_1083 : vector<1x1xi32> to vector<1x32xi32>
    %eq3A_1085 = arith.cmpi eq, %slice3A_1077, %eq3A_1084 : vector<1x32xi32>
    %and3A_1086 = arith.andi %and3A_1076, %eq3A_1085 : vector<1x32xi1>
    %ge3A_1087 = arith.constant 0 : i32
    %ge3A_1088 = vector.broadcast %ge3A_1087 : i32 to vector<1x1xi32>
    %ge3A_1089 = arith.cmpi sge, %broadcast_in_dim3A_1073, %ge3A_1088 : vector<1x1xi32>
    %broadcast_in_dim3A_1090 = vector.shape_cast %broadcast_in_dim3A_1073 : vector<1x1xi32> to vector<1x1xi32>
    %broadcast_in_dim3A_1091 = vector.broadcast %broadcast_in_dim3A_1090 : vector<1x1xi32> to vector<1x32xi32>
    %select_n3A_1092 = arith.select %eq3A_1066, %broadcast_in_dim3A_1091, %select_n3A_1055 : vector<1x32xi1>, vector<1x32xi32>
    %broadcast_in_dim3A_1093 = vector.shape_cast %broadcast_in_dim3A_1083 : vector<1x1xi32> to vector<1x1xi32>
    %broadcast_in_dim3A_1094 = vector.broadcast %broadcast_in_dim3A_1093 : vector<1x1xi32> to vector<1x32xi32>
    %select_n3A_1095 = arith.select %eq3A_1066, %broadcast_in_dim3A_1094, %select_n3A_1058 : vector<1x32xi1>, vector<1x32xi32>
    %and3A_1096 = vector.broadcast %ge3A_1089 : vector<1x1xi1> to vector<1x32xi1>
    %and3A_1097 = arith.andi %and3A_1096, %and3A_1086 : vector<1x32xi1>
    %not3A_1098 = arith.constant dense<true> : vector<1x32xi1>
    %not3A_1099 = arith.xori %and3A_1097, %not3A_1098 : vector<1x32xi1>
    %and3A_1100 = arith.andi %and3A_1063, %not3A_1099 : vector<1x32xi1>
    %eq3A_1101 = arith.constant 27 : i32
    %eq3A_1102 = vector.broadcast %eq3A_1101 : i32 to vector<1x32xi32>
    %eq3A_1103 = arith.cmpi eq, %iota3A, %eq3A_1102 : vector<1x32xi32>
    %slice3A_1104 = vector.extract_strided_slice %select_n3A_85 {offsets = [28, 0], sizes = [1, 32], strides = [1, 1]} : vector<32x32xi32> to vector<1x32xi32>
    %jit3A_1105 = arith.constant -1 : i32
    %broadcast_in_dim3A_1106 = vector.broadcast %jit3A_1105 : i32 to vector<1x32xi32>
    %select_n3A_1107 = arith.select %and3A_1100, %slice3A_1104, %broadcast_in_dim3A_1106 : vector<1x32xi1>, vector<1x32xi32>
    %reduce_max3A_1108 = arith.constant dense<-2147483648> : vector<1xi32>
    %reduce_max3A_1109 = vector.multi_reduction <maxsi>, %select_n3A_1107, %reduce_max3A_1108 [1] : vector<1x32xi32> to vector<1xi32>
    %broadcast_in_dim3A_1110 = vector.shape_cast %reduce_max3A_1109 : vector<1xi32> to vector<1x1xi32>
    %eq3A_1111 = vector.broadcast %broadcast_in_dim3A_1110 : vector<1x1xi32> to vector<1x32xi32>
    %eq3A_1112 = arith.cmpi eq, %select_n3A_1107, %eq3A_1111 : vector<1x32xi32>
    %and3A_1113 = arith.andi %and3A_1100, %eq3A_1112 : vector<1x32xi1>
    %slice3A_1114 = vector.extract_strided_slice %select_n3A_96 {offsets = [28, 0], sizes = [1, 32], strides = [1, 1]} : vector<32x32xi32> to vector<1x32xi32>
    %jit3A_1115 = arith.constant -1 : i32
    %broadcast_in_dim3A_1116 = vector.broadcast %jit3A_1115 : i32 to vector<1x32xi32>
    %select_n3A_1117 = arith.select %and3A_1113, %slice3A_1114, %broadcast_in_dim3A_1116 : vector<1x32xi1>, vector<1x32xi32>
    %reduce_max3A_1118 = arith.constant dense<-2147483648> : vector<1xi32>
    %reduce_max3A_1119 = vector.multi_reduction <maxsi>, %select_n3A_1117, %reduce_max3A_1118 [1] : vector<1x32xi32> to vector<1xi32>
    %broadcast_in_dim3A_1120 = vector.shape_cast %reduce_max3A_1119 : vector<1xi32> to vector<1x1xi32>
    %eq3A_1121 = vector.broadcast %broadcast_in_dim3A_1120 : vector<1x1xi32> to vector<1x32xi32>
    %eq3A_1122 = arith.cmpi eq, %slice3A_1114, %eq3A_1121 : vector<1x32xi32>
    %and3A_1123 = arith.andi %and3A_1113, %eq3A_1122 : vector<1x32xi1>
    %ge3A_1124 = arith.constant 0 : i32
    %ge3A_1125 = vector.broadcast %ge3A_1124 : i32 to vector<1x1xi32>
    %ge3A_1126 = arith.cmpi sge, %broadcast_in_dim3A_1110, %ge3A_1125 : vector<1x1xi32>
    %broadcast_in_dim3A_1127 = vector.shape_cast %broadcast_in_dim3A_1110 : vector<1x1xi32> to vector<1x1xi32>
    %broadcast_in_dim3A_1128 = vector.broadcast %broadcast_in_dim3A_1127 : vector<1x1xi32> to vector<1x32xi32>
    %select_n3A_1129 = arith.select %eq3A_1103, %broadcast_in_dim3A_1128, %select_n3A_1092 : vector<1x32xi1>, vector<1x32xi32>
    %broadcast_in_dim3A_1130 = vector.shape_cast %broadcast_in_dim3A_1120 : vector<1x1xi32> to vector<1x1xi32>
    %broadcast_in_dim3A_1131 = vector.broadcast %broadcast_in_dim3A_1130 : vector<1x1xi32> to vector<1x32xi32>
    %select_n3A_1132 = arith.select %eq3A_1103, %broadcast_in_dim3A_1131, %select_n3A_1095 : vector<1x32xi1>, vector<1x32xi32>
    %and3A_1133 = vector.broadcast %ge3A_1126 : vector<1x1xi1> to vector<1x32xi1>
    %and3A_1134 = arith.andi %and3A_1133, %and3A_1123 : vector<1x32xi1>
    %not3A_1135 = arith.constant dense<true> : vector<1x32xi1>
    %not3A_1136 = arith.xori %and3A_1134, %not3A_1135 : vector<1x32xi1>
    %and3A_1137 = arith.andi %and3A_1100, %not3A_1136 : vector<1x32xi1>
    %eq3A_1138 = arith.constant 28 : i32
    %eq3A_1139 = vector.broadcast %eq3A_1138 : i32 to vector<1x32xi32>
    %eq3A_1140 = arith.cmpi eq, %iota3A, %eq3A_1139 : vector<1x32xi32>
    %slice3A_1141 = vector.extract_strided_slice %select_n3A_85 {offsets = [29, 0], sizes = [1, 32], strides = [1, 1]} : vector<32x32xi32> to vector<1x32xi32>
    %jit3A_1142 = arith.constant -1 : i32
    %broadcast_in_dim3A_1143 = vector.broadcast %jit3A_1142 : i32 to vector<1x32xi32>
    %select_n3A_1144 = arith.select %and3A_1137, %slice3A_1141, %broadcast_in_dim3A_1143 : vector<1x32xi1>, vector<1x32xi32>
    %reduce_max3A_1145 = arith.constant dense<-2147483648> : vector<1xi32>
    %reduce_max3A_1146 = vector.multi_reduction <maxsi>, %select_n3A_1144, %reduce_max3A_1145 [1] : vector<1x32xi32> to vector<1xi32>
    %broadcast_in_dim3A_1147 = vector.shape_cast %reduce_max3A_1146 : vector<1xi32> to vector<1x1xi32>
    %eq3A_1148 = vector.broadcast %broadcast_in_dim3A_1147 : vector<1x1xi32> to vector<1x32xi32>
    %eq3A_1149 = arith.cmpi eq, %select_n3A_1144, %eq3A_1148 : vector<1x32xi32>
    %and3A_1150 = arith.andi %and3A_1137, %eq3A_1149 : vector<1x32xi1>
    %slice3A_1151 = vector.extract_strided_slice %select_n3A_96 {offsets = [29, 0], sizes = [1, 32], strides = [1, 1]} : vector<32x32xi32> to vector<1x32xi32>
    %jit3A_1152 = arith.constant -1 : i32
    %broadcast_in_dim3A_1153 = vector.broadcast %jit3A_1152 : i32 to vector<1x32xi32>
    %select_n3A_1154 = arith.select %and3A_1150, %slice3A_1151, %broadcast_in_dim3A_1153 : vector<1x32xi1>, vector<1x32xi32>
    %reduce_max3A_1155 = arith.constant dense<-2147483648> : vector<1xi32>
    %reduce_max3A_1156 = vector.multi_reduction <maxsi>, %select_n3A_1154, %reduce_max3A_1155 [1] : vector<1x32xi32> to vector<1xi32>
    %broadcast_in_dim3A_1157 = vector.shape_cast %reduce_max3A_1156 : vector<1xi32> to vector<1x1xi32>
    %eq3A_1158 = vector.broadcast %broadcast_in_dim3A_1157 : vector<1x1xi32> to vector<1x32xi32>
    %eq3A_1159 = arith.cmpi eq, %slice3A_1151, %eq3A_1158 : vector<1x32xi32>
    %and3A_1160 = arith.andi %and3A_1150, %eq3A_1159 : vector<1x32xi1>
    %ge3A_1161 = arith.constant 0 : i32
    %ge3A_1162 = vector.broadcast %ge3A_1161 : i32 to vector<1x1xi32>
    %ge3A_1163 = arith.cmpi sge, %broadcast_in_dim3A_1147, %ge3A_1162 : vector<1x1xi32>
    %broadcast_in_dim3A_1164 = vector.shape_cast %broadcast_in_dim3A_1147 : vector<1x1xi32> to vector<1x1xi32>
    %broadcast_in_dim3A_1165 = vector.broadcast %broadcast_in_dim3A_1164 : vector<1x1xi32> to vector<1x32xi32>
    %select_n3A_1166 = arith.select %eq3A_1140, %broadcast_in_dim3A_1165, %select_n3A_1129 : vector<1x32xi1>, vector<1x32xi32>
    %broadcast_in_dim3A_1167 = vector.shape_cast %broadcast_in_dim3A_1157 : vector<1x1xi32> to vector<1x1xi32>
    %broadcast_in_dim3A_1168 = vector.broadcast %broadcast_in_dim3A_1167 : vector<1x1xi32> to vector<1x32xi32>
    %select_n3A_1169 = arith.select %eq3A_1140, %broadcast_in_dim3A_1168, %select_n3A_1132 : vector<1x32xi1>, vector<1x32xi32>
    %and3A_1170 = vector.broadcast %ge3A_1163 : vector<1x1xi1> to vector<1x32xi1>
    %and3A_1171 = arith.andi %and3A_1170, %and3A_1160 : vector<1x32xi1>
    %not3A_1172 = arith.constant dense<true> : vector<1x32xi1>
    %not3A_1173 = arith.xori %and3A_1171, %not3A_1172 : vector<1x32xi1>
    %and3A_1174 = arith.andi %and3A_1137, %not3A_1173 : vector<1x32xi1>
    %eq3A_1175 = arith.constant 29 : i32
    %eq3A_1176 = vector.broadcast %eq3A_1175 : i32 to vector<1x32xi32>
    %eq3A_1177 = arith.cmpi eq, %iota3A, %eq3A_1176 : vector<1x32xi32>
    %slice3A_1178 = vector.extract_strided_slice %select_n3A_85 {offsets = [30, 0], sizes = [1, 32], strides = [1, 1]} : vector<32x32xi32> to vector<1x32xi32>
    %jit3A_1179 = arith.constant -1 : i32
    %broadcast_in_dim3A_1180 = vector.broadcast %jit3A_1179 : i32 to vector<1x32xi32>
    %select_n3A_1181 = arith.select %and3A_1174, %slice3A_1178, %broadcast_in_dim3A_1180 : vector<1x32xi1>, vector<1x32xi32>
    %reduce_max3A_1182 = arith.constant dense<-2147483648> : vector<1xi32>
    %reduce_max3A_1183 = vector.multi_reduction <maxsi>, %select_n3A_1181, %reduce_max3A_1182 [1] : vector<1x32xi32> to vector<1xi32>
    %broadcast_in_dim3A_1184 = vector.shape_cast %reduce_max3A_1183 : vector<1xi32> to vector<1x1xi32>
    %eq3A_1185 = vector.broadcast %broadcast_in_dim3A_1184 : vector<1x1xi32> to vector<1x32xi32>
    %eq3A_1186 = arith.cmpi eq, %select_n3A_1181, %eq3A_1185 : vector<1x32xi32>
    %and3A_1187 = arith.andi %and3A_1174, %eq3A_1186 : vector<1x32xi1>
    %slice3A_1188 = vector.extract_strided_slice %select_n3A_96 {offsets = [30, 0], sizes = [1, 32], strides = [1, 1]} : vector<32x32xi32> to vector<1x32xi32>
    %jit3A_1189 = arith.constant -1 : i32
    %broadcast_in_dim3A_1190 = vector.broadcast %jit3A_1189 : i32 to vector<1x32xi32>
    %select_n3A_1191 = arith.select %and3A_1187, %slice3A_1188, %broadcast_in_dim3A_1190 : vector<1x32xi1>, vector<1x32xi32>
    %reduce_max3A_1192 = arith.constant dense<-2147483648> : vector<1xi32>
    %reduce_max3A_1193 = vector.multi_reduction <maxsi>, %select_n3A_1191, %reduce_max3A_1192 [1] : vector<1x32xi32> to vector<1xi32>
    %broadcast_in_dim3A_1194 = vector.shape_cast %reduce_max3A_1193 : vector<1xi32> to vector<1x1xi32>
    %eq3A_1195 = vector.broadcast %broadcast_in_dim3A_1194 : vector<1x1xi32> to vector<1x32xi32>
    %eq3A_1196 = arith.cmpi eq, %slice3A_1188, %eq3A_1195 : vector<1x32xi32>
    %and3A_1197 = arith.andi %and3A_1187, %eq3A_1196 : vector<1x32xi1>
    %ge3A_1198 = arith.constant 0 : i32
    %ge3A_1199 = vector.broadcast %ge3A_1198 : i32 to vector<1x1xi32>
    %ge3A_1200 = arith.cmpi sge, %broadcast_in_dim3A_1184, %ge3A_1199 : vector<1x1xi32>
    %broadcast_in_dim3A_1201 = vector.shape_cast %broadcast_in_dim3A_1184 : vector<1x1xi32> to vector<1x1xi32>
    %broadcast_in_dim3A_1202 = vector.broadcast %broadcast_in_dim3A_1201 : vector<1x1xi32> to vector<1x32xi32>
    %select_n3A_1203 = arith.select %eq3A_1177, %broadcast_in_dim3A_1202, %select_n3A_1166 : vector<1x32xi1>, vector<1x32xi32>
    %broadcast_in_dim3A_1204 = vector.shape_cast %broadcast_in_dim3A_1194 : vector<1x1xi32> to vector<1x1xi32>
    %broadcast_in_dim3A_1205 = vector.broadcast %broadcast_in_dim3A_1204 : vector<1x1xi32> to vector<1x32xi32>
    %select_n3A_1206 = arith.select %eq3A_1177, %broadcast_in_dim3A_1205, %select_n3A_1169 : vector<1x32xi1>, vector<1x32xi32>
    %and3A_1207 = vector.broadcast %ge3A_1200 : vector<1x1xi1> to vector<1x32xi1>
    %and3A_1208 = arith.andi %and3A_1207, %and3A_1197 : vector<1x32xi1>
    %not3A_1209 = arith.constant dense<true> : vector<1x32xi1>
    %not3A_1210 = arith.xori %and3A_1208, %not3A_1209 : vector<1x32xi1>
    %and3A_1211 = arith.andi %and3A_1174, %not3A_1210 : vector<1x32xi1>
    %eq3A_1212 = arith.constant 30 : i32
    %eq3A_1213 = vector.broadcast %eq3A_1212 : i32 to vector<1x32xi32>
    %eq3A_1214 = arith.cmpi eq, %iota3A, %eq3A_1213 : vector<1x32xi32>
    %slice3A_1215 = vector.extract_strided_slice %select_n3A_85 {offsets = [31, 0], sizes = [1, 32], strides = [1, 1]} : vector<32x32xi32> to vector<1x32xi32>
    %jit3A_1216 = arith.constant -1 : i32
    %broadcast_in_dim3A_1217 = vector.broadcast %jit3A_1216 : i32 to vector<1x32xi32>
    %select_n3A_1218 = arith.select %and3A_1211, %slice3A_1215, %broadcast_in_dim3A_1217 : vector<1x32xi1>, vector<1x32xi32>
    %reduce_max3A_1219 = arith.constant dense<-2147483648> : vector<1xi32>
    %reduce_max3A_1220 = vector.multi_reduction <maxsi>, %select_n3A_1218, %reduce_max3A_1219 [1] : vector<1x32xi32> to vector<1xi32>
    %broadcast_in_dim3A_1221 = vector.shape_cast %reduce_max3A_1220 : vector<1xi32> to vector<1x1xi32>
    %eq3A_1222 = vector.broadcast %broadcast_in_dim3A_1221 : vector<1x1xi32> to vector<1x32xi32>
    %eq3A_1223 = arith.cmpi eq, %select_n3A_1218, %eq3A_1222 : vector<1x32xi32>
    %and3A_1224 = arith.andi %and3A_1211, %eq3A_1223 : vector<1x32xi1>
    %slice3A_1225 = vector.extract_strided_slice %select_n3A_96 {offsets = [31, 0], sizes = [1, 32], strides = [1, 1]} : vector<32x32xi32> to vector<1x32xi32>
    %jit3A_1226 = arith.constant -1 : i32
    %broadcast_in_dim3A_1227 = vector.broadcast %jit3A_1226 : i32 to vector<1x32xi32>
    %select_n3A_1228 = arith.select %and3A_1224, %slice3A_1225, %broadcast_in_dim3A_1227 : vector<1x32xi1>, vector<1x32xi32>
    %reduce_max3A_1229 = arith.constant dense<-2147483648> : vector<1xi32>
    %reduce_max3A_1230 = vector.multi_reduction <maxsi>, %select_n3A_1228, %reduce_max3A_1229 [1] : vector<1x32xi32> to vector<1xi32>
    %broadcast_in_dim3A_1231 = vector.shape_cast %reduce_max3A_1230 : vector<1xi32> to vector<1x1xi32>
    %broadcast_in_dim3A_1232 = vector.shape_cast %broadcast_in_dim3A_1221 : vector<1x1xi32> to vector<1x1xi32>
    %broadcast_in_dim3A_1233 = vector.broadcast %broadcast_in_dim3A_1232 : vector<1x1xi32> to vector<1x32xi32>
    %select_n3A_1234 = arith.select %eq3A_1214, %broadcast_in_dim3A_1233, %select_n3A_1203 : vector<1x32xi1>, vector<1x32xi32>
    %broadcast_in_dim3A_1235 = vector.shape_cast %broadcast_in_dim3A_1231 : vector<1x1xi32> to vector<1x1xi32>
    %broadcast_in_dim3A_1236 = vector.broadcast %broadcast_in_dim3A_1235 : vector<1x1xi32> to vector<1x32xi32>
    %select_n3A_1237 = arith.select %eq3A_1214, %broadcast_in_dim3A_1236, %select_n3A_1206 : vector<1x32xi1>, vector<1x32xi32>
    %convert_element_type3A_1238 = arith.sitofp %select_n3A_1234 : vector<1x32xi32> to vector<1x32xf32>
    %mul3A_1239 = arith.constant 4.096000e+03 : f32
    %mul3A_1240 = vector.broadcast %mul3A_1239 : f32 to vector<1x32xf32>
    %mul3A_1241 = arith.mulf %convert_element_type3A_1238, %mul3A_1240 : vector<1x32xf32>
    %shift_right_arithmetic3A = arith.constant 5 : i32
    %shift_right_arithmetic3A_1242 = vector.broadcast %shift_right_arithmetic3A : i32 to vector<1x32xi32>
    %shift_right_arithmetic3A_1243 = arith.shrsi %select_n3A_1237, %shift_right_arithmetic3A_1242 : vector<1x32xi32>
    %convert_element_type3A_1244 = arith.sitofp %shift_right_arithmetic3A_1243 : vector<1x32xi32> to vector<1x32xf32>
    %add3A_1245 = arith.addf %mul3A_1241, %convert_element_type3A_1244 : vector<1x32xf32>
    %mul3A_1246 = arith.constant 1.45519152E-11 : f32
    %mul3A_1247 = vector.broadcast %mul3A_1246 : f32 to vector<1x32xf32>
    %mul3A_1248 = arith.mulf %add3A_1245, %mul3A_1247 : vector<1x32xf32>
    %max3A = arith.constant 0.000000e+00 : f32
    %max3A_1249 = vector.broadcast %max3A : f32 to vector<1x32xf32>
    %max3A_1250 = arith.maximumf %mul3A_1248, %max3A_1249 : vector<1x32xf32>
    %lt3A = arith.constant 31 : i32
    %lt3A_1251 = vector.broadcast %lt3A : i32 to vector<1x32xi32>
    %lt3A_1252 = arith.cmpi slt, %iota3A, %lt3A_1251 : vector<1x32xi32>
    %jit3A_1253 = arith.constant 0.000000e+00 : f32
    %broadcast_in_dim3A_1254 = vector.broadcast %jit3A_1253 : f32 to vector<1x32xf32>
    %select_n3A_1255 = arith.select %lt3A_1252, %max3A_1250, %broadcast_in_dim3A_1254 : vector<1x32xi1>, vector<1x32xf32>
    %reduce_sum3A_1256 = arith.constant dense<0.000000e+00> : vector<1xf32>
    %reduce_sum3A_1257 = vector.multi_reduction <add>, %select_n3A_1255, %reduce_sum3A_1256 [1] : vector<1x32xf32> to vector<1xf32>
    %broadcast_in_dim3A_1258 = vector.shape_cast %reduce_sum3A_1257 : vector<1xf32> to vector<1x1xf32>
    %div3A_1259 = arith.constant 3.100000e+01 : f32
    %div3A_1260 = vector.broadcast %div3A_1259 : f32 to vector<1x1xf32>
    %div3A_1261 = arith.divf %broadcast_in_dim3A_1258, %div3A_1260 : vector<1x1xf32>
    %slice3A_1262 = vector.extract_strided_slice %max3A_1250 {offsets = [0, 0], sizes = [1, 31], strides = [1, 1]} : vector<1x32xf32> to vector<1x31xf32>
    %squeeze3A = vector.shape_cast %slice3A_1262 : vector<1x31xf32> to vector<31xf32>
    %swap3A = arith.constant 0 : index
    %swap3A_1263 = vector.load %arg1[%swap3A] : memref<31xf32, #tpu.memory_space<vmem>>, vector<31xf32>
    tpu.vector_store %arg1[%swap3A], %squeeze3A {strides = array<i32>} : memref<31xf32, #tpu.memory_space<vmem>>, vector<31xf32>,
    %squeeze3A_1264 = vector.extract %div3A_1261[0, 0] : f32 from vector<1x1xf32>
    %swap3A_1265 = arith.constant 0 : index
    %swap3A_1266 = memref.load %arg2[%swap3A_1265] : memref<1xf32, #tpu.memory_space<smem>>
    memref.store %squeeze3A_1264, %arg2[%swap3A_1265] : memref<1xf32, #tpu.memory_space<smem>>
    return
  }
}

</mosaic_0001>

<sc_bundles>
// kernel: kernel.4.cloned.1.call-start
scs
__scs_entry_jumppad:
0x0: {  	(pc) =	sbr.rel $0x88, $3  }
0x1: {  	(tag) =	ssettag $0x0;
	lr =	simm.s32 $0x1  }
0x2: {  	[smem:$0x3F9F] =	sst lr;
	_ =	strace $0xD0000000  }
0x3: {  	_ = 	snop  }
0x4: {  	_ = 	snop  }
0x5: {  	_ = 	snop  }
0x6: {  	_ = 	snop  }
0x7: {  	_ = 	snop  }
__scs_overlays_trampoline_lowered:
0x8: {  	[smem:$0x3FAE] =	sst s0  }
0x9: {  	[smem:$0x3FAF] =	sst s1  }
0xa: {  	[smem:$0x3FB0] =	sst s2  }
0xb: {  	[smem:$0x3FB1] =	sst s3  }
0xc: {  	[smem:$0x3FB2] =	sst s4  }
0xd: {  	[smem:$0x3FB3] =	sst s5  }
0xe: {  	[smem:$0x3FB4] =	sst s6  }
0xf: {  	[smem:$0x3FB5] =	sst s7  }
0x10: {  	[smem:$0x3FB6] =	sst s8  }
0x11: {  	[smem:$0x3FB7] =	sst s9;
	s0 =	simm.s32 @!p0 $0x0  }
0x12: {  	s1 =	sld [smem:$0x3F9D];
	s0 =	simm.s32 @p0 $0x1  }
0x13: {  	[smem:$0x3FB8] =	sst s0;
	s0 =	simm.s32 @!p1 $0x0  }
0x14: {  	s2 =	sld [smem:$0x3F9C];
	s0 =	simm.s32 @p1 $0x1  }
0x15: {  	[smem:$0x3FB9] =	sst s0;
	s0 =	simm.s32 @!p2 $0x0  }
0x16: {  	s3 =	sld [smem:$0x3FDB];
	s0 =	simm.s32 @p2 $0x1  }
0x17: {  	s4 =	simm.s32 $0x1BF5;
	[smem:$0x3FBB] =	sst s0  }
0x18: {  	s0 =	sld [smem:$0x3F9E];
	_ =	swait.ge [sflag:s4], $0x0  }
0x19: {  	s7 =	sld [smem:$0x3F9F]  }
0x1a: {  	s8 =	sadd.s32 $0xFFFFE003, lr  }
0x1b: {  	s9 =	sadd.s32 $0xFFFFFEF7, lr;
	s5 =	simm.s32 $0xFFFFFFFF;
	p2 =	slt.u32 s8, $0xFFFFF086  }
0x1c: {  	p1 =	slt.u32 s9, $0xF7A;
	s5 =	simm.s32 @!p2 $0x0  }
0x1d: {  	s5 =	simm.s32 @p1 $0x1;
	p0 =	seq.s32 s7, s2  }
0x1e: {  	s7 =	smul.u32 @!p0 $0xF7A, s2;
	p2 =	seq.s32 @!p0 s5, $0x0  }
0x1f: {  	s9 =	smul.u32 $0xF7A, s1;
	s8 =	simm.s32 @!p0 $0x1BF5;
	p2 =	por !p2, p0  }
0x20: {  	[sflag:s8] =	ssyncset.s32 @!p0 $0xFFFFF086;
	s6 =	sadd.s32 @!p0 s3, s7;
	s7 =	simm.s32 @!p0 $0x108  }
0x21: {  	s3 =	sadd.s32 s3, s9;
	s6 =	sadd.s32 @!p0 $0x88, s6;
	s7 =	simm.s32 @p2 $0x1082  }
0x22: {  	[simem:s7], [sflag:s8] =	dma.local @!p0 [hbm:s6], $0xF7A  }
0x23: {  	s9 =	sor.u32 $0xD0000000, s2;
	s6 =	simm.s32 $0x108;
	_ =	swait.ge @!p0 [sflag:s8], $0x0  }
0x24: {  	s3 =	sadd.s32 $0x88, s3;
	s6 =	simm.s32 @!p1 $0x1082;
	[sflag:s4] =	ssyncset.s32 $0xFFFFF086  }
0x25: {  	[simem:s6], [sflag:s4] =	dma.local [hbm:s3], $0xF7A  }
0x26: {  	[smem:$0x3F9F] =	sst s1;
	(tag) =	ssettag s2;
	_ =	strace s9  }
0x27: {  	s1 =	sld [smem:$0x3FAF]  }
0x28: {  	s2 =	sld [smem:$0x3FB0]  }
0x29: {  	s4 =	sld [smem:$0x3FB2]  }
0x2a: {  	p0 =	seq.s32 s5, $0x0;
	s5 =	sld [smem:$0x3FB3]  }
0x2b: {  	s6 =	sld [smem:$0x3FB4]  }
0x2c: {  	s7 =	sld [smem:$0x3FB5]  }
0x2d: {  	s3 =	simm.s32 $0x108;
	s8 =	sld [smem:$0x3FB6]  }
0x2e: {  	s3 =	simm.s32 @!p0 $0x1082;
	s9 =	sld [smem:$0x3FB7]  }
0x2f: {  	lr =	sadd.s32 s0, s3;
	s0 =	sld [smem:$0x3FAE]  }
0x30: {  	s3 =	sld [smem:$0x3FB1]  }
0x31: {  	[smem:$0x3FBA] =	sst s10  }
0x32: {  	s10 =	sld [smem:$0x3FB8];
	_ =	sdelay $0x3  }
0x33: {  	p0 =	seq.s32 s10, $0x1;
	s10 =	sld [smem:$0x3FBA];
	_ =	sdelay $0x3  }
0x34: {  	[smem:$0x3FBA] =	sst s10  }
0x35: {  	s10 =	sld [smem:$0x3FB9];
	_ =	sdelay $0x3  }
0x36: {  	p1 =	seq.s32 s10, $0x1;
	s10 =	sld [smem:$0x3FBA];
	_ =	sdelay $0x3  }
0x37: {  	[smem:$0x3FBA] =	sst s10  }
0x38: {  	s10 =	sld [smem:$0x3FBB]  }
0x39: {  	_ = 	snop;
	(pc) =	sbr.ind lr, $3  }
0x3a: {  	_ = 	snop  }
0x3b: {  	_ = 	snop  }
0x3c: {  	p2 =	seq.s32 s10, $0x1;
	s10 =	sld [smem:$0x3FBA]  }
0x3d: {  	_ =	shalt  }
0x3e: {  	_ =	shalt  }
0x3f: {  	_ =	shalt  }
0x40: {  	_ =	shalt  }
0x41: {  	_ =	shalt  }
0x42: {  	_ =	shalt  }
0x43: {  	_ =	shalt  }
0x44: {  	_ =	shalt  }
0x45: {  	_ =	shalt  }
0x46: {  	_ =	shalt  }
0x47: {  	_ =	shalt  }
0x48: {  	_ =	shalt  }
0x49: {  	_ =	shalt  }
0x4a: {  	_ =	shalt  }
0x4b: {  	_ =	shalt  }
0x4c: {  	_ =	shalt  }
0x4d: {  	_ =	shalt  }
0x4e: {  	_ =	shalt  }
0x4f: {  	_ =	shalt  }
0x50: {  	_ =	shalt  }
0x51: {  	_ =	shalt  }
0x52: {  	_ =	shalt  }
0x53: {  	_ =	shalt  }
0x54: {  	_ =	shalt  }
0x55: {  	_ =	shalt  }
0x56: {  	_ =	shalt  }
0x57: {  	_ =	shalt  }
0x58: {  	_ =	shalt  }
0x59: {  	_ =	shalt  }
0x5a: {  	_ =	shalt  }
0x5b: {  	_ =	shalt  }
0x5c: {  	_ =	shalt  }
0x5d: {  	_ =	shalt  }
0x5e: {  	_ =	shalt  }
0x5f: {  	_ =	shalt  }
0x60: {  	_ =	shalt  }
0x61: {  	_ =	shalt  }
0x62: {  	_ =	shalt  }
0x63: {  	_ =	shalt  }
0x64: {  	_ =	shalt  }
0x65: {  	_ =	shalt  }
0x66: {  	_ =	shalt  }
0x67: {  	_ =	shalt  }
0x68: {  	_ =	shalt  }
0x69: {  	_ =	shalt  }
0x6a: {  	_ =	shalt  }
0x6b: {  	_ =	shalt  }
0x6c: {  	_ =	shalt  }
0x6d: {  	_ =	shalt  }
0x6e: {  	_ =	shalt  }
0x6f: {  	_ =	shalt  }
0x70: {  	_ =	shalt  }
0x71: {  	_ =	shalt  }
0x72: {  	_ =	shalt  }
0x73: {  	_ =	shalt  }
0x74: {  	_ =	shalt  }
0x75: {  	_ =	shalt  }
0x76: {  	_ =	shalt  }
0x77: {  	_ =	shalt  }
0x78: {  	_ =	shalt  }
0x79: {  	_ =	shalt  }
0x7a: {  	_ =	shalt  }
0x7b: {  	_ =	shalt  }
0x7c: {  	_ =	shalt  }
0x7d: {  	_ =	shalt  }
0x7e: {  	_ =	shalt  }
0x7f: {  	_ =	shalt  }
0x80: {  	_ =	shalt  }
0x81: {  	_ =	shalt  }
0x82: {  	_ =	shalt  }
0x83: {  	_ =	shalt  }
0x84: {  	_ =	shalt  }
0x85: {  	_ =	shalt  }
0x86: {  	_ =	shalt  }
0x87: {  	_ =	shalt  }
.Lfunc_end0:
.L_simem_size_0:
called_computation_lowered:
.L_overlay_start_0:
0x88: {  	s2 =	sld [smem:$0x3FD9]  }
0x89: {  	s3 =	sld [smem:$0x3FFE];
	_ =	sdelay $0x1  }
0x8a: {  	s1 =	srdreg.scid  }
0x8b: {  	s0 =	sand.u32 $0x1, s1  }
0x8c: {  	s16 =	sshll.u32 s0, $0xA;
	s2 =	sadd.s32 s3, s2  }
0x8d: {  	s2 =	sadd.s32 s2, s16  }
0x8e: {  	[smem:$0x3FC6] =	sst s2  }
0x8f: {  	_ = 	snop  }
0x90: {  	(tm) =	ssettm $0x1  }
0x91: {  	s17 =	sld [smem:$0x3FFB];
	_ =	sdelay $0x3  }
0x92: {  	_ =	strace s17  }
0x93: {  	s2 =	sld [smem:$0x3FFC];
	_ =	sdelay $0x3  }
0x94: {  	_ =	strace s2  }
0x95: {  	s2 =	sld [smem:$0x3FFD];
	_ =	sdelay $0x3  }
0x96: {  	_ =	strace s2  }
0x97: {  	_ =	strace $0x8FFFFFFF  }
0x98: {  	s18 =	sld [smem:$0x3FDB];
	_ =	sdelay $0x1  }
0x99: {  	s19 =	simm.s32 $_scs_section_size  }
0x9a: {  	s4 =	simm.s32 $_size__tile_overlayer_lowered;
	s5 =	simm.s32 $_tile_overlayer_lowered  }
0x9b: {  	s22 =	simm.s32 $0x1BFF;
	s21 =	sshll.u32 s5, $0x1;
	s2 =	sadd.s32 s19, s18  }
0x9c: {  	s6 =	simm.s32 $0x0;
	s20 =	sshll.u32 s4, $0x1;
	s4 =	sadd.s32 s21, s2  }
0x9d: {  	[timem:s6], [sflag:s22] =	dma.local [hbm:s4], s20  }
0x9e: {  	_ =	swait.ge [sflag:s22], s20  }
0x9f: {  	s3 =	ssub.s32 $0x0, s20;
	[sflag:s22] =	ssyncset.done $0x0  }
0xa0: {  	[sflag:s22] =	ssyncadd.s32 s3;
	_ =	sdelay $0x1  }
0xa1: {  	s23 =	simm.s32 $0x1B8B  }
0xa2: {  	_ =	swait.ge [sflag:s23], $0x1  }
0xa3: {  	[sflag:s23] =	ssyncset.done $0x0  }
0xa4: {  	s25 =	simm.s32 $0x1B8E;
	s24 =	sld [smem:$0x3FFE];
	[sflag:s23] =	ssyncadd.s32 $0xFFFFFFFF  }
0xa5: {  	s26 =	simm.s32 $execute0_lowered;
	[smem:$0x3FD2] =	sst s25  }
0xa6: {  	s4 =	sshll.u32 s26, $0x1;
	_ =	strace $0x80000046;
	[dreg:$0x1] =	wrdreg $0xFFFFFFFF  }
0xa7: {  	s28 =	simm.s32 $_size_execute0_lowered;
	s2 =	sadd.s32 s2, s4;
	[dreg:$0x0] =	wrdreg $0x0  }
0xa8: {  	s4 =	sshll.u32 s28, $0x1;
	[dreg:$0x2] =	wrdreg s2  }
0xa9: {  	[dreg:$0x3] =	wrdreg s4  }
0xaa: {  	[dreg:$0x4] =	wrdreg $0xC0  }
0xab: {  	_ =	task [dreg:s6], $0x5FFFF  }
0xac: {  	[dreg:$0x1] =	wrdreg $0xFFFFFFFF  }
0xad: {  	[dreg:$0x0] =	wrdreg $0x60  }
0xae: {  	[dreg:$0x2] =	wrdreg s24  }
0xaf: {  	[dreg:$0x3] =	wrdreg $0x8C800  }
0xb0: {  	[dreg:$0x4] =	wrdreg $0x9  }
0xb1: {  	_ =	task.clear_ibuf [dreg:s6], $0x5FFFF;
	_ =	strace $0x90000046  }
0xb2: {  	s29 =	simm.s32 $0x9;
	_ =	strace $0x80000048  }
0xb3: {  	_ =	swait.ge [sflag:s29], $0x1  }
0xb4: {  	[sflag:s29] =	ssyncadd.s32 $0xFFFFFFFF  }
0xb5: {  	_ =	strace $0x90000048  }
0xb6: {  	_ =	sfence  }
0xb7: {  	s30 =	sld [smem:$0x0];
	_ =	sdelay $0x2  }
0xb8: {  	s31 =	sshll.u32 s1, $0xD;
	s1 =	sshrl.u32 s1, $0x2  }
0xb9: {  	s3 =	sand.u32 $0x4000, s31;
	s1 =	sadd.s32 s1, s30  }
0xba: {  	s0 =	sor.u32 s3, s0;
	s1 =	sshll.u32 s1, $0x11  }
0xbb: {  	s0 =	sor.u32 s1, s0  }
0xbc: {  	s0 =	sadd.s32 $0x8F2B, s0  }
0xbd: {  	[sflag:s0] =	ssyncadd.remote.s32 $0x1  }
0xbe: {  	_ =	sfence.sel $0xFFFF  }
0xbf: {  	[dreg:$0x0] =	wrdreg $0xFFFFFFFF;
	(pc) =	sbr.abs _section_cstart, $3  }
0xc0: {  	[dreg:$0x1] =	wrdreg $0xFFFFFFFF  }
0xc1: {  	_ =	task.clear_ibuf [dreg:s6], $0x2FFFF;
	_ =	strace $0x9FFFFFFF  }
0xc2: {  	(tm) =	ssettm $0x7FFFFFFF  }
0xc3: {  	_ =	shalt  }
tec
execute0_lowered:
.L_overlay_start_1:
0x0: {  	(tag) =	ssettag $0x1  }
0x1: {  	s3 =	rddreg [dreg:$0x0]  }
0x2: {  	s6 =	rddreg [dreg:$0x1]  }
0x3: {  	s0 =	rddreg [dreg:$0x2];
	s2 =	simm.s32 $0x0  }
0x4: {  	s4 =	srdreg.scid;
	s1 =	stileid.u32;
	s11 =	simm.s32 $0x8000  }
0x5: {  	s12 =	simm.s32 $0x80;
	s13 =	simm.s32 $0x400;
	s14 =	simm.s32 $0x8400  }
0x6: {  	s15 =	simm.s32 $0x8C00;
	s16 =	simm.s32 $0x0;
	[smem:$0x7FF] =	sst s2  }
0x7: {  	s4 =	sand.u32 $0x1, s4;
	s5 =	sshll.u32 s1, $0xB;
	s8 =	sshll.u32 s1, $0x7  }
0x8: {  	s10 =	sshll.u32 s1, $0xA;
	p0 =	sgt.u32 s1, $0x7;
	s7 =	sshll.u32 s4, $0xA  }
0x9: {  	_ =	strace $0x80000047;
	s4 =	ssub.s32 $0x2, s4;
	s5 =	sor.u32 s7, s5  }
.Ltmp0:
0xa: {  	s7 =	sadd.s32 s8, s7;
	s9 =	sshrl.u32 s4, $0x1;
	(pc) =	sbr.rel .LBB2_1-.Ltmp0, $4  }
0xb: {  	s5 =	sadd.s32 s5, s3;
	s7 =	sshrl.u32 s7, $0x3;
	s9 =	ssub.s32 s4, s9  }
0xc: {  	s7 =	sadd.s32 s7, s3;
	s3 =	sadd.s32 $0x200, s5;
	s4 =	sadd.s32 $0x8200, s5  }
0xd: {  	v1 =	vlaneseq.u32;
	s5 =	sadd.s32 s10, s6;
	s6 =	sadd.s32 s8, s6;
	s8 =	smax.u32 s9, $0x1  }
0xe: {  	v0 =	vimm.s32 $0x0;
	v2 =	vimm.s32 $0x1;
	v1 =	vmul.u32 $0x400, v1;
	s9 =	simm.s32 $0x1;
	s10 =	simm.s32 $0x2000;
	s7 =	sadd.s32 $0x10200, s7  }
.LBB2_9:
0xf: {  	s16 =	sadd.s32 $0x1, s16  }
0x10: {  	p1 =	sne.s32 s16, s8  }
.Ltmp1:
0x11: {  	_ = 	snop;
	(pc) =	sbr.rel @!p1 .LBB2_10-.Ltmp1, $1  }
0x12: {  	_ =	sdelay $0x3  }
.LBB2_1:
0x13: {  	[tilespmem:s2], [sflag:$0x1] =	stream.linear.gather [hbm4b:s3+s2], $0x2000, $0x38;
	[tilespmem:$0x9080] =	vst v63  }
0x14: {  	_ =	swait.ge [sflag:s9], $0x2000  }
0x15: {  	[sflag:s9] =	ssyncset.done $0x0  }
0x16: {  	[sflag:s9] =	ssyncadd.s32 $0xFFFFE000  }
0x17: {  	[tilespmem:s10], [sflag:$0x1] =	stream.linear.gather [hbm4b:s4+s2], $0x2000, $0x38;
	[tilespmem:$0x9080] =	vst v63  }
0x18: {  	_ =	swait.ge [sflag:s9], $0x2000  }
0x19: {  	[sflag:s9] =	ssyncset.done $0x0  }
0x1a: {  	s18 =	simm.s32 $0x0;
	s17 =	simm.s32 $0x200;
	[sflag:s9] =	ssyncadd.s32 $0xFFFFE000  }
.LBB2_2:
0x1b: {  	p1 =	sne.s32 s17, $0xFE00;
	[tilespmem:s18+$0x4070] =	vst v0  }
0x1c: {  	[tilespmem:s18+$0x4000] =	vst v0  }
0x1d: {  	[tilespmem:s18+$0x4010] =	vst v0  }
.Ltmp2:
0x1e: {  	[tilespmem:s18+$0x4020] =	vst v0;
	(pc) =	sbr.rel @p1 .LBB2_2-.Ltmp2, $4  }
0x1f: {  	[tilespmem:s18+$0x4030] =	vst v0  }
0x20: {  	[tilespmem:s18+$0x4040] =	vst v0  }
0x21: {  	[tilespmem:s18+$0x4050] =	vst v0  }
0x22: {  	[tilespmem:s18+$0x4060] =	vst v0;
	s18 =	sshra.s32 s17, $0x2;
	s17 =	sadd.s32 $0x200, s17  }
0x23: {  	[tilespmem:s18+$0x4070] =	vst v0  }
0x24: {  	[tilespmem:s18+$0x4000] =	vst v0  }
0x25: {  	[tilespmem:s18+$0x4010] =	vst v0  }
0x26: {  	[tilespmem:s18+$0x4020] =	vst v0  }
0x27: {  	[tilespmem:s18+$0x4030] =	vst v0  }
0x28: {  	[tilespmem:s18+$0x4040] =	vst v0  }
0x29: {  	[tilespmem:s18+$0x4050] =	vst v0  }
0x2a: {  	s17 =	simm.s32 $0x0;
	[tilespmem:s18+$0x4060] =	vst v0;
	s18 =	simm.s32 $0x0  }
.LBB2_4:
0x2b: {  	s20 =	sshra.s32 s18, $0x2  }
0x2c: {  	v3 =	vld [tilespmem:s20+$0x0]  }
0x2d: {  	v4 =	vld [tilespmem:s20+$0x2000];
	_ =	sdelay $0x3  }
0x2e: {  	v3 =	vshll.u32 v3, $0x5  }
0x2f: {  	v3 =	vadd.s32 v3, v4  }
0x30: {  	v3 =	vadd.s32 v1, v3;
	_ =	sdelay $0x3  }
0x31: {  	s19 =	simm.s32 $0x4000  }
0x32: {  	[tilespmem:v3+s19+$0x0] =	vst.idx.add.s32.msk $0xffff, v2  }
0x33: {  	v3 =	vld [tilespmem:s20+$0x10]  }
0x34: {  	v57 =	vld [tilespmem:s20+$0x2010];
	_ =	sdelay $0x3  }
0x35: {  	v3 =	vshll.u32 v3, $0x5  }
0x36: {  	v3 =	vadd.s32 v3, v57  }
0x37: {  	v3 =	vadd.s32 v1, v3;
	_ =	sdelay $0x4  }
0x38: {  	[tilespmem:v3+s19+$0x0] =	vst.idx.add.s32.msk $0xffff, v2  }
0x39: {  	v3 =	vld [tilespmem:s20+$0x20]  }
0x3a: {  	v58 =	vld [tilespmem:s20+$0x2020];
	_ =	sdelay $0x3  }
0x3b: {  	v3 =	vshll.u32 v3, $0x5  }
0x3c: {  	v3 =	vadd.s32 v3, v58  }
0x3d: {  	v3 =	vadd.s32 v1, v3;
	_ =	sdelay $0x4  }
0x3e: {  	[tilespmem:v3+s19+$0x0] =	vst.idx.add.s32.msk $0xffff, v2  }
0x3f: {  	v3 =	vld [tilespmem:s20+$0x30]  }
0x40: {  	v59 =	vld [tilespmem:s20+$0x2030];
	_ =	sdelay $0x3  }
0x41: {  	v3 =	vshll.u32 v3, $0x5  }
0x42: {  	v3 =	vadd.s32 v3, v59  }
0x43: {  	v3 =	vadd.s32 v1, v3;
	_ =	sdelay $0x4  }
0x44: {  	[tilespmem:v3+s19+$0x0] =	vst.idx.add.s32.msk $0xffff, v2  }
0x45: {  	v3 =	vld [tilespmem:s20+$0x40]  }
0x46: {  	v60 =	vld [tilespmem:s20+$0x2040];
	_ =	sdelay $0x3  }
0x47: {  	v3 =	vshll.u32 v3, $0x5  }
0x48: {  	v3 =	vadd.s32 v3, v60  }
0x49: {  	v3 =	vadd.s32 v1, v3;
	_ =	sdelay $0x4  }
0x4a: {  	[tilespmem:v3+s19+$0x0] =	vst.idx.add.s32.msk $0xffff, v2  }
0x4b: {  	v3 =	vld [tilespmem:s20+$0x50]  }
0x4c: {  	v61 =	vld [tilespmem:s20+$0x2050];
	_ =	sdelay $0x3  }
0x4d: {  	v3 =	vshll.u32 v3, $0x5  }
0x4e: {  	v3 =	vadd.s32 v3, v61  }
0x4f: {  	v3 =	vadd.s32 v1, v3;
	_ =	sdelay $0x4  }
0x50: {  	[tilespmem:v3+s19+$0x0] =	vst.idx.add.s32.msk $0xffff, v2  }
0x51: {  	v3 =	vld [tilespmem:s20+$0x60]  }
0x52: {  	v62 =	vld [tilespmem:s20+$0x2060];
	_ =	sdelay $0x3  }
0x53: {  	v3 =	vshll.u32 v3, $0x5  }
0x54: {  	v3 =	vadd.s32 v3, v62  }
0x55: {  	v3 =	vadd.s32 v1, v3;
	_ =	sdelay $0x4  }
0x56: {  	[tilespmem:v3+s19+$0x0] =	vst.idx.add.s32.msk $0xffff, v2  }
0x57: {  	v3 =	vld [tilespmem:s20+$0x70]  }
0x58: {  	v63 =	vld [tilespmem:s20+$0x2070];
	_ =	sdelay $0x3  }
0x59: {  	v3 =	vshll.u32 v3, $0x5  }
0x5a: {  	v3 =	vadd.s32 v3, v63  }
0x5b: {  	p1 =	sne.s32 s18, $0x7E00;
	v3 =	vadd.s32 v1, v3  }
.Ltmp3:
0x5c: {  	_ = 	snop;
	(pc) =	sbr.rel @p1 .LBB2_4-.Ltmp3, $2  }
0x5d: {  	_ =	sdelay $0x2  }
0x5e: {  	s18 =	sadd.s32 $0x200, s18;
	[tilespmem:v3+s19+$0x0] =	vst.idx.add.s32.msk $0xffff, v2  }
0x5f: {  	s17 =	sand.u32 $0x7FFFFFF0, s17;
	v4 =	vld [tilespmem:s19+$0x0]  }
0x60: {  	v3 =	vld [tilespmem:s17+$0x4400]  }
0x61: {  	v5 =	vld [tilespmem:s17+$0x4800]  }
0x62: {  	v6 =	vld [tilespmem:s17+$0x4C00]  }
0x63: {  	v7 =	vld [tilespmem:s17+$0x5000]  }
0x64: {  	v8 =	vld [tilespmem:s17+$0x5400]  }
0x65: {  	v3 =	vadd.s32 v4, v3;
	v4 =	vld [tilespmem:s17+$0x5800]  }
0x66: {  	v3 =	vadd.s32 v5, v3;
	v5 =	vld [tilespmem:s17+$0x5C00]  }
0x67: {  	v58 =	vld [tilespmem:s17+$0x6000];
	v3 =	vadd.s32 v6, v3  }
0x68: {  	v59 =	vld [tilespmem:s17+$0x6400];
	v3 =	vadd.s32 v7, v3  }
0x69: {  	v60 =	vld [tilespmem:s17+$0x6800];
	v3 =	vadd.s32 v8, v3  }
0x6a: {  	v3 =	vadd.s32 v4, v3;
	v4 =	vld [tilespmem:s17+$0x6C00]  }
0x6b: {  	v3 =	vadd.s32 v5, v3;
	v5 =	vld [tilespmem:s17+$0x7000]  }
0x6c: {  	v61 =	vld [tilespmem:s17+$0x7400];
	v3 =	vadd.s32 v58, v3  }
0x6d: {  	v62 =	vld [tilespmem:s17+$0x7800];
	v3 =	vadd.s32 v59, v3  }
0x6e: {  	v63 =	vld [tilespmem:s17+$0x7C00];
	v3 =	vadd.s32 v60, v3  }
0x6f: {  	v3 =	vadd.s32 v4, v3  }
0x70: {  	v3 =	vadd.s32 v5, v3  }
0x71: {  	v3 =	vadd.s32 v61, v3  }
0x72: {  	v3 =	vadd.s32 v62, v3  }
0x73: {  	s18 =	simm.s32 $0x10;
	s17 =	simm.s32 $0x8000;
	v3 =	vadd.s32 v63, v3  }
0x74: {  	s18 =	sand.u32 $0x7FFFFFF0, s18;
	[tilespmem:s17+$0x0] =	vst v3  }
0x75: {  	s20 =	simm.s32 $0x20;
	s19 =	simm.s32 $0x4010;
	v3 =	vld [tilespmem:s18+$0x4400]  }
.LBB2_6:
0x76: {  	p1 =	sne.s32 s20, $0x3F0;
	v4 =	vld [tilespmem:s19+$0x0]  }
0x77: {  	v5 =	vld [tilespmem:s18+$0x4800]  }
0x78: {  	v6 =	vld [tilespmem:s18+$0x4C00]  }
0x79: {  	v7 =	vld [tilespmem:s18+$0x5000]  }
0x7a: {  	v8 =	vld [tilespmem:s18+$0x5400]  }
0x7b: {  	v3 =	vadd.s32 v4, v3;
	v4 =	vld [tilespmem:s18+$0x5800]  }
0x7c: {  	v3 =	vadd.s32 v5, v3;
	v5 =	vld [tilespmem:s18+$0x5C00]  }
0x7d: {  	v3 =	vadd.s32 v6, v3;
	v6 =	vld [tilespmem:s18+$0x6000]  }
0x7e: {  	v3 =	vadd.s32 v7, v3;
	v7 =	vld [tilespmem:s18+$0x6400]  }
0x7f: {  	v3 =	vadd.s32 v8, v3;
	v8 =	vld [tilespmem:s18+$0x6800]  }
0x80: {  	v3 =	vadd.s32 v4, v3;
	v4 =	vld [tilespmem:s18+$0x6C00]  }
0x81: {  	v3 =	vadd.s32 v5, v3;
	v5 =	vld [tilespmem:s18+$0x7000]  }
0x82: {  	v3 =	vadd.s32 v6, v3;
	v6 =	vld [tilespmem:s18+$0x7400]  }
0x83: {  	v3 =	vadd.s32 v7, v3;
	v7 =	vld [tilespmem:s18+$0x7800]  }
0x84: {  	v3 =	vadd.s32 v8, v3;
	v8 =	vld [tilespmem:s18+$0x7C00]  }
0x85: {  	v3 =	vadd.s32 v4, v3  }
0x86: {  	v3 =	vadd.s32 v5, v3  }
.Ltmp4:
0x87: {  	v3 =	vadd.s32 v6, v3;
	(pc) =	sbr.rel @p1 .LBB2_6-.Ltmp4, $4  }
0x88: {  	v3 =	vadd.s32 v7, v3  }
0x89: {  	s17 =	sadd.s32 $0x10, s17;
	v3 =	vadd.s32 v8, v3  }
0x8a: {  	s18 =	sand.u32 $0x7FFFFFF0, s20;
	[tilespmem:s17+$0x0] =	vst v3  }
0x8b: {  	s19 =	sadd.s32 $0x10, s19;
	s20 =	sadd.s32 $0x10, s20;
	v3 =	vld [tilespmem:s18+$0x4400]  }
0x8c: {  	v4 =	vld [tilespmem:s19+$0x0]  }
0x8d: {  	v5 =	vld [tilespmem:s18+$0x4800]  }
0x8e: {  	v6 =	vld [tilespmem:s18+$0x4C00]  }
0x8f: {  	v7 =	vld [tilespmem:s18+$0x5000]  }
0x90: {  	v8 =	vld [tilespmem:s18+$0x5400]  }
0x91: {  	v54 =	vld [tilespmem:s18+$0x5800];
	v3 =	vadd.s32 v4, v3  }
0x92: {  	v55 =	vld [tilespmem:s18+$0x5C00];
	v3 =	vadd.s32 v5, v3  }
0x93: {  	v56 =	vld [tilespmem:s18+$0x6000];
	v3 =	vadd.s32 v6, v3  }
0x94: {  	v57 =	vld [tilespmem:s18+$0x6400];
	v3 =	vadd.s32 v7, v3  }
0x95: {  	v58 =	vld [tilespmem:s18+$0x6800];
	v3 =	vadd.s32 v8, v3  }
0x96: {  	v59 =	vld [tilespmem:s18+$0x6C00];
	v3 =	vadd.s32 v54, v3  }
0x97: {  	v60 =	vld [tilespmem:s18+$0x7000];
	v3 =	vadd.s32 v55, v3  }
0x98: {  	v61 =	vld [tilespmem:s18+$0x7400];
	v3 =	vadd.s32 v56, v3  }
0x99: {  	v62 =	vld [tilespmem:s18+$0x7800];
	v3 =	vadd.s32 v57, v3  }
0x9a: {  	v63 =	vld [tilespmem:s18+$0x7C00];
	v3 =	vadd.s32 v58, v3  }
0x9b: {  	v3 =	vadd.s32 v59, v3  }
0x9c: {  	v3 =	vadd.s32 v60, v3  }
0x9d: {  	v3 =	vadd.s32 v61, v3  }
0x9e: {  	v3 =	vadd.s32 v62, v3  }
0x9f: {  	s17 =	sadd.s32 $0x10, s17;
	v3 =	vadd.s32 v63, v3  }
0xa0: {  	[tilespmem:s17+$0x0] =	vst v3  }
0xa1: {  	[spmem:s5] =	stream.linear.scatter [tilespmem:s11], [sflag:$0x1], $0x400, $0x38;
	[tilespmem:$0x9080] =	vst v63  }
.Ltmp5:
0xa2: {  	_ =	swait.ge [sflag:s9], $0x400;
	(pc) =	sbr.rel @p0 .LBB2_9-.Ltmp5, $3  }
0xa3: {  	[sflag:s9] =	ssyncset.done $0x0  }
0xa4: {  	[sflag:s9] =	ssyncadd.s32 $0xFFFFFC00  }
0xa5: {  	[bflag:$0x0] =	sbarrier.arrive $0xFFFF;
	_ =	sdelay $0x1  }
0xa6: {  	[tilespmem:s14], [sflag:$0x1] =	stream.strided.gather [spmem:s6], $0x800, s13, s12, $0x38;
	[tilespmem:$0x9080] =	vst v63  }
0xa7: {  	_ =	swait.ge [sflag:s9], $0x800  }
0xa8: {  	[sflag:s9] =	ssyncset.done $0x0  }
0xa9: {  	[sflag:s9] =	ssyncadd.s32 $0xFFFFF800  }
0xaa: {  	v10 =	vld [tilespmem:$0x8400]  }
0xab: {  	v9 =	vld [tilespmem:$0x8480]  }
0xac: {  	v11 =	vld [tilespmem:$0x8500]  }
0xad: {  	v13 =	vld [tilespmem:$0x8580]  }
0xae: {  	v14 =	vld [tilespmem:$0x8600]  }
0xaf: {  	v16 =	vld [tilespmem:$0x8680]  }
0xb0: {  	v18 =	vld [tilespmem:$0x8700]  }
0xb1: {  	v19 =	vld [tilespmem:$0x8780]  }
0xb2: {  	v21 =	vld [tilespmem:$0x8800]  }
0xb3: {  	v42 =	vld [tilespmem:$0x8880]  }
0xb4: {  	v44 =	vld [tilespmem:$0x8900]  }
0xb5: {  	v47 =	vld [tilespmem:$0x8980]  }
0xb6: {  	v50 =	vld [tilespmem:$0x8A00]  }
0xb7: {  	v3 =	vld [tilespmem:$0x8A80]  }
0xb8: {  	v22 =	vld [tilespmem:$0x8410]  }
0xb9: {  	v23 =	vld [tilespmem:$0x8490]  }
0xba: {  	v24 =	vld [tilespmem:$0x8510]  }
0xbb: {  	v25 =	vld [tilespmem:$0x8590]  }
0xbc: {  	v26 =	vld [tilespmem:$0x8610]  }
0xbd: {  	v27 =	vld [tilespmem:$0x8690]  }
0xbe: {  	v28 =	vld [tilespmem:$0x8710]  }
0xbf: {  	v29 =	vld [tilespmem:$0x8790]  }
0xc0: {  	v30 =	vld [tilespmem:$0x8810]  }
0xc1: {  	v31 =	vld [tilespmem:$0x8890]  }
0xc2: {  	v32 =	vld [tilespmem:$0x8910]  }
0xc3: {  	v33 =	vld [tilespmem:$0x8990]  }
0xc4: {  	v34 =	vld [tilespmem:$0x8A10]  }
0xc5: {  	v35 =	vld [tilespmem:$0x8A90]  }
0xc6: {  	v36 =	vld [tilespmem:$0x8B10]  }
0xc7: {  	v43 =	vld [tilespmem:$0x8B90]  }
0xc8: {  	v38 =	vld [tilespmem:$0x8420]  }
0xc9: {  	v39 =	vld [tilespmem:$0x84A0]  }
0xca: {  	v40 =	vld [tilespmem:$0x8520]  }
0xcb: {  	v41 =	vld [tilespmem:$0x85A0]  }
0xcc: {  	v46 =	vld [tilespmem:$0x8620]  }
0xcd: {  	v49 =	vld [tilespmem:$0x86A0]  }
0xce: {  	v51 =	vld [tilespmem:$0x8430]  }
0xcf: {  	v52 =	vld [tilespmem:$0x84B0]  }
0xd0: {  	v53 =	vld [tilespmem:$0x8530]  }
0xd1: {  	[tilespmem:$0x1FE50] =	vst v3;
	v3 =	vld [tilespmem:$0x8B00]  }
0xd2: {  	v61 =	vld [tilespmem:$0x8B40]  }
0xd3: {  	v54 =	vld [tilespmem:$0x85B0]  }
0xd4: {  	v55 =	vld [tilespmem:$0x8630]  }
0xd5: {  	v56 =	vld [tilespmem:$0x86B0]  }
0xd6: {  	[tilespmem:$0x1FE60] =	vst v3;
	v3 =	vld [tilespmem:$0x8B80]  }
0xd7: {  	[tilespmem:$0x1FF80] =	vst v61;
	v61 =	vld [tilespmem:$0x8BC0]  }
0xd8: {  	v57 =	vld [tilespmem:$0x8730]  }
0xd9: {  	v58 =	vld [tilespmem:$0x87B0]  }
0xda: {  	v59 =	vld [tilespmem:$0x8830]  }
0xdb: {  	[tilespmem:$0x1FE70] =	vst v3;
	v3 =	vld [tilespmem:$0x8720]  }
0xdc: {  	[tilespmem:$0x1FFA0] =	vst v61;
	v61 =	vld [tilespmem:$0x8450]  }
0xdd: {  	v60 =	vld [tilespmem:$0x88B0]  }
0xde: {  	v4 =	vld [tilespmem:$0x8440]  }
0xdf: {  	v5 =	vld [tilespmem:$0x8540]  }
0xe0: {  	[tilespmem:$0x1FE80] =	vst v3;
	v3 =	vld [tilespmem:$0x87A0]  }
0xe1: {  	[tilespmem:$0x1FF90] =	vst v61;
	v61 =	vld [tilespmem:$0x8550]  }
0xe2: {  	v6 =	vld [tilespmem:$0x85C0]  }
0xe3: {  	v7 =	vld [tilespmem:$0x8640]  }
0xe4: {  	v8 =	vld [tilespmem:$0x86C0]  }
0xe5: {  	[tilespmem:$0x1FE90] =	vst v3;
	v3 =	vld [tilespmem:$0x8820]  }
0xe6: {  	[tilespmem:$0x1FFB0] =	vst v61;
	v61 =	vld [tilespmem:$0x85D0]  }
0xe7: {  	v12 =	vld [tilespmem:$0x8740]  }
0xe8: {  	v15 =	vld [tilespmem:$0x87C0]  }
0xe9: {  	v17 =	vld [tilespmem:$0x8840]  }
0xea: {  	[tilespmem:$0x1FEA0] =	vst v3;
	v3 =	vld [tilespmem:$0x88A0]  }
0xeb: {  	[tilespmem:$0x1FFC0] =	vst v61;
	v61 =	vld [tilespmem:$0x8650]  }
0xec: {  	v20 =	vld [tilespmem:$0x88C0]  }
0xed: {  	v37 =	vld [tilespmem:$0x8940]  }
0xee: {  	v45 =	vld [tilespmem:$0x89C0]  }
0xef: {  	[tilespmem:$0x1FEB0] =	vst v3;
	v3 =	vld [tilespmem:$0x8920]  }
0xf0: {  	[tilespmem:$0x1FFD0] =	vst v61;
	v61 =	vld [tilespmem:$0x86D0]  }
0xf1: {  	v48 =	vld [tilespmem:$0x8A40]  }
0xf2: {  	v62 =	vld [tilespmem:$0x8AC0]  }
0xf3: {  	v63 =	vld [tilespmem:$0x84D0]  }
0xf4: {  	v9 =	vadd.s32 v10, v9;
	[tilespmem:$0x1FEC0] =	vst v3;
	v3 =	vld [tilespmem:$0x89A0]  }
0xf5: {  	v9 =	vadd.s32 v11, v9;
	[tilespmem:$0x1FFE0] =	vst v61;
	v61 =	vld [tilespmem:$0x8750]  }
0xf6: {  	v10 =	vld [tilespmem:$0x87D0];
	v9 =	vadd.s32 v13, v9  }
0xf7: {  	v9 =	vadd.s32 v14, v9;
	v14 =	vld [tilespmem:$0x8AD0]  }
0xf8: {  	v9 =	vadd.s32 v16, v9;
	v16 =	vld [tilespmem:$0x89D0]  }
0xf9: {  	[tilespmem:$0x1FED0] =	vst v3;
	v3 =	vld [tilespmem:$0x8A20]  }
0xfa: {  	[tilespmem:$0x1FFF0] =	vst v61;
	v61 =	vadd.s32 v22, v23;
	v22 =	vld [tilespmem:$0x8850]  }
0xfb: {  	v23 =	vld [tilespmem:$0x88D0]  }
0xfc: {  	v11 =	vadd.s32 v24, v61;
	v24 =	vld [tilespmem:$0x8950]  }
0xfd: {  	v61 =	vld [tilespmem:$0x85F0]  }
0xfe: {  	[tilespmem:$0x1FEF0] =	vst v3;
	v3 =	vld [tilespmem:$0x8AA0]  }
0xff: {  	v11 =	vadd.s32 v25, v11;
	v25 =	vld [tilespmem:$0x84E0]  }
0x100: {  	v11 =	vadd.s32 v26, v11;
	v26 =	vadd.s32 v18, v9;
	v9 =	vld [tilespmem:$0x8A50]  }
0x101: {  	v13 =	vadd.s32 v19, v26;
	v26 =	vld [tilespmem:$0x8560]  }
0x102: {  	v11 =	vadd.s32 v27, v11;
	v27 =	vld [tilespmem:$0x85E0]  }
0x103: {  	[tilespmem:$0x1FF10] =	vst v3;
	v3 =	vld [tilespmem:$0x8B20]  }
0x104: {  	v11 =	vadd.s32 v28, v11;
	v28 =	vadd.s32 v21, v13;
	v13 =	vld [tilespmem:$0x8B50]  }
0x105: {  	v21 =	vld [tilespmem:$0x8460]  }
0x106: {  	v18 =	vadd.s32 v42, v28;
	v28 =	vld [tilespmem:$0x8660]  }
0x107: {  	v42 =	vld [tilespmem:$0x1FE90]  }
0x108: {  	v39 =	vadd.s32 v38, v39;
	[tilespmem:$0x1FF30] =	vst v3;
	v3 =	vld [tilespmem:$0x8BA0]  }
0x109: {  	v11 =	vadd.s32 v29, v11;
	v29 =	vadd.s32 v40, v39;
	v40 =	vadd.s32 v51, v52;
	v52 =	vld [tilespmem:$0x8470]  }
0x10a: {  	v30 =	vadd.s32 v30, v11;
	v11 =	vld [tilespmem:$0x8BD0]  }
0x10b: {  	v29 =	vadd.s32 v41, v29;
	v41 =	vld [tilespmem:$0x1FE80]  }
0x10c: {  	v18 =	vadd.s32 v44, v18;
	v44 =	vld [tilespmem:$0x1FEB0]  }
0x10d: {  	[tilespmem:$0x1FF50] =	vst v3;
	v3 =	vld [tilespmem:$0x8930]  }
0x10e: {  	v19 =	vadd.s32 v31, v30;
	v30 =	vld [tilespmem:$0x86E0]  }
0x10f: {  	v29 =	vadd.s32 v46, v29;
	v46 =	vld [tilespmem:$0x1FEC0]  }
0x110: {  	v18 =	vadd.s32 v47, v18;
	v47 =	vld [tilespmem:$0x1FED0]  }
0x111: {  	v31 =	vadd.s32 v53, v40;
	v40 =	vld [tilespmem:$0x1FF80]  }
0x112: {  	[tilespmem:$0x1FEE0] =	vst v3;
	v3 =	vld [tilespmem:$0x89B0]  }
0x113: {  	v19 =	vadd.s32 v32, v19;
	v32 =	vld [tilespmem:$0x8760]  }
0x114: {  	v31 =	vadd.s32 v54, v31;
	v19 =	vadd.s32 v33, v19;
	v33 =	vld [tilespmem:$0x1FE50]  }
0x115: {  	v31 =	vadd.s32 v55, v31;
	v55 =	vld [tilespmem:$0x84F0]  }
0x116: {  	v19 =	vadd.s32 v34, v19;
	v34 =	vld [tilespmem:$0x1FE60]  }
0x117: {  	[tilespmem:$0x1FF00] =	vst v3;
	v3 =	vld [tilespmem:$0x8A30]  }
0x118: {  	v18 =	vadd.s32 v50, v18;
	v50 =	vld [tilespmem:$0x1FEF0]  }
0x119: {  	v29 =	vadd.s32 v49, v29;
	v19 =	vadd.s32 v35, v19;
	v35 =	vld [tilespmem:$0x1FE70]  }
0x11a: {  	v29 =	vadd.s32 v41, v29;
	v41 =	vld [tilespmem:$0x1FF90];
	v19 =	vadd.s32 v36, v19  }
0x11b: {  	v31 =	vadd.s32 v56, v31;
	v19 =	vadd.s32 v43, v19;
	v43 =	vld [tilespmem:$0x1FEA0]  }
0x11c: {  	v31 =	vadd.s32 v57, v31;
	[tilespmem:$0x1FF20] =	vst v3;
	v3 =	vld [tilespmem:$0x8AB0]  }
0x11d: {  	v31 =	vadd.s32 v58, v31;
	v58 =	vld [tilespmem:$0x8570]  }
0x11e: {  	v29 =	vadd.s32 v42, v29;
	v42 =	vld [tilespmem:$0x8670]  }
0x11f: {  	v53 =	vld [tilespmem:$0x1FF10]  }
0x120: {  	v29 =	vadd.s32 v43, v29;
	v43 =	vld [tilespmem:$0x1FFA0]  }
0x121: {  	[tilespmem:$0x1FF40] =	vst v3;
	v3 =	vld [tilespmem:$0x8B30]  }
0x122: {  	v29 =	vadd.s32 v44, v29;
	v44 =	vld [tilespmem:$0x1FFB0]  }
0x123: {  	v56 =	vld [tilespmem:$0x1FF30]  }
0x124: {  	v29 =	vadd.s32 v46, v29;
	v46 =	vld [tilespmem:$0x1FFC0]  }
0x125: {  	v29 =	vadd.s32 v47, v29;
	v47 =	vadd.s32 v52, v55;
	v52 =	vld [tilespmem:$0x8870]  }
0x126: {  	[tilespmem:$0x1FF60] =	vst v3;
	v3 =	vld [tilespmem:$0x8BB0]  }
0x127: {  	v55 =	vld [tilespmem:$0x8970]  }
0x128: {  	v29 =	vadd.s32 v50, v29;
	v50 =	vld [tilespmem:$0x87F0]  }
0x129: {  	v29 =	vadd.s32 v53, v29;
	v53 =	vld [tilespmem:$0x1FFF0]  }
0x12a: {  	v31 =	vadd.s32 v59, v31;
	v59 =	vld [tilespmem:$0x1FF50]  }
0x12b: {  	[tilespmem:$0x1FF70] =	vst v3;
	v3 =	vld [tilespmem:$0x84C0]  }
0x12c: {  	v21 =	vadd.s32 v21, v25;
	v49 =	vld [tilespmem:$0x1FEE0]  }
0x12d: {  	v21 =	vadd.s32 v26, v21;
	v26 =	vadd.s32 v58, v47;
	v51 =	vld [tilespmem:$0x1FF00]  }
0x12e: {  	v26 =	vadd.s32 v61, v26;
	v61 =	vld [tilespmem:$0x8B70]  }
0x12f: {  	v29 =	vadd.s32 v56, v29;
	v54 =	vld [tilespmem:$0x1FF20]  }
0x130: {  	v31 =	vadd.s32 v60, v31;
	v29 =	vadd.s32 v59, v29;
	v59 =	vld [tilespmem:$0x8A70];
	v3 =	vadd.s32 v4, v3  }
0x131: {  	v31 =	vadd.s32 v49, v31;
	v49 =	vld [tilespmem:$0x1FFD0];
	v3 =	vadd.s32 v5, v3  }
0x132: {  	v31 =	vadd.s32 v51, v31;
	v51 =	vld [tilespmem:$0x1FFE0];
	v3 =	vadd.s32 v6, v3  }
0x133: {  	v57 =	vld [tilespmem:$0x1FF40];
	v3 =	vadd.s32 v7, v3  }
0x134: {  	v31 =	vadd.s32 v54, v31;
	v54 =	vld [tilespmem:$0x88F0];
	v3 =	vadd.s32 v8, v3  }
0x135: {  	v60 =	vld [tilespmem:$0x1FF60];
	v3 =	vadd.s32 v12, v3  }
0x136: {  	v21 =	vadd.s32 v27, v21;
	v4 =	vld [tilespmem:$0x87E0];
	v3 =	vadd.s32 v15, v3  }
0x137: {  	v21 =	vadd.s32 v28, v21;
	v5 =	vld [tilespmem:$0x8860];
	v3 =	vadd.s32 v17, v3  }
0x138: {  	v21 =	vadd.s32 v30, v21;
	v18 =	vadd.s32 v33, v18;
	v6 =	vld [tilespmem:$0x88E0];
	v3 =	vadd.s32 v20, v3  }
0x139: {  	v21 =	vadd.s32 v32, v21;
	v7 =	vld [tilespmem:$0x8960];
	v3 =	vadd.s32 v37, v3;
	v37 =	vadd.s32 v41, v63  }
0x13a: {  	v18 =	vadd.s32 v34, v18;
	v3 =	vadd.s32 v45, v3;
	v37 =	vadd.s32 v44, v37;
	v45 =	vld [tilespmem:$0x86F0]  }
0x13b: {  	v18 =	vadd.s32 v35, v18;
	v3 =	vadd.s32 v48, v3;
	v37 =	vadd.s32 v46, v37;
	v48 =	vld [tilespmem:$0x8770]  }
0x13c: {  	v26 =	vadd.s32 v42, v26;
	v8 =	vld [tilespmem:$0x89E0];
	v4 =	vadd.s32 v4, v21;
	v34 =	vadd.s32 v49, v37  }
0x13d: {  	v31 =	vadd.s32 v57, v31;
	v12 =	vld [tilespmem:$0x8A60];
	v4 =	vadd.s32 v5, v4;
	v34 =	vadd.s32 v51, v34  }
0x13e: {  	v57 =	vld [tilespmem:$0x89F0];
	v31 =	vadd.s32 v60, v31;
	v4 =	vadd.s32 v6, v4;
	v34 =	vadd.s32 v53, v34  }
0x13f: {  	v3 =	vadd.s32 v62, v3;
	v62 =	vld [tilespmem:$0x1FF70];
	v10 =	vadd.s32 v10, v34;
	v25 =	vadd.s32 v45, v26  }
0x140: {  	v60 =	vld [tilespmem:$0x8AF0];
	v4 =	vadd.s32 v7, v4;
	v10 =	vadd.s32 v22, v10;
	v56 =	vadd.s32 v48, v25  }
0x141: {  	v15 =	vld [tilespmem:$0x8AE0];
	v4 =	vadd.s32 v8, v4;
	v10 =	vadd.s32 v23, v10;
	v58 =	vadd.s32 v50, v56  }
0x142: {  	v17 =	vld [tilespmem:$0x8B60];
	v4 =	vadd.s32 v12, v4;
	v10 =	vadd.s32 v24, v10;
	v5 =	vadd.s32 v52, v58  }
0x143: {  	[tilespmem:$0x8C10] =	vst v19;
	v20 =	vld [tilespmem:$0x8BE0];
	v3 =	vadd.s32 v40, v3;
	v10 =	vadd.s32 v16, v10;
	v5 =	vadd.s32 v54, v5  }
0x144: {  	[tilespmem:$0x8C00] =	vst v18;
	v31 =	vadd.s32 v62, v31;
	v62 =	vld [tilespmem:$0x8BF0];
	v9 =	vadd.s32 v9, v10;
	v5 =	vadd.s32 v55, v5  }
0x145: {  	[tilespmem:$0x8C20] =	vst v29;
	v3 =	vadd.s32 v43, v3;
	v9 =	vadd.s32 v14, v9;
	v5 =	vadd.s32 v57, v5  }
0x146: {  	v4 =	vadd.s32 v15, v4;
	[tilespmem:$0x8C40] =	vst v3;
	v9 =	vadd.s32 v13, v9;
	v5 =	vadd.s32 v59, v5  }
0x147: {  	v4 =	vadd.s32 v17, v4;
	[tilespmem:$0x8C30] =	vst v31;
	v3 =	vadd.s32 v11, v9;
	v5 =	vadd.s32 v60, v5  }
0x148: {  	[tilespmem:$0x8C50] =	vst v3;
	v3 =	vadd.s32 v20, v4;
	v63 =	vadd.s32 v61, v5  }
0x149: {  	[tilespmem:$0x8C60] =	vst v3;
	v3 =	vadd.s32 v62, v63  }
.Ltmp6:
0x14a: {  	[tilespmem:$0x8C70] =	vst v3;
	(pc) =	sbr.rel .LBB2_9-.Ltmp6, $4  }
0x14b: {  	[hbm4b:s7+s2] =	stream.linear.scatter [tilespmem:s15], [sflag:$0x1], $0x80, $0x38;
	[tilespmem:$0x9080] =	vst v63  }
0x14c: {  	_ =	swait.ge [sflag:s9], $0x80  }
0x14d: {  	[sflag:s9] =	ssyncset.done $0x0  }
0x14e: {  	[sflag:s9] =	ssyncadd.s32 $0xFFFFFF80  }
.LBB2_10:
0x14f: {  	_ =	sfence.sel $0x180000  }
0x150: {  	[bflag:$0x0] =	sbarrier.arrive $0xFFFF  }
0x151: {  	p0 =	sne.s32 s1, $0x0;
	_ =	strace $0x90000047  }
0x152: {  	s0 =	sadd.s32 @!p0 $0x100000, s0;
	[bflag:$0x2] =	sbarrier.arrive $0xFFFF  }
0x153: {  	[sflag:s0] =	ssyncadd.tile.s32 @!p0 $0x1;
	_ =	shalt  }
.Lfunc_end2:
_tile_overlayer_lowered:
.L_overlay_start_2:
0x154: {  	(tag) =	ssettag $0x2  }
0x155: {  	s0 =	rddreg [dreg:$0x0];
	s2 =	stileid.u32  }
0x156: {  	s1 =	rddreg [dreg:$0x1];
	p0 =	sne.s32 s2, $0x0  }
0x157: {  	s3 =	rddreg [dreg:$0x2];
	[bflag:$0x3] =	sbarrier.arrive $0xFFFF;
	s2 =	simm.s32 @!p0 $0x1C01  }
0x158: {  	[timem:s3], [sflag:s2] =	dma.local @!p0 [hbm:s0], s1  }
0x159: {  	s0 =	simm.s32 @!p0 $0x1  }
0x15a: {  	_ =	swait.ge @!p0 [sflag:s0], s1  }
0x15b: {  	s1 =	ssub.s32 @!p0 $0x0, s1;
	[sflag:s0] =	ssyncset.done @!p0 $0x0  }
0x15c: {  	[sflag:s0] =	ssyncadd.s32 @!p0 s1  }
0x15d: {  	[bflag:$0x3] =	sbarrier.arrive $0xFFFF  }
0x15e: {  	_ =	shalt  }

</sc_bundles>
